<compile_context>
chip_gen: v7x
topology: tpu7x:2x2x1
jax: 0.10.2.dev20260603
libtpu: 0.0.44.dev20260713+nightly
codegen_flags: <defaults>
</compile_context>

<pallas_src>
import functools

import jax
import jax.numpy as jnp
from jax import lax
from jax.experimental import pallas as pl
from jax.experimental.pallas import tpu as pltpu
from jax.experimental.pallas import tpu_sc as plsc

N = 10000
E = 320000
C = 128
G = 64
OUT = 64

NC = 2
NS = 16
NW = NC * NS
EPW = E // NW
K = 80
NCHUNK = EPW // K
NPAD = 10240
RPT = NPAD // NS

_mesh = plsc.VectorSubcoreMesh(core_axis_name="c", subcore_axis_name="s")



@functools.partial(
    pl.kernel,
    out_type=jax.ShapeDtypeStruct((NC, NPAD, C), jnp.float32),
    mesh=_mesh,
    scratch_types=[
        pltpu.VMEM((K, C), jnp.float32),
        pltpu.VMEM((NCHUNK, K), jnp.int32),
        pltpu.VMEM_SHARED((NPAD, C), jnp.float32),
        pltpu.SemaphoreType.DMA,
        pltpu.SemaphoreType.DMA,
    ],
)
def _deg(dst3_hbm, out_hbm, ones_v, didx, deg_sh, semA, semB):
    c = lax.axis_index("c")
    s = lax.axis_index("s")
    wid = c * NS + s
    z16 = jnp.zeros((16,), jnp.float32)
    ones16 = jnp.full((16,), 1.0, jnp.float32)

    @pl.loop(0, K)
    def _zero(i):
        for j in range(C // 16):
            ones_v[i, pl.ds(j * 16, 16)] = z16

    @pl.loop(0, RPT // K)
    def _zcopy(j):
        pltpu.sync_copy(ones_v, deg_sh.at[pl.ds(s * RPT + j * K, K)])

    pltpu.sync_copy(dst3_hbm.at[wid], didx)
    plsc.subcore_barrier()

    @pl.loop(0, K)
    def _ones(i):
        for j in range(C // 16):
            ones_v[i, pl.ds(j * 16, 16)] = ones16

    GD = 5
    NG = NCHUNK // GD

    def fire(g, sem):
        for t in range(GD):
            pltpu.async_copy(ones_v, deg_sh.at[didx.at[g * GD + t]], sem,
                             add=True)

    def drain(g, sem):
        for t in range(GD):
            pltpu.make_async_copy(ones_v, deg_sh.at[didx.at[g * GD + t]],
                                  sem).wait()

    fire(0, semA)

    @pl.loop(0, (NG - 1) // 2)
    def _grp(t2):
        g = t2 * 2
        fire(g + 1, semB)
        drain(g, semA)
        fire(g + 2, semA)
        drain(g + 1, semB)

    drain(NG - 1, semA)

    plsc.subcore_barrier()
    pltpu.sync_copy(deg_sh.at[pl.ds(s * RPT, RPT)],
                    out_hbm.at[c, pl.ds(s * RPT, RPT)])



@functools.partial(
    pl.kernel,
    out_type=jax.ShapeDtypeStruct((NC, NPAD, C), jnp.float32),
    mesh=_mesh,
    scratch_types=[
        pltpu.VMEM((K, C), jnp.float32),
        pltpu.VMEM((K, C), jnp.float32),
        pltpu.VMEM((EPW,), jnp.int32),
        pltpu.VMEM((NCHUNK, K), jnp.int32),
        pltpu.VMEM_SHARED((NPAD, C), jnp.float32),
        pltpu.SemaphoreType.DMA,
        pltpu.SemaphoreType.DMA,
    ],
)
def _prop(p_hbm, src_hbm, dst3_hbm, out_hbm, rows0, rows1, sidx, didx,
          acc_sh, sem0, sem1):
    c = lax.axis_index("c")
    s = lax.axis_index("s")
    wid = c * NS + s
    z16 = jnp.zeros((16,), jnp.float32)

    @pl.loop(0, K)
    def _zrows(i):
        for j in range(C // 16):
            rows0[i, pl.ds(j * 16, 16)] = z16

    for j in range(RPT // K):
        pltpu.async_copy(rows0, acc_sh.at[pl.ds(s * RPT + j * K, K)], sem1)
    pltpu.sync_copy(src_hbm.at[pl.ds(wid * EPW, EPW)], sidx)
    pltpu.sync_copy(dst3_hbm.at[wid], didx)
    for j in range(RPT // K):
        pltpu.make_async_copy(rows0, acc_sh.at[pl.ds(s * RPT + j * K, K)],
                              sem1).wait()
    plsc.subcore_barrier()

    def gather(j, buf, sem):
        return pltpu.async_copy(p_hbm.at[sidx.at[pl.ds(j * K, K)]], buf, sem)

    def gwait(j, buf, sem):
        pltpu.make_async_copy(p_hbm.at[sidx.at[pl.ds(j * K, K)]], buf,
                              sem).wait()

    def scatter(j, buf):
        pltpu.sync_copy(buf, acc_sh.at[didx.at[j]], add=True)

    gather(0, rows0, sem0)

    @pl.loop(0, (NCHUNK - 1) // 2)
    def _pipe(i2):
        i = i2 * 2
        gather(i + 1, rows1, sem1)
        gwait(i, rows0, sem0)
        scatter(i, rows0)
        gather(i + 2, rows0, sem0)
        gwait(i + 1, rows1, sem1)
        scatter(i + 1, rows1)

    gwait(NCHUNK - 1, rows0, sem0)
    scatter(NCHUNK - 1, rows0)

    plsc.subcore_barrier()
    pltpu.sync_copy(acc_sh.at[pl.ds(s * RPT, RPT)],
                    out_hbm.at[c, pl.ds(s * RPT, RPT)])



BR = 1000
GRID = N // BR


def _mm_body(x_ref, w_ref, m_ref):
    m_ref[...] = jnp.dot(x_ref[...], w_ref[...],
                         preferred_element_type=jnp.float32)


def _first_body(degp_ref, m_ref, p_ref, d_ref):
    deg = degp_ref[0, :, 0:1] + degp_ref[1, :, 0:1] + 1.0
    dv = lax.rsqrt(deg)
    p_ref[...] = m_ref[...] * dv
    d_ref[...] = dv


def _mid_body(accp_ref, p_ref, d_ref, b_ref, w_ref, pn_ref):
    sm = accp_ref[0] + accp_ref[1] + p_ref[...]
    h = jnp.maximum(sm * d_ref[...] + b_ref[...], 0.0)
    pn_ref[...] = jnp.dot(h, w_ref[...], preferred_element_type=jnp.float32) * d_ref[...]


def _final_body(accp_ref, p_ref, d_ref, b_ref, bt_ref, wl_ref, bl_ref,
                out_ref, pooled, cnt):
    i = pl.program_id(0)

    @pl.when(i == 0)
    def _():
        pooled[...] = jnp.zeros_like(pooled)
        cnt[...] = jnp.zeros_like(cnt)

    sm = accp_ref[0] + accp_ref[1] + p_ref[...]
    h = jnp.maximum(sm * d_ref[...] + b_ref[...], 0.0)
    bt = bt_ref[0]
    gid = lax.broadcasted_iota(jnp.int32, (G, BR), 0)
    oh = (gid == bt).astype(jnp.float32)
    pooled[...] += jnp.dot(oh, h, preferred_element_type=jnp.float32)
    cnt[...] += jnp.broadcast_to(jnp.sum(oh, axis=1, keepdims=True), (G, C))

    @pl.when(i == GRID - 1)
    def _():
        mean = pooled[...] / jnp.maximum(cnt[...], 1.0)
        out_ref[...] = jnp.dot(mean, wl_ref[...],
                               preferred_element_type=jnp.float32) + bl_ref[...]


def _mk_mm():
    return pl.pallas_call(
        _mm_body,
        grid=(GRID,),
        in_specs=[
            pl.BlockSpec((BR, C), lambda i: (i, 0)),
            pl.BlockSpec((C, C), lambda i: (0, 0)),
        ],
        out_specs=pl.BlockSpec((BR, C), lambda i: (i, 0)),
        out_shape=jax.ShapeDtypeStruct((N, C), jnp.float32),
    )


def _mk_first():
    return pl.pallas_call(
        _first_body,
        grid=(GRID,),
        in_specs=[
            pl.BlockSpec((NC, BR, C), lambda i: (0, i, 0)),
            pl.BlockSpec((BR, C), lambda i: (i, 0)),
        ],
        out_specs=[
            pl.BlockSpec((BR, C), lambda i: (i, 0)),
            pl.BlockSpec((BR, 1), lambda i: (i, 0)),
        ],
        out_shape=[
            jax.ShapeDtypeStruct((N, C), jnp.float32),
            jax.ShapeDtypeStruct((N, 1), jnp.float32),
        ],
    )


def _mk_mid():
    return pl.pallas_call(
        _mid_body,
        grid=(GRID,),
        in_specs=[
            pl.BlockSpec((NC, BR, C), lambda i: (0, i, 0)),
            pl.BlockSpec((BR, C), lambda i: (i, 0)),
            pl.BlockSpec((BR, 1), lambda i: (i, 0)),
            pl.BlockSpec((1, C), lambda i: (0, 0)),
            pl.BlockSpec((C, C), lambda i: (0, 0)),
        ],
        out_specs=pl.BlockSpec((BR, C), lambda i: (i, 0)),
        out_shape=jax.ShapeDtypeStruct((N, C), jnp.float32),
    )


def _mk_final():
    return pl.pallas_call(
        _final_body,
        grid=(GRID,),
        in_specs=[
            pl.BlockSpec((NC, BR, C), lambda i: (0, i, 0)),
            pl.BlockSpec((BR, C), lambda i: (i, 0)),
            pl.BlockSpec((BR, 1), lambda i: (i, 0)),
            pl.BlockSpec((1, C), lambda i: (0, 0)),
            pl.BlockSpec((1, 1, BR), lambda i: (i, 0, 0)),
            pl.BlockSpec((C, OUT), lambda i: (0, 0)),
            pl.BlockSpec((1, OUT), lambda i: (0, 0)),
        ],
        out_specs=pl.BlockSpec((G, OUT), lambda i: (0, 0)),
        out_shape=jax.ShapeDtypeStruct((G, OUT), jnp.float32),
        scratch_shapes=[
            pltpu.VMEM((G, C), jnp.float32),
            pltpu.VMEM((G, C), jnp.float32),
        ],
    )


def kernel(x, edge_index, batch, W1, b1, W2, b2, W3, b3, Wl, bl):
    src = edge_index[0]
    dst3 = edge_index[1].reshape(NW, NCHUNK, K)
    bt3 = batch.reshape(GRID, 1, BR)

    degp = _deg(dst3)
    m1 = _mk_mm()(x, W1)

    p1, d = _mk_first()(degp, m1)
    acc1 = _prop(p1, src, dst3)
    p2 = _mk_mid()(acc1, p1, d, b1.reshape(1, C), W2)
    acc2 = _prop(p2, src, dst3)
    p3 = _mk_mid()(acc2, p2, d, b2.reshape(1, C), W3)
    acc3 = _prop(p3, src, dst3)
    out = _mk_final()(acc3, p3, d, b3.reshape(1, C), bt3, Wl,
                      bl.reshape(1, OUT))
    return out

# --- scband reference (transcript-rebuilt; emitter-appended) ---
"""Pipeline reference for scband-gcn-26783416058161 (READ-ONLY COPY).

The authoritative reference and input builder live on the scoring server;
editing this copy changes nothing except your own understanding.
"""

import jax, jax.numpy as jnp
import numpy as np

N_NODES = 10000
N_EDGES = 320000
IN_CH = 128
HID_CH = 128
OUT_CH = 64
NUM_GRAPHS = 64


def _gcn_conv(x, edge_index, W, b, num_nodes):
    # GCNConv: x' = D^{-1/2} (A + I) D^{-1/2} X W + b
    src = edge_index[0]
    dst = edge_index[1]
    self_idx = jnp.arange(num_nodes, dtype=src.dtype)
    src = jnp.concatenate([src, self_idx])
    dst = jnp.concatenate([dst, self_idx])
    deg = jnp.zeros((num_nodes,), dtype=x.dtype).at[dst].add(1.0)
    deg_inv_sqrt = jnp.where(deg > 0, jax.lax.rsqrt(jnp.maximum(deg, 1e-12)), 0.0)
    norm = deg_inv_sqrt[src] * deg_inv_sqrt[dst]
    h = x @ W  # linear transform first (PyG GCNConv)
    msg = h[src] * norm[:, None]  # gather (SparseCore)
    out = jnp.zeros((num_nodes, W.shape[1]), dtype=x.dtype).at[dst].add(msg)  # scatter-add
    return out + b


def _global_mean_pool(x, batch, num_graphs):
    sums = jax.ops.segment_sum(x, batch, num_segments=num_graphs)
    counts = jax.ops.segment_sum(jnp.ones((x.shape[0],), dtype=x.dtype), batch, num_segments=num_graphs)
    counts = jnp.maximum(counts, 1.0)
    return sums / counts[:, None]


def setup_inputs(seed: int = 0) -> dict:
    key = jax.random.key(seed)
    ks = jax.random.split(key, 12)
    x = jax.random.normal(ks[0], (N_NODES, IN_CH), dtype=jnp.float32)
    edge_index = jax.random.randint(ks[1], (2, N_EDGES), 0, N_NODES, dtype=jnp.int64 if jax.config.jax_enable_x64 else jnp.int32).astype(jnp.int32)
    batch = jnp.sort(jax.random.randint(ks[2], (N_NODES,), 0, NUM_GRAPHS)).astype(jnp.int32)
    def glorot(k, fan_in, fan_out):
        s = float(np.sqrt(6.0 / (fan_in + fan_out)))
        return jax.random.uniform(k, (fan_in, fan_out), dtype=jnp.float32, minval=-s, maxval=s)
    W1 = glorot(ks[3], IN_CH, HID_CH)
    b1 = jnp.zeros((HID_CH,), dtype=jnp.float32)
    W2 = glorot(ks[4], HID_CH, HID_CH)
    b2 = jnp.zeros((HID_CH,), dtype=jnp.float32)
    W3 = glorot(ks[5], HID_CH, HID_CH)
    b3 = jnp.zeros((HID_CH,), dtype=jnp.float32)
    Wl = glorot(ks[6], HID_CH, OUT_CH)
    bl = jnp.zeros((OUT_CH,), dtype=jnp.float32)
    return {"x": x, "edge_index": edge_index, "batch": batch,
            "W1": W1, "b1": b1, "W2": W2, "b2": b2, "W3": W3, "b3": b3,
            "Wl": Wl, "bl": bl}


def reference(x, edge_index, batch, W1, b1, W2, b2, W3, b3, Wl, bl):
    h = jax.nn.relu(_gcn_conv(x, edge_index, W1, b1, N_NODES))
    h = jax.nn.relu(_gcn_conv(h, edge_index, W2, b2, N_NODES))
    h = jax.nn.relu(_gcn_conv(h, edge_index, W3, b3, N_NODES))
    pooled = _global_mean_pool(h, batch, NUM_GRAPHS)
    out = pooled @ Wl + bl
    return out

if __name__ == "__main__":
    import jax
    _d = setup_inputs()
    print(jax.jit(kernel)(*tuple(_d.values())))

</pallas_src>

<mosaic_0001>
#map = affine_map<(d0, d1) -> (0, 0)>
#map1 = affine_map<(d0, d1) -> (0)>
#map2 = affine_map<(d0, d1) -> (0, 0, 0)>
module attributes {stable_mosaic.version = 14 : i64} {
  func.func @_prop(%arg0: i32, %arg1: i32, %arg2: memref<10000x128xf32, #tpu.memory_space<hbm>>, %arg3: memref<320000xi32, #tpu.memory_space<hbm>>, %arg4: memref<32x125x80xi32, #tpu.memory_space<hbm>>, %arg5: memref<2x10240x128xf32, #tpu.memory_space<hbm>>, %arg6: memref<80x128xf32, #tpu.memory_space<vmem>>, %arg7: memref<80x128xf32, #tpu.memory_space<vmem>>, %arg8: memref<10000xi32, #tpu.memory_space<vmem>>, %arg9: memref<125x80xi32, #tpu.memory_space<vmem>>, %arg10: memref<10240x128xf32, #tpu.memory_space<vmem_shared>>, %arg11: memref<!tpu.dma_semaphore, #tpu.memory_space<semaphore_mem>>, %arg12: memref<!tpu.dma_semaphore, #tpu.memory_space<semaphore_mem>>) attributes {dimension_semantics = [#tpu.dimension_semantics<core_parallel>, #tpu.dimension_semantics<subcore_parallel>], iteration_bounds = array<i64: 2, 16>, scalar_prefetch = 0 : i64, scratch_operands = 7 : i64, tpu.core_type = #tpu.core_type<sc_vector_subcore>, window_params = [{transform_indices = #map}, {transform_indices = #map1}, {transform_indices = #map2}, {transform_indices = #map2}]} {
    %mul3A = arith.constant 16 : i32
    %mul3A_0 = arith.muli %arg0, %mul3A : i32
    %add3A = arith.addi %mul3A_0, %arg1 : i32
    %broadcast_in_dim3A = arith.constant 0.000000e+00 : f32
    %broadcast_in_dim3A_1 = vector.broadcast %broadcast_in_dim3A : f32 to vector<16xf32>
    %scan3A = arith.constant 0 : i32
    %scan3A_2 = arith.constant 80 : i32
    %scan3A_3 = arith.addi %scan3A, %scan3A_2 : i32
    %scan3A_4 = arith.constant 1 : i32
    scf.for %scan3A_154 = %scan3A to %scan3A_3 step %scan3A_4  : i32 {
      %mul3A_155 = arith.constant 1 : i32
      %mul3A_156 = arith.muli %scan3A_154, %mul3A_155 : i32
      %add3A_157 = arith.constant 0 : i32
      %add3A_158 = arith.addi %add3A_157, %mul3A_156 : i32
      %swap3A = arith.index_cast %add3A_158 : i32 to index
      %swap3A_159 = arith.constant 0 : index
      %swap3A_160 = tpu.vector_load %arg6[%swap3A, %swap3A_159] {strides = array<i32>} : memref<80x128xf32, #tpu.memory_space<vmem>>, vector<1x16xf32>,
      %swap3A_161 = vector.shape_cast %swap3A_160 : vector<1x16xf32> to vector<16xf32>
      %swap3A_162 = vector.shape_cast %broadcast_in_dim3A_1 : vector<16xf32> to vector<1x16xf32>
      tpu.vector_store %arg6[%swap3A, %swap3A_159], %swap3A_162 {strides = array<i32>} : memref<80x128xf32, #tpu.memory_space<vmem>>, vector<1x16xf32>,
      %swap3A_163 = arith.index_cast %add3A_158 : i32 to index
      %swap3A_164 = arith.constant 16 : index
      %swap3A_165 = tpu.vector_load %arg6[%swap3A_163, %swap3A_164] {strides = array<i32>} : memref<80x128xf32, #tpu.memory_space<vmem>>, vector<1x16xf32>,
      %swap3A_166 = vector.shape_cast %swap3A_165 : vector<1x16xf32> to vector<16xf32>
      %swap3A_167 = vector.shape_cast %broadcast_in_dim3A_1 : vector<16xf32> to vector<1x16xf32>
      tpu.vector_store %arg6[%swap3A_163, %swap3A_164], %swap3A_167 {strides = array<i32>} : memref<80x128xf32, #tpu.memory_space<vmem>>, vector<1x16xf32>,
      %swap3A_168 = arith.index_cast %add3A_158 : i32 to index
      %swap3A_169 = arith.constant 32 : index
      %swap3A_170 = tpu.vector_load %arg6[%swap3A_168, %swap3A_169] {strides = array<i32>} : memref<80x128xf32, #tpu.memory_space<vmem>>, vector<1x16xf32>,
      %swap3A_171 = vector.shape_cast %swap3A_170 : vector<1x16xf32> to vector<16xf32>
      %swap3A_172 = vector.shape_cast %broadcast_in_dim3A_1 : vector<16xf32> to vector<1x16xf32>
      tpu.vector_store %arg6[%swap3A_168, %swap3A_169], %swap3A_172 {strides = array<i32>} : memref<80x128xf32, #tpu.memory_space<vmem>>, vector<1x16xf32>,
      %swap3A_173 = arith.index_cast %add3A_158 : i32 to index
      %swap3A_174 = arith.constant 48 : index
      %swap3A_175 = tpu.vector_load %arg6[%swap3A_173, %swap3A_174] {strides = array<i32>} : memref<80x128xf32, #tpu.memory_space<vmem>>, vector<1x16xf32>,
      %swap3A_176 = vector.shape_cast %swap3A_175 : vector<1x16xf32> to vector<16xf32>
      %swap3A_177 = vector.shape_cast %broadcast_in_dim3A_1 : vector<16xf32> to vector<1x16xf32>
      tpu.vector_store %arg6[%swap3A_173, %swap3A_174], %swap3A_177 {strides = array<i32>} : memref<80x128xf32, #tpu.memory_space<vmem>>, vector<1x16xf32>,
      %swap3A_178 = arith.index_cast %add3A_158 : i32 to index
      %swap3A_179 = arith.constant 64 : index
      %swap3A_180 = tpu.vector_load %arg6[%swap3A_178, %swap3A_179] {strides = array<i32>} : memref<80x128xf32, #tpu.memory_space<vmem>>, vector<1x16xf32>,
      %swap3A_181 = vector.shape_cast %swap3A_180 : vector<1x16xf32> to vector<16xf32>
      %swap3A_182 = vector.shape_cast %broadcast_in_dim3A_1 : vector<16xf32> to vector<1x16xf32>
      tpu.vector_store %arg6[%swap3A_178, %swap3A_179], %swap3A_182 {strides = array<i32>} : memref<80x128xf32, #tpu.memory_space<vmem>>, vector<1x16xf32>,
      %swap3A_183 = arith.index_cast %add3A_158 : i32 to index
      %swap3A_184 = arith.constant 80 : index
      %swap3A_185 = tpu.vector_load %arg6[%swap3A_183, %swap3A_184] {strides = array<i32>} : memref<80x128xf32, #tpu.memory_space<vmem>>, vector<1x16xf32>,
      %swap3A_186 = vector.shape_cast %swap3A_185 : vector<1x16xf32> to vector<16xf32>
      %swap3A_187 = vector.shape_cast %broadcast_in_dim3A_1 : vector<16xf32> to vector<1x16xf32>
      tpu.vector_store %arg6[%swap3A_183, %swap3A_184], %swap3A_187 {strides = array<i32>} : memref<80x128xf32, #tpu.memory_space<vmem>>, vector<1x16xf32>,
      %swap3A_188 = arith.index_cast %add3A_158 : i32 to index
      %swap3A_189 = arith.constant 96 : index
      %swap3A_190 = tpu.vector_load %arg6[%swap3A_188, %swap3A_189] {strides = array<i32>} : memref<80x128xf32, #tpu.memory_space<vmem>>, vector<1x16xf32>,
      %swap3A_191 = vector.shape_cast %swap3A_190 : vector<1x16xf32> to vector<16xf32>
      %swap3A_192 = vector.shape_cast %broadcast_in_dim3A_1 : vector<16xf32> to vector<1x16xf32>
      tpu.vector_store %arg6[%swap3A_188, %swap3A_189], %swap3A_192 {strides = array<i32>} : memref<80x128xf32, #tpu.memory_space<vmem>>, vector<1x16xf32>,
      %swap3A_193 = arith.index_cast %add3A_158 : i32 to index
      %swap3A_194 = arith.constant 112 : index
      %swap3A_195 = tpu.vector_load %arg6[%swap3A_193, %swap3A_194] {strides = array<i32>} : memref<80x128xf32, #tpu.memory_space<vmem>>, vector<1x16xf32>,
      %swap3A_196 = vector.shape_cast %swap3A_195 : vector<1x16xf32> to vector<16xf32>
      %swap3A_197 = vector.shape_cast %broadcast_in_dim3A_1 : vector<16xf32> to vector<1x16xf32>
      tpu.vector_store %arg6[%swap3A_193, %swap3A_194], %swap3A_197 {strides = array<i32>} : memref<80x128xf32, #tpu.memory_space<vmem>>, vector<1x16xf32>,
    }
    %scan3A_5 = arith.constant 80 : i32
    %mul3A_6 = arith.constant 640 : i32
    %mul3A_7 = arith.muli %arg1, %mul3A_6 : i32
    %add3A_8 = arith.constant 0 : i32
    %add3A_9 = arith.addi %mul3A_7, %add3A_8 : i32
    %dma_start3A = arith.constant 0 : i32
    %dma_start3A_10 = tpu.memref_slice %arg10[%add3A_9, %dma_start3A] : memref<10240x128xf32, #tpu.memory_space<vmem_shared>> -> memref<80x128xf32, #tpu.memory_space<vmem_shared>>
    %dma_start3A_11 = arith.constant 0 : i32
    %dma_start3A_12 = tpu.memref_slice %arg10[%add3A_9, %dma_start3A_11] : memref<10240x128xf32, #tpu.memory_space<vmem_shared>> -> memref<80x128xf32, #tpu.memory_space<vmem_shared>>
    tpu.enqueue_dma source(%arg6 : memref<80x128xf32, #tpu.memory_space<vmem>>) target(%dma_start3A_12 : memref<80x128xf32, #tpu.memory_space<vmem_shared>>) target_semaphore(%arg12 : memref<!tpu.dma_semaphore, #tpu.memory_space<semaphore_mem>>)
    %mul3A_13 = arith.constant 640 : i32
    %mul3A_14 = arith.muli %arg1, %mul3A_13 : i32
    %add3A_15 = arith.constant 80 : i32
    %add3A_16 = arith.addi %mul3A_14, %add3A_15 : i32
    %dma_start3A_17 = arith.constant 0 : i32
    %dma_start3A_18 = tpu.memref_slice %arg10[%add3A_16, %dma_start3A_17] : memref<10240x128xf32, #tpu.memory_space<vmem_shared>> -> memref<80x128xf32, #tpu.memory_space<vmem_shared>>
    %dma_start3A_19 = arith.constant 0 : i32
    %dma_start3A_20 = tpu.memref_slice %arg10[%add3A_16, %dma_start3A_19] : memref<10240x128xf32, #tpu.memory_space<vmem_shared>> -> memref<80x128xf32, #tpu.memory_space<vmem_shared>>
    tpu.enqueue_dma source(%arg6 : memref<80x128xf32, #tpu.memory_space<vmem>>) target(%dma_start3A_20 : memref<80x128xf32, #tpu.memory_space<vmem_shared>>) target_semaphore(%arg12 : memref<!tpu.dma_semaphore, #tpu.memory_space<semaphore_mem>>)
    %mul3A_21 = arith.constant 640 : i32
    %mul3A_22 = arith.muli %arg1, %mul3A_21 : i32
    %add3A_23 = arith.constant 160 : i32
    %add3A_24 = arith.addi %mul3A_22, %add3A_23 : i32
    %dma_start3A_25 = arith.constant 0 : i32
    %dma_start3A_26 = tpu.memref_slice %arg10[%add3A_24, %dma_start3A_25] : memref<10240x128xf32, #tpu.memory_space<vmem_shared>> -> memref<80x128xf32, #tpu.memory_space<vmem_shared>>
    %dma_start3A_27 = arith.constant 0 : i32
    %dma_start3A_28 = tpu.memref_slice %arg10[%add3A_24, %dma_start3A_27] : memref<10240x128xf32, #tpu.memory_space<vmem_shared>> -> memref<80x128xf32, #tpu.memory_space<vmem_shared>>
    tpu.enqueue_dma source(%arg6 : memref<80x128xf32, #tpu.memory_space<vmem>>) target(%dma_start3A_28 : memref<80x128xf32, #tpu.memory_space<vmem_shared>>) target_semaphore(%arg12 : memref<!tpu.dma_semaphore, #tpu.memory_space<semaphore_mem>>)
    %mul3A_29 = arith.constant 640 : i32
    %mul3A_30 = arith.muli %arg1, %mul3A_29 : i32
    %add3A_31 = arith.constant 240 : i32
    %add3A_32 = arith.addi %mul3A_30, %add3A_31 : i32
    %dma_start3A_33 = arith.constant 0 : i32
    %dma_start3A_34 = tpu.memref_slice %arg10[%add3A_32, %dma_start3A_33] : memref<10240x128xf32, #tpu.memory_space<vmem_shared>> -> memref<80x128xf32, #tpu.memory_space<vmem_shared>>
    %dma_start3A_35 = arith.constant 0 : i32
    %dma_start3A_36 = tpu.memref_slice %arg10[%add3A_32, %dma_start3A_35] : memref<10240x128xf32, #tpu.memory_space<vmem_shared>> -> memref<80x128xf32, #tpu.memory_space<vmem_shared>>
    tpu.enqueue_dma source(%arg6 : memref<80x128xf32, #tpu.memory_space<vmem>>) target(%dma_start3A_36 : memref<80x128xf32, #tpu.memory_space<vmem_shared>>) target_semaphore(%arg12 : memref<!tpu.dma_semaphore, #tpu.memory_space<semaphore_mem>>)
    %mul3A_37 = arith.constant 640 : i32
    %mul3A_38 = arith.muli %arg1, %mul3A_37 : i32
    %add3A_39 = arith.constant 320 : i32
    %add3A_40 = arith.addi %mul3A_38, %add3A_39 : i32
    %dma_start3A_41 = arith.constant 0 : i32
    %dma_start3A_42 = tpu.memref_slice %arg10[%add3A_40, %dma_start3A_41] : memref<10240x128xf32, #tpu.memory_space<vmem_shared>> -> memref<80x128xf32, #tpu.memory_space<vmem_shared>>
    %dma_start3A_43 = arith.constant 0 : i32
    %dma_start3A_44 = tpu.memref_slice %arg10[%add3A_40, %dma_start3A_43] : memref<10240x128xf32, #tpu.memory_space<vmem_shared>> -> memref<80x128xf32, #tpu.memory_space<vmem_shared>>
    tpu.enqueue_dma source(%arg6 : memref<80x128xf32, #tpu.memory_space<vmem>>) target(%dma_start3A_44 : memref<80x128xf32, #tpu.memory_space<vmem_shared>>) target_semaphore(%arg12 : memref<!tpu.dma_semaphore, #tpu.memory_space<semaphore_mem>>)
    %mul3A_45 = arith.constant 640 : i32
    %mul3A_46 = arith.muli %arg1, %mul3A_45 : i32
    %add3A_47 = arith.constant 400 : i32
    %add3A_48 = arith.addi %mul3A_46, %add3A_47 : i32
    %dma_start3A_49 = arith.constant 0 : i32
    %dma_start3A_50 = tpu.memref_slice %arg10[%add3A_48, %dma_start3A_49] : memref<10240x128xf32, #tpu.memory_space<vmem_shared>> -> memref<80x128xf32, #tpu.memory_space<vmem_shared>>
    %dma_start3A_51 = arith.constant 0 : i32
    %dma_start3A_52 = tpu.memref_slice %arg10[%add3A_48, %dma_start3A_51] : memref<10240x128xf32, #tpu.memory_space<vmem_shared>> -> memref<80x128xf32, #tpu.memory_space<vmem_shared>>
    tpu.enqueue_dma source(%arg6 : memref<80x128xf32, #tpu.memory_space<vmem>>) target(%dma_start3A_52 : memref<80x128xf32, #tpu.memory_space<vmem_shared>>) target_semaphore(%arg12 : memref<!tpu.dma_semaphore, #tpu.memory_space<semaphore_mem>>)
    %mul3A_53 = arith.constant 640 : i32
    %mul3A_54 = arith.muli %arg1, %mul3A_53 : i32
    %add3A_55 = arith.constant 480 : i32
    %add3A_56 = arith.addi %mul3A_54, %add3A_55 : i32
    %dma_start3A_57 = arith.constant 0 : i32
    %dma_start3A_58 = tpu.memref_slice %arg10[%add3A_56, %dma_start3A_57] : memref<10240x128xf32, #tpu.memory_space<vmem_shared>> -> memref<80x128xf32, #tpu.memory_space<vmem_shared>>
    %dma_start3A_59 = arith.constant 0 : i32
    %dma_start3A_60 = tpu.memref_slice %arg10[%add3A_56, %dma_start3A_59] : memref<10240x128xf32, #tpu.memory_space<vmem_shared>> -> memref<80x128xf32, #tpu.memory_space<vmem_shared>>
    tpu.enqueue_dma source(%arg6 : memref<80x128xf32, #tpu.memory_space<vmem>>) target(%dma_start3A_60 : memref<80x128xf32, #tpu.memory_space<vmem_shared>>) target_semaphore(%arg12 : memref<!tpu.dma_semaphore, #tpu.memory_space<semaphore_mem>>)
    %mul3A_61 = arith.constant 640 : i32
    %mul3A_62 = arith.muli %arg1, %mul3A_61 : i32
    %add3A_63 = arith.constant 560 : i32
    %add3A_64 = arith.addi %mul3A_62, %add3A_63 : i32
    %dma_start3A_65 = arith.constant 0 : i32
    %dma_start3A_66 = tpu.memref_slice %arg10[%add3A_64, %dma_start3A_65] : memref<10240x128xf32, #tpu.memory_space<vmem_shared>> -> memref<80x128xf32, #tpu.memory_space<vmem_shared>>
    %dma_start3A_67 = arith.constant 0 : i32
    %dma_start3A_68 = tpu.memref_slice %arg10[%add3A_64, %dma_start3A_67] : memref<10240x128xf32, #tpu.memory_space<vmem_shared>> -> memref<80x128xf32, #tpu.memory_space<vmem_shared>>
    tpu.enqueue_dma source(%arg6 : memref<80x128xf32, #tpu.memory_space<vmem>>) target(%dma_start3A_68 : memref<80x128xf32, #tpu.memory_space<vmem_shared>>) target_semaphore(%arg12 : memref<!tpu.dma_semaphore, #tpu.memory_space<semaphore_mem>>)
    %mul3A_69 = arith.constant 10000 : i32
    %mul3A_70 = arith.muli %add3A, %mul3A_69 : i32
    "tpu.region"() ({
      %run_scoped3A_154 = tpu.sem_alloc : memref<!tpu.dma_semaphore, #tpu.memory_space<semaphore_mem>>
      %dma_start3A_155 = tpu.memref_slice %arg3[%mul3A_70] : memref<320000xi32, #tpu.memory_space<hbm>> -> memref<10000xi32, #tpu.memory_space<hbm>>
      %dma_start3A_156 = tpu.memref_slice %arg3[%mul3A_70] : memref<320000xi32, #tpu.memory_space<hbm>> -> memref<10000xi32, #tpu.memory_space<hbm>>
      tpu.enqueue_dma source(%dma_start3A_156 : memref<10000xi32, #tpu.memory_space<hbm>>) target(%arg8 : memref<10000xi32, #tpu.memory_space<vmem>>) target_semaphore(%run_scoped3A_154 : memref<!tpu.dma_semaphore, #tpu.memory_space<semaphore_mem>>)
      %dma_wait3A_157 = tpu.memref_slice %arg3[%mul3A_70] : memref<320000xi32, #tpu.memory_space<hbm>> -> memref<10000xi32, #tpu.memory_space<hbm>>
      %dma_wait3A_158 = tpu.memref_slice %arg3[%mul3A_70] : memref<320000xi32, #tpu.memory_space<hbm>> -> memref<10000xi32, #tpu.memory_space<hbm>>
      tpu.wait_dma2 semaphore(%run_scoped3A_154 : memref<!tpu.dma_semaphore, #tpu.memory_space<semaphore_mem>>) src(%dma_wait3A_158 : memref<10000xi32, #tpu.memory_space<hbm>>) dst(%arg8 : memref<10000xi32, #tpu.memory_space<vmem>>)
      tpu.yield
    }) : () -> ()
    "tpu.region"() ({
      %run_scoped3A_154 = tpu.sem_alloc : memref<!tpu.dma_semaphore, #tpu.memory_space<semaphore_mem>>
      %dma_start3A_155 = arith.constant 0 : i32
      %dma_start3A_156 = arith.constant 0 : i32
      %dma_start3A_157 = tpu.memref_slice %arg4[%add3A, %dma_start3A_155, %dma_start3A_156] : memref<32x125x80xi32, #tpu.memory_space<hbm>> -> memref<1x125x80xi32, #tpu.memory_space<hbm>>
      %dma_start3A_158 = tpu.memref_squeeze %dma_start3A_157 : memref<1x125x80xi32, #tpu.memory_space<hbm>> -> memref<125x80xi32, #tpu.memory_space<hbm>>
      %dma_start3A_159 = arith.constant 0 : i32
      %dma_start3A_160 = arith.constant 0 : i32
      %dma_start3A_161 = tpu.memref_slice %arg4[%add3A, %dma_start3A_159, %dma_start3A_160] : memref<32x125x80xi32, #tpu.memory_space<hbm>> -> memref<1x125x80xi32, #tpu.memory_space<hbm>>
      %dma_start3A_162 = tpu.memref_squeeze %dma_start3A_161 : memref<1x125x80xi32, #tpu.memory_space<hbm>> -> memref<125x80xi32, #tpu.memory_space<hbm>>
      tpu.enqueue_dma source(%dma_start3A_162 : memref<125x80xi32, #tpu.memory_space<hbm>>) target(%arg9 : memref<125x80xi32, #tpu.memory_space<vmem>>) target_semaphore(%run_scoped3A_154 : memref<!tpu.dma_semaphore, #tpu.memory_space<semaphore_mem>>)
      %dma_wait3A_163 = arith.constant 0 : i32
      %dma_wait3A_164 = arith.constant 0 : i32
      %dma_wait3A_165 = tpu.memref_slice %arg4[%add3A, %dma_wait3A_163, %dma_wait3A_164] : memref<32x125x80xi32, #tpu.memory_space<hbm>> -> memref<1x125x80xi32, #tpu.memory_space<hbm>>
      %dma_wait3A_166 = tpu.memref_squeeze %dma_wait3A_165 : memref<1x125x80xi32, #tpu.memory_space<hbm>> -> memref<125x80xi32, #tpu.memory_space<hbm>>
      %dma_wait3A_167 = arith.constant 0 : i32
      %dma_wait3A_168 = arith.constant 0 : i32
      %dma_wait3A_169 = tpu.memref_slice %arg4[%add3A, %dma_wait3A_167, %dma_wait3A_168] : memref<32x125x80xi32, #tpu.memory_space<hbm>> -> memref<1x125x80xi32, #tpu.memory_space<hbm>>
      %dma_wait3A_170 = tpu.memref_squeeze %dma_wait3A_169 : memref<1x125x80xi32, #tpu.memory_space<hbm>> -> memref<125x80xi32, #tpu.memory_space<hbm>>
      tpu.wait_dma2 semaphore(%run_scoped3A_154 : memref<!tpu.dma_semaphore, #tpu.memory_space<semaphore_mem>>) src(%dma_wait3A_170 : memref<125x80xi32, #tpu.memory_space<hbm>>) dst(%arg9 : memref<125x80xi32, #tpu.memory_space<vmem>>)
      tpu.yield
    }) : () -> ()
    %mul3A_71 = arith.constant 640 : i32
    %mul3A_72 = arith.muli %arg1, %mul3A_71 : i32
    %add3A_73 = arith.constant 0 : i32
    %add3A_74 = arith.addi %mul3A_72, %add3A_73 : i32
    %dma_wait3A = arith.constant 0 : i32
    %dma_wait3A_75 = tpu.memref_slice %arg10[%add3A_74, %dma_wait3A] : memref<10240x128xf32, #tpu.memory_space<vmem_shared>> -> memref<80x128xf32, #tpu.memory_space<vmem_shared>>
    %dma_wait3A_76 = arith.constant 0 : i32
    %dma_wait3A_77 = tpu.memref_slice %arg10[%add3A_74, %dma_wait3A_76] : memref<10240x128xf32, #tpu.memory_space<vmem_shared>> -> memref<80x128xf32, #tpu.memory_space<vmem_shared>>
    tpu.wait_dma2 semaphore(%arg12 : memref<!tpu.dma_semaphore, #tpu.memory_space<semaphore_mem>>) src(%arg6 : memref<80x128xf32, #tpu.memory_space<vmem>>) dst(%dma_wait3A_77 : memref<80x128xf32, #tpu.memory_space<vmem_shared>>)
    %mul3A_78 = arith.constant 640 : i32
    %mul3A_79 = arith.muli %arg1, %mul3A_78 : i32
    %add3A_80 = arith.constant 80 : i32
    %add3A_81 = arith.addi %mul3A_79, %add3A_80 : i32
    %dma_wait3A_82 = arith.constant 0 : i32
    %dma_wait3A_83 = tpu.memref_slice %arg10[%add3A_81, %dma_wait3A_82] : memref<10240x128xf32, #tpu.memory_space<vmem_shared>> -> memref<80x128xf32, #tpu.memory_space<vmem_shared>>
    %dma_wait3A_84 = arith.constant 0 : i32
    %dma_wait3A_85 = tpu.memref_slice %arg10[%add3A_81, %dma_wait3A_84] : memref<10240x128xf32, #tpu.memory_space<vmem_shared>> -> memref<80x128xf32, #tpu.memory_space<vmem_shared>>
    tpu.wait_dma2 semaphore(%arg12 : memref<!tpu.dma_semaphore, #tpu.memory_space<semaphore_mem>>) src(%arg6 : memref<80x128xf32, #tpu.memory_space<vmem>>) dst(%dma_wait3A_85 : memref<80x128xf32, #tpu.memory_space<vmem_shared>>)
    %mul3A_86 = arith.constant 640 : i32
    %mul3A_87 = arith.muli %arg1, %mul3A_86 : i32
    %add3A_88 = arith.constant 160 : i32
    %add3A_89 = arith.addi %mul3A_87, %add3A_88 : i32
    %dma_wait3A_90 = arith.constant 0 : i32
    %dma_wait3A_91 = tpu.memref_slice %arg10[%add3A_89, %dma_wait3A_90] : memref<10240x128xf32, #tpu.memory_space<vmem_shared>> -> memref<80x128xf32, #tpu.memory_space<vmem_shared>>
    %dma_wait3A_92 = arith.constant 0 : i32
    %dma_wait3A_93 = tpu.memref_slice %arg10[%add3A_89, %dma_wait3A_92] : memref<10240x128xf32, #tpu.memory_space<vmem_shared>> -> memref<80x128xf32, #tpu.memory_space<vmem_shared>>
    tpu.wait_dma2 semaphore(%arg12 : memref<!tpu.dma_semaphore, #tpu.memory_space<semaphore_mem>>) src(%arg6 : memref<80x128xf32, #tpu.memory_space<vmem>>) dst(%dma_wait3A_93 : memref<80x128xf32, #tpu.memory_space<vmem_shared>>)
    %mul3A_94 = arith.constant 640 : i32
    %mul3A_95 = arith.muli %arg1, %mul3A_94 : i32
    %add3A_96 = arith.constant 240 : i32
    %add3A_97 = arith.addi %mul3A_95, %add3A_96 : i32
    %dma_wait3A_98 = arith.constant 0 : i32
    %dma_wait3A_99 = tpu.memref_slice %arg10[%add3A_97, %dma_wait3A_98] : memref<10240x128xf32, #tpu.memory_space<vmem_shared>> -> memref<80x128xf32, #tpu.memory_space<vmem_shared>>
    %dma_wait3A_100 = arith.constant 0 : i32
    %dma_wait3A_101 = tpu.memref_slice %arg10[%add3A_97, %dma_wait3A_100] : memref<10240x128xf32, #tpu.memory_space<vmem_shared>> -> memref<80x128xf32, #tpu.memory_space<vmem_shared>>
    tpu.wait_dma2 semaphore(%arg12 : memref<!tpu.dma_semaphore, #tpu.memory_space<semaphore_mem>>) src(%arg6 : memref<80x128xf32, #tpu.memory_space<vmem>>) dst(%dma_wait3A_101 : memref<80x128xf32, #tpu.memory_space<vmem_shared>>)
    %mul3A_102 = arith.constant 640 : i32
    %mul3A_103 = arith.muli %arg1, %mul3A_102 : i32
    %add3A_104 = arith.constant 320 : i32
    %add3A_105 = arith.addi %mul3A_103, %add3A_104 : i32
    %dma_wait3A_106 = arith.constant 0 : i32
    %dma_wait3A_107 = tpu.memref_slice %arg10[%add3A_105, %dma_wait3A_106] : memref<10240x128xf32, #tpu.memory_space<vmem_shared>> -> memref<80x128xf32, #tpu.memory_space<vmem_shared>>
    %dma_wait3A_108 = arith.constant 0 : i32
    %dma_wait3A_109 = tpu.memref_slice %arg10[%add3A_105, %dma_wait3A_108] : memref<10240x128xf32, #tpu.memory_space<vmem_shared>> -> memref<80x128xf32, #tpu.memory_space<vmem_shared>>
    tpu.wait_dma2 semaphore(%arg12 : memref<!tpu.dma_semaphore, #tpu.memory_space<semaphore_mem>>) src(%arg6 : memref<80x128xf32, #tpu.memory_space<vmem>>) dst(%dma_wait3A_109 : memref<80x128xf32, #tpu.memory_space<vmem_shared>>)
    %mul3A_110 = arith.constant 640 : i32
    %mul3A_111 = arith.muli %arg1, %mul3A_110 : i32
    %add3A_112 = arith.constant 400 : i32
    %add3A_113 = arith.addi %mul3A_111, %add3A_112 : i32
    %dma_wait3A_114 = arith.constant 0 : i32
    %dma_wait3A_115 = tpu.memref_slice %arg10[%add3A_113, %dma_wait3A_114] : memref<10240x128xf32, #tpu.memory_space<vmem_shared>> -> memref<80x128xf32, #tpu.memory_space<vmem_shared>>
    %dma_wait3A_116 = arith.constant 0 : i32
    %dma_wait3A_117 = tpu.memref_slice %arg10[%add3A_113, %dma_wait3A_116] : memref<10240x128xf32, #tpu.memory_space<vmem_shared>> -> memref<80x128xf32, #tpu.memory_space<vmem_shared>>
    tpu.wait_dma2 semaphore(%arg12 : memref<!tpu.dma_semaphore, #tpu.memory_space<semaphore_mem>>) src(%arg6 : memref<80x128xf32, #tpu.memory_space<vmem>>) dst(%dma_wait3A_117 : memref<80x128xf32, #tpu.memory_space<vmem_shared>>)
    %mul3A_118 = arith.constant 640 : i32
    %mul3A_119 = arith.muli %arg1, %mul3A_118 : i32
    %add3A_120 = arith.constant 480 : i32
    %add3A_121 = arith.addi %mul3A_119, %add3A_120 : i32
    %dma_wait3A_122 = arith.constant 0 : i32
    %dma_wait3A_123 = tpu.memref_slice %arg10[%add3A_121, %dma_wait3A_122] : memref<10240x128xf32, #tpu.memory_space<vmem_shared>> -> memref<80x128xf32, #tpu.memory_space<vmem_shared>>
    %dma_wait3A_124 = arith.constant 0 : i32
    %dma_wait3A_125 = tpu.memref_slice %arg10[%add3A_121, %dma_wait3A_124] : memref<10240x128xf32, #tpu.memory_space<vmem_shared>> -> memref<80x128xf32, #tpu.memory_space<vmem_shared>>
    tpu.wait_dma2 semaphore(%arg12 : memref<!tpu.dma_semaphore, #tpu.memory_space<semaphore_mem>>) src(%arg6 : memref<80x128xf32, #tpu.memory_space<vmem>>) dst(%dma_wait3A_125 : memref<80x128xf32, #tpu.memory_space<vmem_shared>>)
    %mul3A_126 = arith.constant 640 : i32
    %mul3A_127 = arith.muli %arg1, %mul3A_126 : i32
    %add3A_128 = arith.constant 560 : i32
    %add3A_129 = arith.addi %mul3A_127, %add3A_128 : i32
    %dma_wait3A_130 = arith.constant 0 : i32
    %dma_wait3A_131 = tpu.memref_slice %arg10[%add3A_129, %dma_wait3A_130] : memref<10240x128xf32, #tpu.memory_space<vmem_shared>> -> memref<80x128xf32, #tpu.memory_space<vmem_shared>>
    %dma_wait3A_132 = arith.constant 0 : i32
    %dma_wait3A_133 = tpu.memref_slice %arg10[%add3A_129, %dma_wait3A_132] : memref<10240x128xf32, #tpu.memory_space<vmem_shared>> -> memref<80x128xf32, #tpu.memory_space<vmem_shared>>
    tpu.wait_dma2 semaphore(%arg12 : memref<!tpu.dma_semaphore, #tpu.memory_space<semaphore_mem>>) src(%arg6 : memref<80x128xf32, #tpu.memory_space<vmem>>) dst(%dma_wait3A_133 : memref<80x128xf32, #tpu.memory_space<vmem_shared>>)
    %barrier3A = arith.constant 0 : index
    tpu.barrier barrier_id(%barrier3A)
    %dma_start3A_134 = arith.constant 0 : i32
    %dma_start3A_135 = tpu.memref_slice %arg8[%dma_start3A_134] : memref<10000xi32, #tpu.memory_space<vmem>> -> memref<80xi32, #tpu.memory_space<vmem>>
    %dma_start3A_136 = arith.constant 0 : i32
    %dma_start3A_137 = arith.constant 0 : i32
    %dma_start3A_138 = tpu.memref_slice %arg2[%dma_start3A_136, %dma_start3A_137] : memref<10000x128xf32, #tpu.memory_space<hbm>> -> memref<10000x128xf32, #tpu.memory_space<hbm>>
    tpu.enqueue_indirect_dma source(%dma_start3A_138 : memref<10000x128xf32, #tpu.memory_space<hbm>>) target(%arg6 : memref<80x128xf32, #tpu.memory_space<vmem>>) offsets(%dma_start3A_135 : memref<80xi32, #tpu.memory_space<vmem>>) semaphore(%arg11 : memref<!tpu.dma_semaphore, #tpu.memory_space<semaphore_mem>>)
    %scan3A_139 = arith.constant 0 : i32
    %scan3A_140 = arith.constant 62 : i32
    %scan3A_141 = arith.addi %scan3A_139, %scan3A_140 : i32
    %scan3A_142 = arith.constant 1 : i32
    scf.for %scan3A_154 = %scan3A_139 to %scan3A_141 step %scan3A_142  : i32 {
      %mul3A_155 = arith.constant 1 : i32
      %mul3A_156 = arith.muli %scan3A_154, %mul3A_155 : i32
      %add3A_157 = arith.constant 0 : i32
      %add3A_158 = arith.addi %add3A_157, %mul3A_156 : i32
      %mul3A_159 = arith.constant 2 : i32
      %mul3A_160 = arith.muli %add3A_158, %mul3A_159 : i32
      %add3A_161 = arith.constant 1 : i32
      %add3A_162 = arith.addi %mul3A_160, %add3A_161 : i32
      %mul3A_163 = arith.constant 80 : i32
      %mul3A_164 = arith.muli %add3A_162, %mul3A_163 : i32
      %dma_start3A_165 = tpu.memref_slice %arg8[%mul3A_164] : memref<10000xi32, #tpu.memory_space<vmem>> -> memref<80xi32, #tpu.memory_space<vmem>>
      %dma_start3A_166 = arith.constant 0 : i32
      %dma_start3A_167 = arith.constant 0 : i32
      %dma_start3A_168 = tpu.memref_slice %arg2[%dma_start3A_166, %dma_start3A_167] : memref<10000x128xf32, #tpu.memory_space<hbm>> -> memref<10000x128xf32, #tpu.memory_space<hbm>>
      tpu.enqueue_indirect_dma source(%dma_start3A_168 : memref<10000x128xf32, #tpu.memory_space<hbm>>) target(%arg7 : memref<80x128xf32, #tpu.memory_space<vmem>>) offsets(%dma_start3A_165 : memref<80xi32, #tpu.memory_space<vmem>>) semaphore(%arg12 : memref<!tpu.dma_semaphore, #tpu.memory_space<semaphore_mem>>)
      %mul3A_169 = arith.constant 80 : i32
      %mul3A_170 = arith.muli %mul3A_160, %mul3A_169 : i32
      %dma_wait3A_171 = tpu.memref_slice %arg8[%mul3A_170] : memref<10000xi32, #tpu.memory_space<vmem>> -> memref<80xi32, #tpu.memory_space<vmem>>
      %dma_wait3A_172 = arith.constant 0 : i32
      %dma_wait3A_173 = arith.constant 0 : i32
      %dma_wait3A_174 = tpu.memref_slice %arg2[%dma_wait3A_172, %dma_wait3A_173] : memref<10000x128xf32, #tpu.memory_space<hbm>> -> memref<10000x128xf32, #tpu.memory_space<hbm>>
      tpu.wait_indirect_dma semaphore(%arg11 : memref<!tpu.dma_semaphore, #tpu.memory_space<semaphore_mem>>) src(%dma_wait3A_174 : memref<10000x128xf32, #tpu.memory_space<hbm>>) dst(%arg6 : memref<80x128xf32, #tpu.memory_space<vmem>>)
      "tpu.region"() ({
        %run_scoped3A_193 = tpu.sem_alloc : memref<!tpu.dma_semaphore, #tpu.memory_space<semaphore_mem>>
        %dma_start3A_194 = arith.constant 0 : i32
        %dma_start3A_195 = tpu.memref_slice %arg9[%mul3A_160, %dma_start3A_194] : memref<125x80xi32, #tpu.memory_space<vmem>> -> memref<1x80xi32, #tpu.memory_space<vmem>>
        %dma_start3A_196 = tpu.memref_squeeze %dma_start3A_195 : memref<1x80xi32, #tpu.memory_space<vmem>> -> memref<80xi32, #tpu.memory_space<vmem>>
        %dma_start3A_197 = arith.constant 0 : i32
        %dma_start3A_198 = arith.constant 0 : i32
        %dma_start3A_199 = tpu.memref_slice %arg10[%dma_start3A_197, %dma_start3A_198] : memref<10240x128xf32, #tpu.memory_space<vmem_shared>> -> memref<10240x128xf32, #tpu.memory_space<vmem_shared>>
        tpu.enqueue_indirect_dma source(%arg6 : memref<80x128xf32, #tpu.memory_space<vmem>>) target(%dma_start3A_199 : memref<10240x128xf32, #tpu.memory_space<vmem_shared>>) offsets(%dma_start3A_196 : memref<80xi32, #tpu.memory_space<vmem>>) semaphore(%run_scoped3A_193 : memref<!tpu.dma_semaphore, #tpu.memory_space<semaphore_mem>>) {add = true}
        %dma_wait3A_200 = arith.constant 0 : i32
        %dma_wait3A_201 = tpu.memref_slice %arg9[%mul3A_160, %dma_wait3A_200] : memref<125x80xi32, #tpu.memory_space<vmem>> -> memref<1x80xi32, #tpu.memory_space<vmem>>
        %dma_wait3A_202 = tpu.memref_squeeze %dma_wait3A_201 : memref<1x80xi32, #tpu.memory_space<vmem>> -> memref<80xi32, #tpu.memory_space<vmem>>
        %dma_wait3A_203 = arith.constant 0 : i32
        %dma_wait3A_204 = arith.constant 0 : i32
        %dma_wait3A_205 = tpu.memref_slice %arg10[%dma_wait3A_203, %dma_wait3A_204] : memref<10240x128xf32, #tpu.memory_space<vmem_shared>> -> memref<10240x128xf32, #tpu.memory_space<vmem_shared>>
        tpu.wait_indirect_dma semaphore(%run_scoped3A_193 : memref<!tpu.dma_semaphore, #tpu.memory_space<semaphore_mem>>) src(%arg6 : memref<80x128xf32, #tpu.memory_space<vmem>>) dst(%dma_wait3A_205 : memref<10240x128xf32, #tpu.memory_space<vmem_shared>>)
        tpu.yield
      }) : () -> ()
      %add3A_175 = arith.constant 2 : i32
      %add3A_176 = arith.addi %mul3A_160, %add3A_175 : i32
      %mul3A_177 = arith.constant 80 : i32
      %mul3A_178 = arith.muli %add3A_176, %mul3A_177 : i32
      %dma_start3A_179 = tpu.memref_slice %arg8[%mul3A_178] : memref<10000xi32, #tpu.memory_space<vmem>> -> memref<80xi32, #tpu.memory_space<vmem>>
      %dma_start3A_180 = arith.constant 0 : i32
      %dma_start3A_181 = arith.constant 0 : i32
      %dma_start3A_182 = tpu.memref_slice %arg2[%dma_start3A_180, %dma_start3A_181] : memref<10000x128xf32, #tpu.memory_space<hbm>> -> memref<10000x128xf32, #tpu.memory_space<hbm>>
      tpu.enqueue_indirect_dma source(%dma_start3A_182 : memref<10000x128xf32, #tpu.memory_space<hbm>>) target(%arg6 : memref<80x128xf32, #tpu.memory_space<vmem>>) offsets(%dma_start3A_179 : memref<80xi32, #tpu.memory_space<vmem>>) semaphore(%arg11 : memref<!tpu.dma_semaphore, #tpu.memory_space<semaphore_mem>>)
      %add3A_183 = arith.constant 1 : i32
      %add3A_184 = arith.addi %mul3A_160, %add3A_183 : i32
      %mul3A_185 = arith.constant 80 : i32
      %mul3A_186 = arith.muli %add3A_184, %mul3A_185 : i32
      %dma_wait3A_187 = tpu.memref_slice %arg8[%mul3A_186] : memref<10000xi32, #tpu.memory_space<vmem>> -> memref<80xi32, #tpu.memory_space<vmem>>
      %dma_wait3A_188 = arith.constant 0 : i32
      %dma_wait3A_189 = arith.constant 0 : i32
      %dma_wait3A_190 = tpu.memref_slice %arg2[%dma_wait3A_188, %dma_wait3A_189] : memref<10000x128xf32, #tpu.memory_space<hbm>> -> memref<10000x128xf32, #tpu.memory_space<hbm>>
      tpu.wait_indirect_dma semaphore(%arg12 : memref<!tpu.dma_semaphore, #tpu.memory_space<semaphore_mem>>) src(%dma_wait3A_190 : memref<10000x128xf32, #tpu.memory_space<hbm>>) dst(%arg7 : memref<80x128xf32, #tpu.memory_space<vmem>>)
      %add3A_191 = arith.constant 1 : i32
      %add3A_192 = arith.addi %mul3A_160, %add3A_191 : i32
      "tpu.region"() ({
        %run_scoped3A_193 = tpu.sem_alloc : memref<!tpu.dma_semaphore, #tpu.memory_space<semaphore_mem>>
        %dma_start3A_194 = arith.constant 0 : i32
        %dma_start3A_195 = tpu.memref_slice %arg9[%add3A_192, %dma_start3A_194] : memref<125x80xi32, #tpu.memory_space<vmem>> -> memref<1x80xi32, #tpu.memory_space<vmem>>
        %dma_start3A_196 = tpu.memref_squeeze %dma_start3A_195 : memref<1x80xi32, #tpu.memory_space<vmem>> -> memref<80xi32, #tpu.memory_space<vmem>>
        %dma_start3A_197 = arith.constant 0 : i32
        %dma_start3A_198 = arith.constant 0 : i32
        %dma_start3A_199 = tpu.memref_slice %arg10[%dma_start3A_197, %dma_start3A_198] : memref<10240x128xf32, #tpu.memory_space<vmem_shared>> -> memref<10240x128xf32, #tpu.memory_space<vmem_shared>>
        tpu.enqueue_indirect_dma source(%arg7 : memref<80x128xf32, #tpu.memory_space<vmem>>) target(%dma_start3A_199 : memref<10240x128xf32, #tpu.memory_space<vmem_shared>>) offsets(%dma_start3A_196 : memref<80xi32, #tpu.memory_space<vmem>>) semaphore(%run_scoped3A_193 : memref<!tpu.dma_semaphore, #tpu.memory_space<semaphore_mem>>) {add = true}
        %dma_wait3A_200 = arith.constant 0 : i32
        %dma_wait3A_201 = tpu.memref_slice %arg9[%add3A_192, %dma_wait3A_200] : memref<125x80xi32, #tpu.memory_space<vmem>> -> memref<1x80xi32, #tpu.memory_space<vmem>>
        %dma_wait3A_202 = tpu.memref_squeeze %dma_wait3A_201 : memref<1x80xi32, #tpu.memory_space<vmem>> -> memref<80xi32, #tpu.memory_space<vmem>>
        %dma_wait3A_203 = arith.constant 0 : i32
        %dma_wait3A_204 = arith.constant 0 : i32
        %dma_wait3A_205 = tpu.memref_slice %arg10[%dma_wait3A_203, %dma_wait3A_204] : memref<10240x128xf32, #tpu.memory_space<vmem_shared>> -> memref<10240x128xf32, #tpu.memory_space<vmem_shared>>
        tpu.wait_indirect_dma semaphore(%run_scoped3A_193 : memref<!tpu.dma_semaphore, #tpu.memory_space<semaphore_mem>>) src(%arg7 : memref<80x128xf32, #tpu.memory_space<vmem>>) dst(%dma_wait3A_205 : memref<10240x128xf32, #tpu.memory_space<vmem_shared>>)
        tpu.yield
      }) : () -> ()
    }
    %scan3A_143 = arith.constant 62 : i32
    %dma_wait3A_144 = arith.constant 9920 : i32
    %dma_wait3A_145 = tpu.memref_slice %arg8[%dma_wait3A_144] : memref<10000xi32, #tpu.memory_space<vmem>> -> memref<80xi32, #tpu.memory_space<vmem>>
    %dma_wait3A_146 = arith.constant 0 : i32
    %dma_wait3A_147 = arith.constant 0 : i32
    %dma_wait3A_148 = tpu.memref_slice %arg2[%dma_wait3A_146, %dma_wait3A_147] : memref<10000x128xf32, #tpu.memory_space<hbm>> -> memref<10000x128xf32, #tpu.memory_space<hbm>>
    tpu.wait_indirect_dma semaphore(%arg11 : memref<!tpu.dma_semaphore, #tpu.memory_space<semaphore_mem>>) src(%dma_wait3A_148 : memref<10000x128xf32, #tpu.memory_space<hbm>>) dst(%arg6 : memref<80x128xf32, #tpu.memory_space<vmem>>)
    %run_scoped3A = arith.constant 124 : i32
    "tpu.region"() ({
      %run_scoped3A_154 = tpu.sem_alloc : memref<!tpu.dma_semaphore, #tpu.memory_space<semaphore_mem>>
      %dma_start3A_155 = arith.constant 0 : i32
      %dma_start3A_156 = tpu.memref_slice %arg9[%run_scoped3A, %dma_start3A_155] : memref<125x80xi32, #tpu.memory_space<vmem>> -> memref<1x80xi32, #tpu.memory_space<vmem>>
      %dma_start3A_157 = tpu.memref_squeeze %dma_start3A_156 : memref<1x80xi32, #tpu.memory_space<vmem>> -> memref<80xi32, #tpu.memory_space<vmem>>
      %dma_start3A_158 = arith.constant 0 : i32
      %dma_start3A_159 = arith.constant 0 : i32
      %dma_start3A_160 = tpu.memref_slice %arg10[%dma_start3A_158, %dma_start3A_159] : memref<10240x128xf32, #tpu.memory_space<vmem_shared>> -> memref<10240x128xf32, #tpu.memory_space<vmem_shared>>
      tpu.enqueue_indirect_dma source(%arg6 : memref<80x128xf32, #tpu.memory_space<vmem>>) target(%dma_start3A_160 : memref<10240x128xf32, #tpu.memory_space<vmem_shared>>) offsets(%dma_start3A_157 : memref<80xi32, #tpu.memory_space<vmem>>) semaphore(%run_scoped3A_154 : memref<!tpu.dma_semaphore, #tpu.memory_space<semaphore_mem>>) {add = true}
      %dma_wait3A_161 = arith.constant 0 : i32
      %dma_wait3A_162 = tpu.memref_slice %arg9[%run_scoped3A, %dma_wait3A_161] : memref<125x80xi32, #tpu.memory_space<vmem>> -> memref<1x80xi32, #tpu.memory_space<vmem>>
      %dma_wait3A_163 = tpu.memref_squeeze %dma_wait3A_162 : memref<1x80xi32, #tpu.memory_space<vmem>> -> memref<80xi32, #tpu.memory_space<vmem>>
      %dma_wait3A_164 = arith.constant 0 : i32
      %dma_wait3A_165 = arith.constant 0 : i32
      %dma_wait3A_166 = tpu.memref_slice %arg10[%dma_wait3A_164, %dma_wait3A_165] : memref<10240x128xf32, #tpu.memory_space<vmem_shared>> -> memref<10240x128xf32, #tpu.memory_space<vmem_shared>>
      tpu.wait_indirect_dma semaphore(%run_scoped3A_154 : memref<!tpu.dma_semaphore, #tpu.memory_space<semaphore_mem>>) src(%arg6 : memref<80x128xf32, #tpu.memory_space<vmem>>) dst(%dma_wait3A_166 : memref<10240x128xf32, #tpu.memory_space<vmem_shared>>)
      tpu.yield
    }) : () -> ()
    %barrier3A_149 = arith.constant 0 : index
    tpu.barrier barrier_id(%barrier3A_149)
    %mul3A_150 = arith.constant 640 : i32
    %mul3A_151 = arith.muli %arg1, %mul3A_150 : i32
    %mul3A_152 = arith.constant 640 : i32
    %mul3A_153 = arith.muli %arg1, %mul3A_152 : i32
    "tpu.region"() ({
      %run_scoped3A_154 = tpu.sem_alloc : memref<!tpu.dma_semaphore, #tpu.memory_space<semaphore_mem>>
      %dma_start3A_155 = arith.constant 0 : i32
      %dma_start3A_156 = tpu.memref_slice %arg5[%arg0, %mul3A_153, %dma_start3A_155] : memref<2x10240x128xf32, #tpu.memory_space<hbm>> -> memref<1x640x128xf32, #tpu.memory_space<hbm>>
      %dma_start3A_157 = tpu.memref_squeeze %dma_start3A_156 : memref<1x640x128xf32, #tpu.memory_space<hbm>> -> memref<640x128xf32, #tpu.memory_space<hbm>>
      %dma_start3A_158 = arith.constant 0 : i32
      %dma_start3A_159 = tpu.memref_slice %arg10[%mul3A_151, %dma_start3A_158] : memref<10240x128xf32, #tpu.memory_space<vmem_shared>> -> memref<640x128xf32, #tpu.memory_space<vmem_shared>>
      tpu.enqueue_dma source(%dma_start3A_159 : memref<640x128xf32, #tpu.memory_space<vmem_shared>>) target(%dma_start3A_157 : memref<640x128xf32, #tpu.memory_space<hbm>>) target_semaphore(%run_scoped3A_154 : memref<!tpu.dma_semaphore, #tpu.memory_space<semaphore_mem>>)
      %dma_wait3A_160 = arith.constant 0 : i32
      %dma_wait3A_161 = tpu.memref_slice %arg5[%arg0, %mul3A_153, %dma_wait3A_160] : memref<2x10240x128xf32, #tpu.memory_space<hbm>> -> memref<1x640x128xf32, #tpu.memory_space<hbm>>
      %dma_wait3A_162 = tpu.memref_squeeze %dma_wait3A_161 : memref<1x640x128xf32, #tpu.memory_space<hbm>> -> memref<640x128xf32, #tpu.memory_space<hbm>>
      %dma_wait3A_163 = arith.constant 0 : i32
      %dma_wait3A_164 = tpu.memref_slice %arg10[%mul3A_151, %dma_wait3A_163] : memref<10240x128xf32, #tpu.memory_space<vmem_shared>> -> memref<640x128xf32, #tpu.memory_space<vmem_shared>>
      tpu.wait_dma2 semaphore(%run_scoped3A_154 : memref<!tpu.dma_semaphore, #tpu.memory_space<semaphore_mem>>) src(%dma_wait3A_164 : memref<640x128xf32, #tpu.memory_space<vmem_shared>>) dst(%dma_wait3A_162 : memref<640x128xf32, #tpu.memory_space<hbm>>)
      tpu.yield
    }) : () -> ()
    return
  }
}

#map = affine_map<(d0, d1) -> (0, 0, 0)>
module attributes {stable_mosaic.version = 14 : i64} {
  func.func @_deg(%arg0: i32, %arg1: i32, %arg2: memref<32x125x80xi32, #tpu.memory_space<hbm>>, %arg3: memref<2x10240x128xf32, #tpu.memory_space<hbm>>, %arg4: memref<80x128xf32, #tpu.memory_space<vmem>>, %arg5: memref<125x80xi32, #tpu.memory_space<vmem>>, %arg6: memref<10240x128xf32, #tpu.memory_space<vmem_shared>>, %arg7: memref<!tpu.dma_semaphore, #tpu.memory_space<semaphore_mem>>, %arg8: memref<!tpu.dma_semaphore, #tpu.memory_space<semaphore_mem>>) attributes {dimension_semantics = [#tpu.dimension_semantics<core_parallel>, #tpu.dimension_semantics<subcore_parallel>], iteration_bounds = array<i64: 2, 16>, scalar_prefetch = 0 : i64, scratch_operands = 5 : i64, tpu.core_type = #tpu.core_type<sc_vector_subcore>, window_params = [{transform_indices = #map}, {transform_indices = #map}]} {
    %mul3A = arith.constant 16 : i32
    %mul3A_0 = arith.muli %arg0, %mul3A : i32
    %add3A = arith.addi %mul3A_0, %arg1 : i32
    %broadcast_in_dim3A = arith.constant 0.000000e+00 : f32
    %broadcast_in_dim3A_1 = vector.broadcast %broadcast_in_dim3A : f32 to vector<16xf32>
    %broadcast_in_dim3A_2 = arith.constant 1.000000e+00 : f32
    %broadcast_in_dim3A_3 = vector.broadcast %broadcast_in_dim3A_2 : f32 to vector<16xf32>
    %scan3A = arith.constant 0 : i32
    %scan3A_4 = arith.constant 80 : i32
    %scan3A_5 = arith.addi %scan3A, %scan3A_4 : i32
    %scan3A_6 = arith.constant 1 : i32
    scf.for %scan3A_96 = %scan3A to %scan3A_5 step %scan3A_6  : i32 {
      %mul3A_97 = arith.constant 1 : i32
      %mul3A_98 = arith.muli %scan3A_96, %mul3A_97 : i32
      %add3A_99 = arith.constant 0 : i32
      %add3A_100 = arith.addi %add3A_99, %mul3A_98 : i32
      %swap3A = arith.index_cast %add3A_100 : i32 to index
      %swap3A_101 = arith.constant 0 : index
      %swap3A_102 = tpu.vector_load %arg4[%swap3A, %swap3A_101] {strides = array<i32>} : memref<80x128xf32, #tpu.memory_space<vmem>>, vector<1x16xf32>,
      %swap3A_103 = vector.shape_cast %swap3A_102 : vector<1x16xf32> to vector<16xf32>
      %swap3A_104 = vector.shape_cast %broadcast_in_dim3A_1 : vector<16xf32> to vector<1x16xf32>
      tpu.vector_store %arg4[%swap3A, %swap3A_101], %swap3A_104 {strides = array<i32>} : memref<80x128xf32, #tpu.memory_space<vmem>>, vector<1x16xf32>,
      %swap3A_105 = arith.index_cast %add3A_100 : i32 to index
      %swap3A_106 = arith.constant 16 : index
      %swap3A_107 = tpu.vector_load %arg4[%swap3A_105, %swap3A_106] {strides = array<i32>} : memref<80x128xf32, #tpu.memory_space<vmem>>, vector<1x16xf32>,
      %swap3A_108 = vector.shape_cast %swap3A_107 : vector<1x16xf32> to vector<16xf32>
      %swap3A_109 = vector.shape_cast %broadcast_in_dim3A_1 : vector<16xf32> to vector<1x16xf32>
      tpu.vector_store %arg4[%swap3A_105, %swap3A_106], %swap3A_109 {strides = array<i32>} : memref<80x128xf32, #tpu.memory_space<vmem>>, vector<1x16xf32>,
      %swap3A_110 = arith.index_cast %add3A_100 : i32 to index
      %swap3A_111 = arith.constant 32 : index
      %swap3A_112 = tpu.vector_load %arg4[%swap3A_110, %swap3A_111] {strides = array<i32>} : memref<80x128xf32, #tpu.memory_space<vmem>>, vector<1x16xf32>,
      %swap3A_113 = vector.shape_cast %swap3A_112 : vector<1x16xf32> to vector<16xf32>
      %swap3A_114 = vector.shape_cast %broadcast_in_dim3A_1 : vector<16xf32> to vector<1x16xf32>
      tpu.vector_store %arg4[%swap3A_110, %swap3A_111], %swap3A_114 {strides = array<i32>} : memref<80x128xf32, #tpu.memory_space<vmem>>, vector<1x16xf32>,
      %swap3A_115 = arith.index_cast %add3A_100 : i32 to index
      %swap3A_116 = arith.constant 48 : index
      %swap3A_117 = tpu.vector_load %arg4[%swap3A_115, %swap3A_116] {strides = array<i32>} : memref<80x128xf32, #tpu.memory_space<vmem>>, vector<1x16xf32>,
      %swap3A_118 = vector.shape_cast %swap3A_117 : vector<1x16xf32> to vector<16xf32>
      %swap3A_119 = vector.shape_cast %broadcast_in_dim3A_1 : vector<16xf32> to vector<1x16xf32>
      tpu.vector_store %arg4[%swap3A_115, %swap3A_116], %swap3A_119 {strides = array<i32>} : memref<80x128xf32, #tpu.memory_space<vmem>>, vector<1x16xf32>,
      %swap3A_120 = arith.index_cast %add3A_100 : i32 to index
      %swap3A_121 = arith.constant 64 : index
      %swap3A_122 = tpu.vector_load %arg4[%swap3A_120, %swap3A_121] {strides = array<i32>} : memref<80x128xf32, #tpu.memory_space<vmem>>, vector<1x16xf32>,
      %swap3A_123 = vector.shape_cast %swap3A_122 : vector<1x16xf32> to vector<16xf32>
      %swap3A_124 = vector.shape_cast %broadcast_in_dim3A_1 : vector<16xf32> to vector<1x16xf32>
      tpu.vector_store %arg4[%swap3A_120, %swap3A_121], %swap3A_124 {strides = array<i32>} : memref<80x128xf32, #tpu.memory_space<vmem>>, vector<1x16xf32>,
      %swap3A_125 = arith.index_cast %add3A_100 : i32 to index
      %swap3A_126 = arith.constant 80 : index
      %swap3A_127 = tpu.vector_load %arg4[%swap3A_125, %swap3A_126] {strides = array<i32>} : memref<80x128xf32, #tpu.memory_space<vmem>>, vector<1x16xf32>,
      %swap3A_128 = vector.shape_cast %swap3A_127 : vector<1x16xf32> to vector<16xf32>
      %swap3A_129 = vector.shape_cast %broadcast_in_dim3A_1 : vector<16xf32> to vector<1x16xf32>
      tpu.vector_store %arg4[%swap3A_125, %swap3A_126], %swap3A_129 {strides = array<i32>} : memref<80x128xf32, #tpu.memory_space<vmem>>, vector<1x16xf32>,
      %swap3A_130 = arith.index_cast %add3A_100 : i32 to index
      %swap3A_131 = arith.constant 96 : index
      %swap3A_132 = tpu.vector_load %arg4[%swap3A_130, %swap3A_131] {strides = array<i32>} : memref<80x128xf32, #tpu.memory_space<vmem>>, vector<1x16xf32>,
      %swap3A_133 = vector.shape_cast %swap3A_132 : vector<1x16xf32> to vector<16xf32>
      %swap3A_134 = vector.shape_cast %broadcast_in_dim3A_1 : vector<16xf32> to vector<1x16xf32>
      tpu.vector_store %arg4[%swap3A_130, %swap3A_131], %swap3A_134 {strides = array<i32>} : memref<80x128xf32, #tpu.memory_space<vmem>>, vector<1x16xf32>,
      %swap3A_135 = arith.index_cast %add3A_100 : i32 to index
      %swap3A_136 = arith.constant 112 : index
      %swap3A_137 = tpu.vector_load %arg4[%swap3A_135, %swap3A_136] {strides = array<i32>} : memref<80x128xf32, #tpu.memory_space<vmem>>, vector<1x16xf32>,
      %swap3A_138 = vector.shape_cast %swap3A_137 : vector<1x16xf32> to vector<16xf32>
      %swap3A_139 = vector.shape_cast %broadcast_in_dim3A_1 : vector<16xf32> to vector<1x16xf32>
      tpu.vector_store %arg4[%swap3A_135, %swap3A_136], %swap3A_139 {strides = array<i32>} : memref<80x128xf32, #tpu.memory_space<vmem>>, vector<1x16xf32>,
    }
    %scan3A_7 = arith.constant 80 : i32
    %scan3A_8 = arith.constant 0 : i32
    %scan3A_9 = arith.constant 8 : i32
    %scan3A_10 = arith.addi %scan3A_8, %scan3A_9 : i32
    %scan3A_11 = arith.constant 1 : i32
    scf.for %scan3A_96 = %scan3A_8 to %scan3A_10 step %scan3A_11  : i32 {
      %mul3A_97 = arith.constant 1 : i32
      %mul3A_98 = arith.muli %scan3A_96, %mul3A_97 : i32
      %add3A_99 = arith.constant 0 : i32
      %add3A_100 = arith.addi %add3A_99, %mul3A_98 : i32
      %mul3A_101 = arith.constant 640 : i32
      %mul3A_102 = arith.muli %arg1, %mul3A_101 : i32
      %mul3A_103 = arith.constant 80 : i32
      %mul3A_104 = arith.muli %add3A_100, %mul3A_103 : i32
      %add3A_105 = arith.addi %mul3A_102, %mul3A_104 : i32
      "tpu.region"() ({
        %run_scoped3A = tpu.sem_alloc : memref<!tpu.dma_semaphore, #tpu.memory_space<semaphore_mem>>
        %dma_start3A_106 = arith.constant 0 : i32
        %dma_start3A_107 = tpu.memref_slice %arg6[%add3A_105, %dma_start3A_106] : memref<10240x128xf32, #tpu.memory_space<vmem_shared>> -> memref<80x128xf32, #tpu.memory_space<vmem_shared>>
        %dma_start3A_108 = arith.constant 0 : i32
        %dma_start3A_109 = tpu.memref_slice %arg6[%add3A_105, %dma_start3A_108] : memref<10240x128xf32, #tpu.memory_space<vmem_shared>> -> memref<80x128xf32, #tpu.memory_space<vmem_shared>>
        tpu.enqueue_dma source(%arg4 : memref<80x128xf32, #tpu.memory_space<vmem>>) target(%dma_start3A_109 : memref<80x128xf32, #tpu.memory_space<vmem_shared>>) target_semaphore(%run_scoped3A : memref<!tpu.dma_semaphore, #tpu.memory_space<semaphore_mem>>)
        %dma_wait3A_110 = arith.constant 0 : i32
        %dma_wait3A_111 = tpu.memref_slice %arg6[%add3A_105, %dma_wait3A_110] : memref<10240x128xf32, #tpu.memory_space<vmem_shared>> -> memref<80x128xf32, #tpu.memory_space<vmem_shared>>
        %dma_wait3A_112 = arith.constant 0 : i32
        %dma_wait3A_113 = tpu.memref_slice %arg6[%add3A_105, %dma_wait3A_112] : memref<10240x128xf32, #tpu.memory_space<vmem_shared>> -> memref<80x128xf32, #tpu.memory_space<vmem_shared>>
        tpu.wait_dma2 semaphore(%run_scoped3A : memref<!tpu.dma_semaphore, #tpu.memory_space<semaphore_mem>>) src(%arg4 : memref<80x128xf32, #tpu.memory_space<vmem>>) dst(%dma_wait3A_113 : memref<80x128xf32, #tpu.memory_space<vmem_shared>>)
        tpu.yield
      }) : () -> ()
    }
    %scan3A_12 = arith.constant 8 : i32
    "tpu.region"() ({
      %run_scoped3A = tpu.sem_alloc : memref<!tpu.dma_semaphore, #tpu.memory_space<semaphore_mem>>
      %dma_start3A_96 = arith.constant 0 : i32
      %dma_start3A_97 = arith.constant 0 : i32
      %dma_start3A_98 = tpu.memref_slice %arg2[%add3A, %dma_start3A_96, %dma_start3A_97] : memref<32x125x80xi32, #tpu.memory_space<hbm>> -> memref<1x125x80xi32, #tpu.memory_space<hbm>>
      %dma_start3A_99 = tpu.memref_squeeze %dma_start3A_98 : memref<1x125x80xi32, #tpu.memory_space<hbm>> -> memref<125x80xi32, #tpu.memory_space<hbm>>
      %dma_start3A_100 = arith.constant 0 : i32
      %dma_start3A_101 = arith.constant 0 : i32
      %dma_start3A_102 = tpu.memref_slice %arg2[%add3A, %dma_start3A_100, %dma_start3A_101] : memref<32x125x80xi32, #tpu.memory_space<hbm>> -> memref<1x125x80xi32, #tpu.memory_space<hbm>>
      %dma_start3A_103 = tpu.memref_squeeze %dma_start3A_102 : memref<1x125x80xi32, #tpu.memory_space<hbm>> -> memref<125x80xi32, #tpu.memory_space<hbm>>
      tpu.enqueue_dma source(%dma_start3A_103 : memref<125x80xi32, #tpu.memory_space<hbm>>) target(%arg5 : memref<125x80xi32, #tpu.memory_space<vmem>>) target_semaphore(%run_scoped3A : memref<!tpu.dma_semaphore, #tpu.memory_space<semaphore_mem>>)
      %dma_wait3A_104 = arith.constant 0 : i32
      %dma_wait3A_105 = arith.constant 0 : i32
      %dma_wait3A_106 = tpu.memref_slice %arg2[%add3A, %dma_wait3A_104, %dma_wait3A_105] : memref<32x125x80xi32, #tpu.memory_space<hbm>> -> memref<1x125x80xi32, #tpu.memory_space<hbm>>
      %dma_wait3A_107 = tpu.memref_squeeze %dma_wait3A_106 : memref<1x125x80xi32, #tpu.memory_space<hbm>> -> memref<125x80xi32, #tpu.memory_space<hbm>>
      %dma_wait3A_108 = arith.constant 0 : i32
      %dma_wait3A_109 = arith.constant 0 : i32
      %dma_wait3A_110 = tpu.memref_slice %arg2[%add3A, %dma_wait3A_108, %dma_wait3A_109] : memref<32x125x80xi32, #tpu.memory_space<hbm>> -> memref<1x125x80xi32, #tpu.memory_space<hbm>>
      %dma_wait3A_111 = tpu.memref_squeeze %dma_wait3A_110 : memref<1x125x80xi32, #tpu.memory_space<hbm>> -> memref<125x80xi32, #tpu.memory_space<hbm>>
      tpu.wait_dma2 semaphore(%run_scoped3A : memref<!tpu.dma_semaphore, #tpu.memory_space<semaphore_mem>>) src(%dma_wait3A_111 : memref<125x80xi32, #tpu.memory_space<hbm>>) dst(%arg5 : memref<125x80xi32, #tpu.memory_space<vmem>>)
      tpu.yield
    }) : () -> ()
    %barrier3A = arith.constant 0 : index
    tpu.barrier barrier_id(%barrier3A)
    %scan3A_13 = arith.constant 0 : i32
    %scan3A_14 = arith.constant 80 : i32
    %scan3A_15 = arith.addi %scan3A_13, %scan3A_14 : i32
    %scan3A_16 = arith.constant 1 : i32
    scf.for %scan3A_96 = %scan3A_13 to %scan3A_15 step %scan3A_16  : i32 {
      %mul3A_97 = arith.constant 1 : i32
      %mul3A_98 = arith.muli %scan3A_96, %mul3A_97 : i32
      %add3A_99 = arith.constant 0 : i32
      %add3A_100 = arith.addi %add3A_99, %mul3A_98 : i32
      %swap3A = arith.index_cast %add3A_100 : i32 to index
      %swap3A_101 = arith.constant 0 : index
      %swap3A_102 = tpu.vector_load %arg4[%swap3A, %swap3A_101] {strides = array<i32>} : memref<80x128xf32, #tpu.memory_space<vmem>>, vector<1x16xf32>,
      %swap3A_103 = vector.shape_cast %swap3A_102 : vector<1x16xf32> to vector<16xf32>
      %swap3A_104 = vector.shape_cast %broadcast_in_dim3A_3 : vector<16xf32> to vector<1x16xf32>
      tpu.vector_store %arg4[%swap3A, %swap3A_101], %swap3A_104 {strides = array<i32>} : memref<80x128xf32, #tpu.memory_space<vmem>>, vector<1x16xf32>,
      %swap3A_105 = arith.index_cast %add3A_100 : i32 to index
      %swap3A_106 = arith.constant 16 : index
      %swap3A_107 = tpu.vector_load %arg4[%swap3A_105, %swap3A_106] {strides = array<i32>} : memref<80x128xf32, #tpu.memory_space<vmem>>, vector<1x16xf32>,
      %swap3A_108 = vector.shape_cast %swap3A_107 : vector<1x16xf32> to vector<16xf32>
      %swap3A_109 = vector.shape_cast %broadcast_in_dim3A_3 : vector<16xf32> to vector<1x16xf32>
      tpu.vector_store %arg4[%swap3A_105, %swap3A_106], %swap3A_109 {strides = array<i32>} : memref<80x128xf32, #tpu.memory_space<vmem>>, vector<1x16xf32>,
      %swap3A_110 = arith.index_cast %add3A_100 : i32 to index
      %swap3A_111 = arith.constant 32 : index
      %swap3A_112 = tpu.vector_load %arg4[%swap3A_110, %swap3A_111] {strides = array<i32>} : memref<80x128xf32, #tpu.memory_space<vmem>>, vector<1x16xf32>,
      %swap3A_113 = vector.shape_cast %swap3A_112 : vector<1x16xf32> to vector<16xf32>
      %swap3A_114 = vector.shape_cast %broadcast_in_dim3A_3 : vector<16xf32> to vector<1x16xf32>
      tpu.vector_store %arg4[%swap3A_110, %swap3A_111], %swap3A_114 {strides = array<i32>} : memref<80x128xf32, #tpu.memory_space<vmem>>, vector<1x16xf32>,
      %swap3A_115 = arith.index_cast %add3A_100 : i32 to index
      %swap3A_116 = arith.constant 48 : index
      %swap3A_117 = tpu.vector_load %arg4[%swap3A_115, %swap3A_116] {strides = array<i32>} : memref<80x128xf32, #tpu.memory_space<vmem>>, vector<1x16xf32>,
      %swap3A_118 = vector.shape_cast %swap3A_117 : vector<1x16xf32> to vector<16xf32>
      %swap3A_119 = vector.shape_cast %broadcast_in_dim3A_3 : vector<16xf32> to vector<1x16xf32>
      tpu.vector_store %arg4[%swap3A_115, %swap3A_116], %swap3A_119 {strides = array<i32>} : memref<80x128xf32, #tpu.memory_space<vmem>>, vector<1x16xf32>,
      %swap3A_120 = arith.index_cast %add3A_100 : i32 to index
      %swap3A_121 = arith.constant 64 : index
      %swap3A_122 = tpu.vector_load %arg4[%swap3A_120, %swap3A_121] {strides = array<i32>} : memref<80x128xf32, #tpu.memory_space<vmem>>, vector<1x16xf32>,
      %swap3A_123 = vector.shape_cast %swap3A_122 : vector<1x16xf32> to vector<16xf32>
      %swap3A_124 = vector.shape_cast %broadcast_in_dim3A_3 : vector<16xf32> to vector<1x16xf32>
      tpu.vector_store %arg4[%swap3A_120, %swap3A_121], %swap3A_124 {strides = array<i32>} : memref<80x128xf32, #tpu.memory_space<vmem>>, vector<1x16xf32>,
      %swap3A_125 = arith.index_cast %add3A_100 : i32 to index
      %swap3A_126 = arith.constant 80 : index
      %swap3A_127 = tpu.vector_load %arg4[%swap3A_125, %swap3A_126] {strides = array<i32>} : memref<80x128xf32, #tpu.memory_space<vmem>>, vector<1x16xf32>,
      %swap3A_128 = vector.shape_cast %swap3A_127 : vector<1x16xf32> to vector<16xf32>
      %swap3A_129 = vector.shape_cast %broadcast_in_dim3A_3 : vector<16xf32> to vector<1x16xf32>
      tpu.vector_store %arg4[%swap3A_125, %swap3A_126], %swap3A_129 {strides = array<i32>} : memref<80x128xf32, #tpu.memory_space<vmem>>, vector<1x16xf32>,
      %swap3A_130 = arith.index_cast %add3A_100 : i32 to index
      %swap3A_131 = arith.constant 96 : index
      %swap3A_132 = tpu.vector_load %arg4[%swap3A_130, %swap3A_131] {strides = array<i32>} : memref<80x128xf32, #tpu.memory_space<vmem>>, vector<1x16xf32>,
      %swap3A_133 = vector.shape_cast %swap3A_132 : vector<1x16xf32> to vector<16xf32>
      %swap3A_134 = vector.shape_cast %broadcast_in_dim3A_3 : vector<16xf32> to vector<1x16xf32>
      tpu.vector_store %arg4[%swap3A_130, %swap3A_131], %swap3A_134 {strides = array<i32>} : memref<80x128xf32, #tpu.memory_space<vmem>>, vector<1x16xf32>,
      %swap3A_135 = arith.index_cast %add3A_100 : i32 to index
      %swap3A_136 = arith.constant 112 : index
      %swap3A_137 = tpu.vector_load %arg4[%swap3A_135, %swap3A_136] {strides = array<i32>} : memref<80x128xf32, #tpu.memory_space<vmem>>, vector<1x16xf32>,
      %swap3A_138 = vector.shape_cast %swap3A_137 : vector<1x16xf32> to vector<16xf32>
      %swap3A_139 = vector.shape_cast %broadcast_in_dim3A_3 : vector<16xf32> to vector<1x16xf32>
      tpu.vector_store %arg4[%swap3A_135, %swap3A_136], %swap3A_139 {strides = array<i32>} : memref<80x128xf32, #tpu.memory_space<vmem>>, vector<1x16xf32>,
    }
    %scan3A_17 = arith.constant 80 : i32
    %dma_start3A = arith.constant 0 : i32
    %dma_start3A_18 = arith.constant 0 : i32
    %dma_start3A_19 = tpu.memref_slice %arg5[%dma_start3A, %dma_start3A_18] : memref<125x80xi32, #tpu.memory_space<vmem>> -> memref<1x80xi32, #tpu.memory_space<vmem>>
    %dma_start3A_20 = tpu.memref_squeeze %dma_start3A_19 : memref<1x80xi32, #tpu.memory_space<vmem>> -> memref<80xi32, #tpu.memory_space<vmem>>
    %dma_start3A_21 = arith.constant 0 : i32
    %dma_start3A_22 = arith.constant 0 : i32
    %dma_start3A_23 = tpu.memref_slice %arg6[%dma_start3A_21, %dma_start3A_22] : memref<10240x128xf32, #tpu.memory_space<vmem_shared>> -> memref<10240x128xf32, #tpu.memory_space<vmem_shared>>
    tpu.enqueue_indirect_dma source(%arg4 : memref<80x128xf32, #tpu.memory_space<vmem>>) target(%dma_start3A_23 : memref<10240x128xf32, #tpu.memory_space<vmem_shared>>) offsets(%dma_start3A_20 : memref<80xi32, #tpu.memory_space<vmem>>) semaphore(%arg7 : memref<!tpu.dma_semaphore, #tpu.memory_space<semaphore_mem>>) {add = true}
    %dma_start3A_24 = arith.constant 1 : i32
    %dma_start3A_25 = arith.constant 0 : i32
    %dma_start3A_26 = tpu.memref_slice %arg5[%dma_start3A_24, %dma_start3A_25] : memref<125x80xi32, #tpu.memory_space<vmem>> -> memref<1x80xi32, #tpu.memory_space<vmem>>
    %dma_start3A_27 = tpu.memref_squeeze %dma_start3A_26 : memref<1x80xi32, #tpu.memory_space<vmem>> -> memref<80xi32, #tpu.memory_space<vmem>>
    %dma_start3A_28 = arith.constant 0 : i32
    %dma_start3A_29 = arith.constant 0 : i32
    %dma_start3A_30 = tpu.memref_slice %arg6[%dma_start3A_28, %dma_start3A_29] : memref<10240x128xf32, #tpu.memory_space<vmem_shared>> -> memref<10240x128xf32, #tpu.memory_space<vmem_shared>>
    tpu.enqueue_indirect_dma source(%arg4 : memref<80x128xf32, #tpu.memory_space<vmem>>) target(%dma_start3A_30 : memref<10240x128xf32, #tpu.memory_space<vmem_shared>>) offsets(%dma_start3A_27 : memref<80xi32, #tpu.memory_space<vmem>>) semaphore(%arg7 : memref<!tpu.dma_semaphore, #tpu.memory_space<semaphore_mem>>) {add = true}
    %dma_start3A_31 = arith.constant 2 : i32
    %dma_start3A_32 = arith.constant 0 : i32
    %dma_start3A_33 = tpu.memref_slice %arg5[%dma_start3A_31, %dma_start3A_32] : memref<125x80xi32, #tpu.memory_space<vmem>> -> memref<1x80xi32, #tpu.memory_space<vmem>>
    %dma_start3A_34 = tpu.memref_squeeze %dma_start3A_33 : memref<1x80xi32, #tpu.memory_space<vmem>> -> memref<80xi32, #tpu.memory_space<vmem>>
    %dma_start3A_35 = arith.constant 0 : i32
    %dma_start3A_36 = arith.constant 0 : i32
    %dma_start3A_37 = tpu.memref_slice %arg6[%dma_start3A_35, %dma_start3A_36] : memref<10240x128xf32, #tpu.memory_space<vmem_shared>> -> memref<10240x128xf32, #tpu.memory_space<vmem_shared>>
    tpu.enqueue_indirect_dma source(%arg4 : memref<80x128xf32, #tpu.memory_space<vmem>>) target(%dma_start3A_37 : memref<10240x128xf32, #tpu.memory_space<vmem_shared>>) offsets(%dma_start3A_34 : memref<80xi32, #tpu.memory_space<vmem>>) semaphore(%arg7 : memref<!tpu.dma_semaphore, #tpu.memory_space<semaphore_mem>>) {add = true}
    %dma_start3A_38 = arith.constant 3 : i32
    %dma_start3A_39 = arith.constant 0 : i32
    %dma_start3A_40 = tpu.memref_slice %arg5[%dma_start3A_38, %dma_start3A_39] : memref<125x80xi32, #tpu.memory_space<vmem>> -> memref<1x80xi32, #tpu.memory_space<vmem>>
    %dma_start3A_41 = tpu.memref_squeeze %dma_start3A_40 : memref<1x80xi32, #tpu.memory_space<vmem>> -> memref<80xi32, #tpu.memory_space<vmem>>
    %dma_start3A_42 = arith.constant 0 : i32
    %dma_start3A_43 = arith.constant 0 : i32
    %dma_start3A_44 = tpu.memref_slice %arg6[%dma_start3A_42, %dma_start3A_43] : memref<10240x128xf32, #tpu.memory_space<vmem_shared>> -> memref<10240x128xf32, #tpu.memory_space<vmem_shared>>
    tpu.enqueue_indirect_dma source(%arg4 : memref<80x128xf32, #tpu.memory_space<vmem>>) target(%dma_start3A_44 : memref<10240x128xf32, #tpu.memory_space<vmem_shared>>) offsets(%dma_start3A_41 : memref<80xi32, #tpu.memory_space<vmem>>) semaphore(%arg7 : memref<!tpu.dma_semaphore, #tpu.memory_space<semaphore_mem>>) {add = true}
    %dma_start3A_45 = arith.constant 4 : i32
    %dma_start3A_46 = arith.constant 0 : i32
    %dma_start3A_47 = tpu.memref_slice %arg5[%dma_start3A_45, %dma_start3A_46] : memref<125x80xi32, #tpu.memory_space<vmem>> -> memref<1x80xi32, #tpu.memory_space<vmem>>
    %dma_start3A_48 = tpu.memref_squeeze %dma_start3A_47 : memref<1x80xi32, #tpu.memory_space<vmem>> -> memref<80xi32, #tpu.memory_space<vmem>>
    %dma_start3A_49 = arith.constant 0 : i32
    %dma_start3A_50 = arith.constant 0 : i32
    %dma_start3A_51 = tpu.memref_slice %arg6[%dma_start3A_49, %dma_start3A_50] : memref<10240x128xf32, #tpu.memory_space<vmem_shared>> -> memref<10240x128xf32, #tpu.memory_space<vmem_shared>>
    tpu.enqueue_indirect_dma source(%arg4 : memref<80x128xf32, #tpu.memory_space<vmem>>) target(%dma_start3A_51 : memref<10240x128xf32, #tpu.memory_space<vmem_shared>>) offsets(%dma_start3A_48 : memref<80xi32, #tpu.memory_space<vmem>>) semaphore(%arg7 : memref<!tpu.dma_semaphore, #tpu.memory_space<semaphore_mem>>) {add = true}
    %scan3A_52 = arith.constant 0 : i32
    %scan3A_53 = arith.constant 12 : i32
    %scan3A_54 = arith.addi %scan3A_52, %scan3A_53 : i32
    %scan3A_55 = arith.constant 1 : i32
    scf.for %scan3A_96 = %scan3A_52 to %scan3A_54 step %scan3A_55  : i32 {
      %mul3A_97 = arith.constant 1 : i32
      %mul3A_98 = arith.muli %scan3A_96, %mul3A_97 : i32
      %add3A_99 = arith.constant 0 : i32
      %add3A_100 = arith.addi %add3A_99, %mul3A_98 : i32
      %mul3A_101 = arith.constant 2 : i32
      %mul3A_102 = arith.muli %add3A_100, %mul3A_101 : i32
      %add3A_103 = arith.constant 1 : i32
      %add3A_104 = arith.addi %mul3A_102, %add3A_103 : i32
      %mul3A_105 = arith.constant 5 : i32
      %mul3A_106 = arith.muli %add3A_104, %mul3A_105 : i32
      %add3A_107 = arith.constant 0 : i32
      %add3A_108 = arith.addi %mul3A_106, %add3A_107 : i32
      %dma_start3A_109 = arith.constant 0 : i32
      %dma_start3A_110 = tpu.memref_slice %arg5[%add3A_108, %dma_start3A_109] : memref<125x80xi32, #tpu.memory_space<vmem>> -> memref<1x80xi32, #tpu.memory_space<vmem>>
      %dma_start3A_111 = tpu.memref_squeeze %dma_start3A_110 : memref<1x80xi32, #tpu.memory_space<vmem>> -> memref<80xi32, #tpu.memory_space<vmem>>
      %dma_start3A_112 = arith.constant 0 : i32
      %dma_start3A_113 = arith.constant 0 : i32
      %dma_start3A_114 = tpu.memref_slice %arg6[%dma_start3A_112, %dma_start3A_113] : memref<10240x128xf32, #tpu.memory_space<vmem_shared>> -> memref<10240x128xf32, #tpu.memory_space<vmem_shared>>
      tpu.enqueue_indirect_dma source(%arg4 : memref<80x128xf32, #tpu.memory_space<vmem>>) target(%dma_start3A_114 : memref<10240x128xf32, #tpu.memory_space<vmem_shared>>) offsets(%dma_start3A_111 : memref<80xi32, #tpu.memory_space<vmem>>) semaphore(%arg8 : memref<!tpu.dma_semaphore, #tpu.memory_space<semaphore_mem>>) {add = true}
      %mul3A_115 = arith.constant 5 : i32
      %mul3A_116 = arith.muli %add3A_104, %mul3A_115 : i32
      %add3A_117 = arith.constant 1 : i32
      %add3A_118 = arith.addi %mul3A_116, %add3A_117 : i32
      %dma_start3A_119 = arith.constant 0 : i32
      %dma_start3A_120 = tpu.memref_slice %arg5[%add3A_118, %dma_start3A_119] : memref<125x80xi32, #tpu.memory_space<vmem>> -> memref<1x80xi32, #tpu.memory_space<vmem>>
      %dma_start3A_121 = tpu.memref_squeeze %dma_start3A_120 : memref<1x80xi32, #tpu.memory_space<vmem>> -> memref<80xi32, #tpu.memory_space<vmem>>
      %dma_start3A_122 = arith.constant 0 : i32
      %dma_start3A_123 = arith.constant 0 : i32
      %dma_start3A_124 = tpu.memref_slice %arg6[%dma_start3A_122, %dma_start3A_123] : memref<10240x128xf32, #tpu.memory_space<vmem_shared>> -> memref<10240x128xf32, #tpu.memory_space<vmem_shared>>
      tpu.enqueue_indirect_dma source(%arg4 : memref<80x128xf32, #tpu.memory_space<vmem>>) target(%dma_start3A_124 : memref<10240x128xf32, #tpu.memory_space<vmem_shared>>) offsets(%dma_start3A_121 : memref<80xi32, #tpu.memory_space<vmem>>) semaphore(%arg8 : memref<!tpu.dma_semaphore, #tpu.memory_space<semaphore_mem>>) {add = true}
      %mul3A_125 = arith.constant 5 : i32
      %mul3A_126 = arith.muli %add3A_104, %mul3A_125 : i32
      %add3A_127 = arith.constant 2 : i32
      %add3A_128 = arith.addi %mul3A_126, %add3A_127 : i32
      %dma_start3A_129 = arith.constant 0 : i32
      %dma_start3A_130 = tpu.memref_slice %arg5[%add3A_128, %dma_start3A_129] : memref<125x80xi32, #tpu.memory_space<vmem>> -> memref<1x80xi32, #tpu.memory_space<vmem>>
      %dma_start3A_131 = tpu.memref_squeeze %dma_start3A_130 : memref<1x80xi32, #tpu.memory_space<vmem>> -> memref<80xi32, #tpu.memory_space<vmem>>
      %dma_start3A_132 = arith.constant 0 : i32
      %dma_start3A_133 = arith.constant 0 : i32
      %dma_start3A_134 = tpu.memref_slice %arg6[%dma_start3A_132, %dma_start3A_133] : memref<10240x128xf32, #tpu.memory_space<vmem_shared>> -> memref<10240x128xf32, #tpu.memory_space<vmem_shared>>
      tpu.enqueue_indirect_dma source(%arg4 : memref<80x128xf32, #tpu.memory_space<vmem>>) target(%dma_start3A_134 : memref<10240x128xf32, #tpu.memory_space<vmem_shared>>) offsets(%dma_start3A_131 : memref<80xi32, #tpu.memory_space<vmem>>) semaphore(%arg8 : memref<!tpu.dma_semaphore, #tpu.memory_space<semaphore_mem>>) {add = true}
      %mul3A_135 = arith.constant 5 : i32
      %mul3A_136 = arith.muli %add3A_104, %mul3A_135 : i32
      %add3A_137 = arith.constant 3 : i32
      %add3A_138 = arith.addi %mul3A_136, %add3A_137 : i32
      %dma_start3A_139 = arith.constant 0 : i32
      %dma_start3A_140 = tpu.memref_slice %arg5[%add3A_138, %dma_start3A_139] : memref<125x80xi32, #tpu.memory_space<vmem>> -> memref<1x80xi32, #tpu.memory_space<vmem>>
      %dma_start3A_141 = tpu.memref_squeeze %dma_start3A_140 : memref<1x80xi32, #tpu.memory_space<vmem>> -> memref<80xi32, #tpu.memory_space<vmem>>
      %dma_start3A_142 = arith.constant 0 : i32
      %dma_start3A_143 = arith.constant 0 : i32
      %dma_start3A_144 = tpu.memref_slice %arg6[%dma_start3A_142, %dma_start3A_143] : memref<10240x128xf32, #tpu.memory_space<vmem_shared>> -> memref<10240x128xf32, #tpu.memory_space<vmem_shared>>
      tpu.enqueue_indirect_dma source(%arg4 : memref<80x128xf32, #tpu.memory_space<vmem>>) target(%dma_start3A_144 : memref<10240x128xf32, #tpu.memory_space<vmem_shared>>) offsets(%dma_start3A_141 : memref<80xi32, #tpu.memory_space<vmem>>) semaphore(%arg8 : memref<!tpu.dma_semaphore, #tpu.memory_space<semaphore_mem>>) {add = true}
      %mul3A_145 = arith.constant 5 : i32
      %mul3A_146 = arith.muli %add3A_104, %mul3A_145 : i32
      %add3A_147 = arith.constant 4 : i32
      %add3A_148 = arith.addi %mul3A_146, %add3A_147 : i32
      %dma_start3A_149 = arith.constant 0 : i32
      %dma_start3A_150 = tpu.memref_slice %arg5[%add3A_148, %dma_start3A_149] : memref<125x80xi32, #tpu.memory_space<vmem>> -> memref<1x80xi32, #tpu.memory_space<vmem>>
      %dma_start3A_151 = tpu.memref_squeeze %dma_start3A_150 : memref<1x80xi32, #tpu.memory_space<vmem>> -> memref<80xi32, #tpu.memory_space<vmem>>
      %dma_start3A_152 = arith.constant 0 : i32
      %dma_start3A_153 = arith.constant 0 : i32
      %dma_start3A_154 = tpu.memref_slice %arg6[%dma_start3A_152, %dma_start3A_153] : memref<10240x128xf32, #tpu.memory_space<vmem_shared>> -> memref<10240x128xf32, #tpu.memory_space<vmem_shared>>
      tpu.enqueue_indirect_dma source(%arg4 : memref<80x128xf32, #tpu.memory_space<vmem>>) target(%dma_start3A_154 : memref<10240x128xf32, #tpu.memory_space<vmem_shared>>) offsets(%dma_start3A_151 : memref<80xi32, #tpu.memory_space<vmem>>) semaphore(%arg8 : memref<!tpu.dma_semaphore, #tpu.memory_space<semaphore_mem>>) {add = true}
      %mul3A_155 = arith.constant 5 : i32
      %mul3A_156 = arith.muli %mul3A_102, %mul3A_155 : i32
      %add3A_157 = arith.constant 0 : i32
      %add3A_158 = arith.addi %mul3A_156, %add3A_157 : i32
      %dma_wait3A_159 = arith.constant 0 : i32
      %dma_wait3A_160 = tpu.memref_slice %arg5[%add3A_158, %dma_wait3A_159] : memref<125x80xi32, #tpu.memory_space<vmem>> -> memref<1x80xi32, #tpu.memory_space<vmem>>
      %dma_wait3A_161 = tpu.memref_squeeze %dma_wait3A_160 : memref<1x80xi32, #tpu.memory_space<vmem>> -> memref<80xi32, #tpu.memory_space<vmem>>
      %dma_wait3A_162 = arith.constant 0 : i32
      %dma_wait3A_163 = arith.constant 0 : i32
      %dma_wait3A_164 = tpu.memref_slice %arg6[%dma_wait3A_162, %dma_wait3A_163] : memref<10240x128xf32, #tpu.memory_space<vmem_shared>> -> memref<10240x128xf32, #tpu.memory_space<vmem_shared>>
      tpu.wait_indirect_dma semaphore(%arg7 : memref<!tpu.dma_semaphore, #tpu.memory_space<semaphore_mem>>) src(%arg4 : memref<80x128xf32, #tpu.memory_space<vmem>>) dst(%dma_wait3A_164 : memref<10240x128xf32, #tpu.memory_space<vmem_shared>>)
      %mul3A_165 = arith.constant 5 : i32
      %mul3A_166 = arith.muli %mul3A_102, %mul3A_165 : i32
      %add3A_167 = arith.constant 1 : i32
      %add3A_168 = arith.addi %mul3A_166, %add3A_167 : i32
      %dma_wait3A_169 = arith.constant 0 : i32
      %dma_wait3A_170 = tpu.memref_slice %arg5[%add3A_168, %dma_wait3A_169] : memref<125x80xi32, #tpu.memory_space<vmem>> -> memref<1x80xi32, #tpu.memory_space<vmem>>
      %dma_wait3A_171 = tpu.memref_squeeze %dma_wait3A_170 : memref<1x80xi32, #tpu.memory_space<vmem>> -> memref<80xi32, #tpu.memory_space<vmem>>
      %dma_wait3A_172 = arith.constant 0 : i32
      %dma_wait3A_173 = arith.constant 0 : i32
      %dma_wait3A_174 = tpu.memref_slice %arg6[%dma_wait3A_172, %dma_wait3A_173] : memref<10240x128xf32, #tpu.memory_space<vmem_shared>> -> memref<10240x128xf32, #tpu.memory_space<vmem_shared>>
      tpu.wait_indirect_dma semaphore(%arg7 : memref<!tpu.dma_semaphore, #tpu.memory_space<semaphore_mem>>) src(%arg4 : memref<80x128xf32, #tpu.memory_space<vmem>>) dst(%dma_wait3A_174 : memref<10240x128xf32, #tpu.memory_space<vmem_shared>>)
      %mul3A_175 = arith.constant 5 : i32
      %mul3A_176 = arith.muli %mul3A_102, %mul3A_175 : i32
      %add3A_177 = arith.constant 2 : i32
      %add3A_178 = arith.addi %mul3A_176, %add3A_177 : i32
      %dma_wait3A_179 = arith.constant 0 : i32
      %dma_wait3A_180 = tpu.memref_slice %arg5[%add3A_178, %dma_wait3A_179] : memref<125x80xi32, #tpu.memory_space<vmem>> -> memref<1x80xi32, #tpu.memory_space<vmem>>
      %dma_wait3A_181 = tpu.memref_squeeze %dma_wait3A_180 : memref<1x80xi32, #tpu.memory_space<vmem>> -> memref<80xi32, #tpu.memory_space<vmem>>
      %dma_wait3A_182 = arith.constant 0 : i32
      %dma_wait3A_183 = arith.constant 0 : i32
      %dma_wait3A_184 = tpu.memref_slice %arg6[%dma_wait3A_182, %dma_wait3A_183] : memref<10240x128xf32, #tpu.memory_space<vmem_shared>> -> memref<10240x128xf32, #tpu.memory_space<vmem_shared>>
      tpu.wait_indirect_dma semaphore(%arg7 : memref<!tpu.dma_semaphore, #tpu.memory_space<semaphore_mem>>) src(%arg4 : memref<80x128xf32, #tpu.memory_space<vmem>>) dst(%dma_wait3A_184 : memref<10240x128xf32, #tpu.memory_space<vmem_shared>>)
      %mul3A_185 = arith.constant 5 : i32
      %mul3A_186 = arith.muli %mul3A_102, %mul3A_185 : i32
      %add3A_187 = arith.constant 3 : i32
      %add3A_188 = arith.addi %mul3A_186, %add3A_187 : i32
      %dma_wait3A_189 = arith.constant 0 : i32
      %dma_wait3A_190 = tpu.memref_slice %arg5[%add3A_188, %dma_wait3A_189] : memref<125x80xi32, #tpu.memory_space<vmem>> -> memref<1x80xi32, #tpu.memory_space<vmem>>
      %dma_wait3A_191 = tpu.memref_squeeze %dma_wait3A_190 : memref<1x80xi32, #tpu.memory_space<vmem>> -> memref<80xi32, #tpu.memory_space<vmem>>
      %dma_wait3A_192 = arith.constant 0 : i32
      %dma_wait3A_193 = arith.constant 0 : i32
      %dma_wait3A_194 = tpu.memref_slice %arg6[%dma_wait3A_192, %dma_wait3A_193] : memref<10240x128xf32, #tpu.memory_space<vmem_shared>> -> memref<10240x128xf32, #tpu.memory_space<vmem_shared>>
      tpu.wait_indirect_dma semaphore(%arg7 : memref<!tpu.dma_semaphore, #tpu.memory_space<semaphore_mem>>) src(%arg4 : memref<80x128xf32, #tpu.memory_space<vmem>>) dst(%dma_wait3A_194 : memref<10240x128xf32, #tpu.memory_space<vmem_shared>>)
      %mul3A_195 = arith.constant 5 : i32
      %mul3A_196 = arith.muli %mul3A_102, %mul3A_195 : i32
      %add3A_197 = arith.constant 4 : i32
      %add3A_198 = arith.addi %mul3A_196, %add3A_197 : i32
      %dma_wait3A_199 = arith.constant 0 : i32
      %dma_wait3A_200 = tpu.memref_slice %arg5[%add3A_198, %dma_wait3A_199] : memref<125x80xi32, #tpu.memory_space<vmem>> -> memref<1x80xi32, #tpu.memory_space<vmem>>
      %dma_wait3A_201 = tpu.memref_squeeze %dma_wait3A_200 : memref<1x80xi32, #tpu.memory_space<vmem>> -> memref<80xi32, #tpu.memory_space<vmem>>
      %dma_wait3A_202 = arith.constant 0 : i32
      %dma_wait3A_203 = arith.constant 0 : i32
      %dma_wait3A_204 = tpu.memref_slice %arg6[%dma_wait3A_202, %dma_wait3A_203] : memref<10240x128xf32, #tpu.memory_space<vmem_shared>> -> memref<10240x128xf32, #tpu.memory_space<vmem_shared>>
      tpu.wait_indirect_dma semaphore(%arg7 : memref<!tpu.dma_semaphore, #tpu.memory_space<semaphore_mem>>) src(%arg4 : memref<80x128xf32, #tpu.memory_space<vmem>>) dst(%dma_wait3A_204 : memref<10240x128xf32, #tpu.memory_space<vmem_shared>>)
      %add3A_205 = arith.constant 2 : i32
      %add3A_206 = arith.addi %mul3A_102, %add3A_205 : i32
      %mul3A_207 = arith.constant 5 : i32
      %mul3A_208 = arith.muli %add3A_206, %mul3A_207 : i32
      %add3A_209 = arith.constant 0 : i32
      %add3A_210 = arith.addi %mul3A_208, %add3A_209 : i32
      %dma_start3A_211 = arith.constant 0 : i32
      %dma_start3A_212 = tpu.memref_slice %arg5[%add3A_210, %dma_start3A_211] : memref<125x80xi32, #tpu.memory_space<vmem>> -> memref<1x80xi32, #tpu.memory_space<vmem>>
      %dma_start3A_213 = tpu.memref_squeeze %dma_start3A_212 : memref<1x80xi32, #tpu.memory_space<vmem>> -> memref<80xi32, #tpu.memory_space<vmem>>
      %dma_start3A_214 = arith.constant 0 : i32
      %dma_start3A_215 = arith.constant 0 : i32
      %dma_start3A_216 = tpu.memref_slice %arg6[%dma_start3A_214, %dma_start3A_215] : memref<10240x128xf32, #tpu.memory_space<vmem_shared>> -> memref<10240x128xf32, #tpu.memory_space<vmem_shared>>
      tpu.enqueue_indirect_dma source(%arg4 : memref<80x128xf32, #tpu.memory_space<vmem>>) target(%dma_start3A_216 : memref<10240x128xf32, #tpu.memory_space<vmem_shared>>) offsets(%dma_start3A_213 : memref<80xi32, #tpu.memory_space<vmem>>) semaphore(%arg7 : memref<!tpu.dma_semaphore, #tpu.memory_space<semaphore_mem>>) {add = true}
      %mul3A_217 = arith.constant 5 : i32
      %mul3A_218 = arith.muli %add3A_206, %mul3A_217 : i32
      %add3A_219 = arith.constant 1 : i32
      %add3A_220 = arith.addi %mul3A_218, %add3A_219 : i32
      %dma_start3A_221 = arith.constant 0 : i32
      %dma_start3A_222 = tpu.memref_slice %arg5[%add3A_220, %dma_start3A_221] : memref<125x80xi32, #tpu.memory_space<vmem>> -> memref<1x80xi32, #tpu.memory_space<vmem>>
      %dma_start3A_223 = tpu.memref_squeeze %dma_start3A_222 : memref<1x80xi32, #tpu.memory_space<vmem>> -> memref<80xi32, #tpu.memory_space<vmem>>
      %dma_start3A_224 = arith.constant 0 : i32
      %dma_start3A_225 = arith.constant 0 : i32
      %dma_start3A_226 = tpu.memref_slice %arg6[%dma_start3A_224, %dma_start3A_225] : memref<10240x128xf32, #tpu.memory_space<vmem_shared>> -> memref<10240x128xf32, #tpu.memory_space<vmem_shared>>
      tpu.enqueue_indirect_dma source(%arg4 : memref<80x128xf32, #tpu.memory_space<vmem>>) target(%dma_start3A_226 : memref<10240x128xf32, #tpu.memory_space<vmem_shared>>) offsets(%dma_start3A_223 : memref<80xi32, #tpu.memory_space<vmem>>) semaphore(%arg7 : memref<!tpu.dma_semaphore, #tpu.memory_space<semaphore_mem>>) {add = true}
      %mul3A_227 = arith.constant 5 : i32
      %mul3A_228 = arith.muli %add3A_206, %mul3A_227 : i32
      %add3A_229 = arith.constant 2 : i32
      %add3A_230 = arith.addi %mul3A_228, %add3A_229 : i32
      %dma_start3A_231 = arith.constant 0 : i32
      %dma_start3A_232 = tpu.memref_slice %arg5[%add3A_230, %dma_start3A_231] : memref<125x80xi32, #tpu.memory_space<vmem>> -> memref<1x80xi32, #tpu.memory_space<vmem>>
      %dma_start3A_233 = tpu.memref_squeeze %dma_start3A_232 : memref<1x80xi32, #tpu.memory_space<vmem>> -> memref<80xi32, #tpu.memory_space<vmem>>
      %dma_start3A_234 = arith.constant 0 : i32
      %dma_start3A_235 = arith.constant 0 : i32
      %dma_start3A_236 = tpu.memref_slice %arg6[%dma_start3A_234, %dma_start3A_235] : memref<10240x128xf32, #tpu.memory_space<vmem_shared>> -> memref<10240x128xf32, #tpu.memory_space<vmem_shared>>
      tpu.enqueue_indirect_dma source(%arg4 : memref<80x128xf32, #tpu.memory_space<vmem>>) target(%dma_start3A_236 : memref<10240x128xf32, #tpu.memory_space<vmem_shared>>) offsets(%dma_start3A_233 : memref<80xi32, #tpu.memory_space<vmem>>) semaphore(%arg7 : memref<!tpu.dma_semaphore, #tpu.memory_space<semaphore_mem>>) {add = true}
      %mul3A_237 = arith.constant 5 : i32
      %mul3A_238 = arith.muli %add3A_206, %mul3A_237 : i32
      %add3A_239 = arith.constant 3 : i32
      %add3A_240 = arith.addi %mul3A_238, %add3A_239 : i32
      %dma_start3A_241 = arith.constant 0 : i32
      %dma_start3A_242 = tpu.memref_slice %arg5[%add3A_240, %dma_start3A_241] : memref<125x80xi32, #tpu.memory_space<vmem>> -> memref<1x80xi32, #tpu.memory_space<vmem>>
      %dma_start3A_243 = tpu.memref_squeeze %dma_start3A_242 : memref<1x80xi32, #tpu.memory_space<vmem>> -> memref<80xi32, #tpu.memory_space<vmem>>
      %dma_start3A_244 = arith.constant 0 : i32
      %dma_start3A_245 = arith.constant 0 : i32
      %dma_start3A_246 = tpu.memref_slice %arg6[%dma_start3A_244, %dma_start3A_245] : memref<10240x128xf32, #tpu.memory_space<vmem_shared>> -> memref<10240x128xf32, #tpu.memory_space<vmem_shared>>
      tpu.enqueue_indirect_dma source(%arg4 : memref<80x128xf32, #tpu.memory_space<vmem>>) target(%dma_start3A_246 : memref<10240x128xf32, #tpu.memory_space<vmem_shared>>) offsets(%dma_start3A_243 : memref<80xi32, #tpu.memory_space<vmem>>) semaphore(%arg7 : memref<!tpu.dma_semaphore, #tpu.memory_space<semaphore_mem>>) {add = true}
      %mul3A_247 = arith.constant 5 : i32
      %mul3A_248 = arith.muli %add3A_206, %mul3A_247 : i32
      %add3A_249 = arith.constant 4 : i32
      %add3A_250 = arith.addi %mul3A_248, %add3A_249 : i32
      %dma_start3A_251 = arith.constant 0 : i32
      %dma_start3A_252 = tpu.memref_slice %arg5[%add3A_250, %dma_start3A_251] : memref<125x80xi32, #tpu.memory_space<vmem>> -> memref<1x80xi32, #tpu.memory_space<vmem>>
      %dma_start3A_253 = tpu.memref_squeeze %dma_start3A_252 : memref<1x80xi32, #tpu.memory_space<vmem>> -> memref<80xi32, #tpu.memory_space<vmem>>
      %dma_start3A_254 = arith.constant 0 : i32
      %dma_start3A_255 = arith.constant 0 : i32
      %dma_start3A_256 = tpu.memref_slice %arg6[%dma_start3A_254, %dma_start3A_255] : memref<10240x128xf32, #tpu.memory_space<vmem_shared>> -> memref<10240x128xf32, #tpu.memory_space<vmem_shared>>
      tpu.enqueue_indirect_dma source(%arg4 : memref<80x128xf32, #tpu.memory_space<vmem>>) target(%dma_start3A_256 : memref<10240x128xf32, #tpu.memory_space<vmem_shared>>) offsets(%dma_start3A_253 : memref<80xi32, #tpu.memory_space<vmem>>) semaphore(%arg7 : memref<!tpu.dma_semaphore, #tpu.memory_space<semaphore_mem>>) {add = true}
      %add3A_257 = arith.constant 1 : i32
      %add3A_258 = arith.addi %mul3A_102, %add3A_257 : i32
      %mul3A_259 = arith.constant 5 : i32
      %mul3A_260 = arith.muli %add3A_258, %mul3A_259 : i32
      %add3A_261 = arith.constant 0 : i32
      %add3A_262 = arith.addi %mul3A_260, %add3A_261 : i32
      %dma_wait3A_263 = arith.constant 0 : i32
      %dma_wait3A_264 = tpu.memref_slice %arg5[%add3A_262, %dma_wait3A_263] : memref<125x80xi32, #tpu.memory_space<vmem>> -> memref<1x80xi32, #tpu.memory_space<vmem>>
      %dma_wait3A_265 = tpu.memref_squeeze %dma_wait3A_264 : memref<1x80xi32, #tpu.memory_space<vmem>> -> memref<80xi32, #tpu.memory_space<vmem>>
      %dma_wait3A_266 = arith.constant 0 : i32
      %dma_wait3A_267 = arith.constant 0 : i32
      %dma_wait3A_268 = tpu.memref_slice %arg6[%dma_wait3A_266, %dma_wait3A_267] : memref<10240x128xf32, #tpu.memory_space<vmem_shared>> -> memref<10240x128xf32, #tpu.memory_space<vmem_shared>>
      tpu.wait_indirect_dma semaphore(%arg8 : memref<!tpu.dma_semaphore, #tpu.memory_space<semaphore_mem>>) src(%arg4 : memref<80x128xf32, #tpu.memory_space<vmem>>) dst(%dma_wait3A_268 : memref<10240x128xf32, #tpu.memory_space<vmem_shared>>)
      %mul3A_269 = arith.constant 5 : i32
      %mul3A_270 = arith.muli %add3A_258, %mul3A_269 : i32
      %add3A_271 = arith.constant 1 : i32
      %add3A_272 = arith.addi %mul3A_270, %add3A_271 : i32
      %dma_wait3A_273 = arith.constant 0 : i32
      %dma_wait3A_274 = tpu.memref_slice %arg5[%add3A_272, %dma_wait3A_273] : memref<125x80xi32, #tpu.memory_space<vmem>> -> memref<1x80xi32, #tpu.memory_space<vmem>>
      %dma_wait3A_275 = tpu.memref_squeeze %dma_wait3A_274 : memref<1x80xi32, #tpu.memory_space<vmem>> -> memref<80xi32, #tpu.memory_space<vmem>>
      %dma_wait3A_276 = arith.constant 0 : i32
      %dma_wait3A_277 = arith.constant 0 : i32
      %dma_wait3A_278 = tpu.memref_slice %arg6[%dma_wait3A_276, %dma_wait3A_277] : memref<10240x128xf32, #tpu.memory_space<vmem_shared>> -> memref<10240x128xf32, #tpu.memory_space<vmem_shared>>
      tpu.wait_indirect_dma semaphore(%arg8 : memref<!tpu.dma_semaphore, #tpu.memory_space<semaphore_mem>>) src(%arg4 : memref<80x128xf32, #tpu.memory_space<vmem>>) dst(%dma_wait3A_278 : memref<10240x128xf32, #tpu.memory_space<vmem_shared>>)
      %mul3A_279 = arith.constant 5 : i32
      %mul3A_280 = arith.muli %add3A_258, %mul3A_279 : i32
      %add3A_281 = arith.constant 2 : i32
      %add3A_282 = arith.addi %mul3A_280, %add3A_281 : i32
      %dma_wait3A_283 = arith.constant 0 : i32
      %dma_wait3A_284 = tpu.memref_slice %arg5[%add3A_282, %dma_wait3A_283] : memref<125x80xi32, #tpu.memory_space<vmem>> -> memref<1x80xi32, #tpu.memory_space<vmem>>
      %dma_wait3A_285 = tpu.memref_squeeze %dma_wait3A_284 : memref<1x80xi32, #tpu.memory_space<vmem>> -> memref<80xi32, #tpu.memory_space<vmem>>
      %dma_wait3A_286 = arith.constant 0 : i32
      %dma_wait3A_287 = arith.constant 0 : i32
      %dma_wait3A_288 = tpu.memref_slice %arg6[%dma_wait3A_286, %dma_wait3A_287] : memref<10240x128xf32, #tpu.memory_space<vmem_shared>> -> memref<10240x128xf32, #tpu.memory_space<vmem_shared>>
      tpu.wait_indirect_dma semaphore(%arg8 : memref<!tpu.dma_semaphore, #tpu.memory_space<semaphore_mem>>) src(%arg4 : memref<80x128xf32, #tpu.memory_space<vmem>>) dst(%dma_wait3A_288 : memref<10240x128xf32, #tpu.memory_space<vmem_shared>>)
      %mul3A_289 = arith.constant 5 : i32
      %mul3A_290 = arith.muli %add3A_258, %mul3A_289 : i32
      %add3A_291 = arith.constant 3 : i32
      %add3A_292 = arith.addi %mul3A_290, %add3A_291 : i32
      %dma_wait3A_293 = arith.constant 0 : i32
      %dma_wait3A_294 = tpu.memref_slice %arg5[%add3A_292, %dma_wait3A_293] : memref<125x80xi32, #tpu.memory_space<vmem>> -> memref<1x80xi32, #tpu.memory_space<vmem>>
      %dma_wait3A_295 = tpu.memref_squeeze %dma_wait3A_294 : memref<1x80xi32, #tpu.memory_space<vmem>> -> memref<80xi32, #tpu.memory_space<vmem>>
      %dma_wait3A_296 = arith.constant 0 : i32
      %dma_wait3A_297 = arith.constant 0 : i32
      %dma_wait3A_298 = tpu.memref_slice %arg6[%dma_wait3A_296, %dma_wait3A_297] : memref<10240x128xf32, #tpu.memory_space<vmem_shared>> -> memref<10240x128xf32, #tpu.memory_space<vmem_shared>>
      tpu.wait_indirect_dma semaphore(%arg8 : memref<!tpu.dma_semaphore, #tpu.memory_space<semaphore_mem>>) src(%arg4 : memref<80x128xf32, #tpu.memory_space<vmem>>) dst(%dma_wait3A_298 : memref<10240x128xf32, #tpu.memory_space<vmem_shared>>)
      %mul3A_299 = arith.constant 5 : i32
      %mul3A_300 = arith.muli %add3A_258, %mul3A_299 : i32
      %add3A_301 = arith.constant 4 : i32
      %add3A_302 = arith.addi %mul3A_300, %add3A_301 : i32
      %dma_wait3A_303 = arith.constant 0 : i32
      %dma_wait3A_304 = tpu.memref_slice %arg5[%add3A_302, %dma_wait3A_303] : memref<125x80xi32, #tpu.memory_space<vmem>> -> memref<1x80xi32, #tpu.memory_space<vmem>>
      %dma_wait3A_305 = tpu.memref_squeeze %dma_wait3A_304 : memref<1x80xi32, #tpu.memory_space<vmem>> -> memref<80xi32, #tpu.memory_space<vmem>>
      %dma_wait3A_306 = arith.constant 0 : i32
      %dma_wait3A_307 = arith.constant 0 : i32
      %dma_wait3A_308 = tpu.memref_slice %arg6[%dma_wait3A_306, %dma_wait3A_307] : memref<10240x128xf32, #tpu.memory_space<vmem_shared>> -> memref<10240x128xf32, #tpu.memory_space<vmem_shared>>
      tpu.wait_indirect_dma semaphore(%arg8 : memref<!tpu.dma_semaphore, #tpu.memory_space<semaphore_mem>>) src(%arg4 : memref<80x128xf32, #tpu.memory_space<vmem>>) dst(%dma_wait3A_308 : memref<10240x128xf32, #tpu.memory_space<vmem_shared>>)
    }
    %scan3A_56 = arith.constant 12 : i32
    %dma_wait3A = arith.constant 120 : i32
    %dma_wait3A_57 = arith.constant 0 : i32
    %dma_wait3A_58 = tpu.memref_slice %arg5[%dma_wait3A, %dma_wait3A_57] : memref<125x80xi32, #tpu.memory_space<vmem>> -> memref<1x80xi32, #tpu.memory_space<vmem>>
    %dma_wait3A_59 = tpu.memref_squeeze %dma_wait3A_58 : memref<1x80xi32, #tpu.memory_space<vmem>> -> memref<80xi32, #tpu.memory_space<vmem>>
    %dma_wait3A_60 = arith.constant 0 : i32
    %dma_wait3A_61 = arith.constant 0 : i32
    %dma_wait3A_62 = tpu.memref_slice %arg6[%dma_wait3A_60, %dma_wait3A_61] : memref<10240x128xf32, #tpu.memory_space<vmem_shared>> -> memref<10240x128xf32, #tpu.memory_space<vmem_shared>>
    tpu.wait_indirect_dma semaphore(%arg7 : memref<!tpu.dma_semaphore, #tpu.memory_space<semaphore_mem>>) src(%arg4 : memref<80x128xf32, #tpu.memory_space<vmem>>) dst(%dma_wait3A_62 : memref<10240x128xf32, #tpu.memory_space<vmem_shared>>)
    %dma_wait3A_63 = arith.constant 121 : i32
    %dma_wait3A_64 = arith.constant 0 : i32
    %dma_wait3A_65 = tpu.memref_slice %arg5[%dma_wait3A_63, %dma_wait3A_64] : memref<125x80xi32, #tpu.memory_space<vmem>> -> memref<1x80xi32, #tpu.memory_space<vmem>>
    %dma_wait3A_66 = tpu.memref_squeeze %dma_wait3A_65 : memref<1x80xi32, #tpu.memory_space<vmem>> -> memref<80xi32, #tpu.memory_space<vmem>>
    %dma_wait3A_67 = arith.constant 0 : i32
    %dma_wait3A_68 = arith.constant 0 : i32
    %dma_wait3A_69 = tpu.memref_slice %arg6[%dma_wait3A_67, %dma_wait3A_68] : memref<10240x128xf32, #tpu.memory_space<vmem_shared>> -> memref<10240x128xf32, #tpu.memory_space<vmem_shared>>
    tpu.wait_indirect_dma semaphore(%arg7 : memref<!tpu.dma_semaphore, #tpu.memory_space<semaphore_mem>>) src(%arg4 : memref<80x128xf32, #tpu.memory_space<vmem>>) dst(%dma_wait3A_69 : memref<10240x128xf32, #tpu.memory_space<vmem_shared>>)
    %dma_wait3A_70 = arith.constant 122 : i32
    %dma_wait3A_71 = arith.constant 0 : i32
    %dma_wait3A_72 = tpu.memref_slice %arg5[%dma_wait3A_70, %dma_wait3A_71] : memref<125x80xi32, #tpu.memory_space<vmem>> -> memref<1x80xi32, #tpu.memory_space<vmem>>
    %dma_wait3A_73 = tpu.memref_squeeze %dma_wait3A_72 : memref<1x80xi32, #tpu.memory_space<vmem>> -> memref<80xi32, #tpu.memory_space<vmem>>
    %dma_wait3A_74 = arith.constant 0 : i32
    %dma_wait3A_75 = arith.constant 0 : i32
    %dma_wait3A_76 = tpu.memref_slice %arg6[%dma_wait3A_74, %dma_wait3A_75] : memref<10240x128xf32, #tpu.memory_space<vmem_shared>> -> memref<10240x128xf32, #tpu.memory_space<vmem_shared>>
    tpu.wait_indirect_dma semaphore(%arg7 : memref<!tpu.dma_semaphore, #tpu.memory_space<semaphore_mem>>) src(%arg4 : memref<80x128xf32, #tpu.memory_space<vmem>>) dst(%dma_wait3A_76 : memref<10240x128xf32, #tpu.memory_space<vmem_shared>>)
    %dma_wait3A_77 = arith.constant 123 : i32
    %dma_wait3A_78 = arith.constant 0 : i32
    %dma_wait3A_79 = tpu.memref_slice %arg5[%dma_wait3A_77, %dma_wait3A_78] : memref<125x80xi32, #tpu.memory_space<vmem>> -> memref<1x80xi32, #tpu.memory_space<vmem>>
    %dma_wait3A_80 = tpu.memref_squeeze %dma_wait3A_79 : memref<1x80xi32, #tpu.memory_space<vmem>> -> memref<80xi32, #tpu.memory_space<vmem>>
    %dma_wait3A_81 = arith.constant 0 : i32
    %dma_wait3A_82 = arith.constant 0 : i32
    %dma_wait3A_83 = tpu.memref_slice %arg6[%dma_wait3A_81, %dma_wait3A_82] : memref<10240x128xf32, #tpu.memory_space<vmem_shared>> -> memref<10240x128xf32, #tpu.memory_space<vmem_shared>>
    tpu.wait_indirect_dma semaphore(%arg7 : memref<!tpu.dma_semaphore, #tpu.memory_space<semaphore_mem>>) src(%arg4 : memref<80x128xf32, #tpu.memory_space<vmem>>) dst(%dma_wait3A_83 : memref<10240x128xf32, #tpu.memory_space<vmem_shared>>)
    %dma_wait3A_84 = arith.constant 124 : i32
    %dma_wait3A_85 = arith.constant 0 : i32
    %dma_wait3A_86 = tpu.memref_slice %arg5[%dma_wait3A_84, %dma_wait3A_85] : memref<125x80xi32, #tpu.memory_space<vmem>> -> memref<1x80xi32, #tpu.memory_space<vmem>>
    %dma_wait3A_87 = tpu.memref_squeeze %dma_wait3A_86 : memref<1x80xi32, #tpu.memory_space<vmem>> -> memref<80xi32, #tpu.memory_space<vmem>>
    %dma_wait3A_88 = arith.constant 0 : i32
    %dma_wait3A_89 = arith.constant 0 : i32
    %dma_wait3A_90 = tpu.memref_slice %arg6[%dma_wait3A_88, %dma_wait3A_89] : memref<10240x128xf32, #tpu.memory_space<vmem_shared>> -> memref<10240x128xf32, #tpu.memory_space<vmem_shared>>
    tpu.wait_indirect_dma semaphore(%arg7 : memref<!tpu.dma_semaphore, #tpu.memory_space<semaphore_mem>>) src(%arg4 : memref<80x128xf32, #tpu.memory_space<vmem>>) dst(%dma_wait3A_90 : memref<10240x128xf32, #tpu.memory_space<vmem_shared>>)
    %barrier3A_91 = arith.constant 0 : index
    tpu.barrier barrier_id(%barrier3A_91)
    %mul3A_92 = arith.constant 640 : i32
    %mul3A_93 = arith.muli %arg1, %mul3A_92 : i32
    %mul3A_94 = arith.constant 640 : i32
    %mul3A_95 = arith.muli %arg1, %mul3A_94 : i32
    "tpu.region"() ({
      %run_scoped3A = tpu.sem_alloc : memref<!tpu.dma_semaphore, #tpu.memory_space<semaphore_mem>>
      %dma_start3A_96 = arith.constant 0 : i32
      %dma_start3A_97 = tpu.memref_slice %arg3[%arg0, %mul3A_95, %dma_start3A_96] : memref<2x10240x128xf32, #tpu.memory_space<hbm>> -> memref<1x640x128xf32, #tpu.memory_space<hbm>>
      %dma_start3A_98 = tpu.memref_squeeze %dma_start3A_97 : memref<1x640x128xf32, #tpu.memory_space<hbm>> -> memref<640x128xf32, #tpu.memory_space<hbm>>
      %dma_start3A_99 = arith.constant 0 : i32
      %dma_start3A_100 = tpu.memref_slice %arg6[%mul3A_93, %dma_start3A_99] : memref<10240x128xf32, #tpu.memory_space<vmem_shared>> -> memref<640x128xf32, #tpu.memory_space<vmem_shared>>
      tpu.enqueue_dma source(%dma_start3A_100 : memref<640x128xf32, #tpu.memory_space<vmem_shared>>) target(%dma_start3A_98 : memref<640x128xf32, #tpu.memory_space<hbm>>) target_semaphore(%run_scoped3A : memref<!tpu.dma_semaphore, #tpu.memory_space<semaphore_mem>>)
      %dma_wait3A_101 = arith.constant 0 : i32
      %dma_wait3A_102 = tpu.memref_slice %arg3[%arg0, %mul3A_95, %dma_wait3A_101] : memref<2x10240x128xf32, #tpu.memory_space<hbm>> -> memref<1x640x128xf32, #tpu.memory_space<hbm>>
      %dma_wait3A_103 = tpu.memref_squeeze %dma_wait3A_102 : memref<1x640x128xf32, #tpu.memory_space<hbm>> -> memref<640x128xf32, #tpu.memory_space<hbm>>
      %dma_wait3A_104 = arith.constant 0 : i32
      %dma_wait3A_105 = tpu.memref_slice %arg6[%mul3A_93, %dma_wait3A_104] : memref<10240x128xf32, #tpu.memory_space<vmem_shared>> -> memref<640x128xf32, #tpu.memory_space<vmem_shared>>
      tpu.wait_dma2 semaphore(%run_scoped3A : memref<!tpu.dma_semaphore, #tpu.memory_space<semaphore_mem>>) src(%dma_wait3A_105 : memref<640x128xf32, #tpu.memory_space<vmem_shared>>) dst(%dma_wait3A_103 : memref<640x128xf32, #tpu.memory_space<hbm>>)
      tpu.yield
    }) : () -> ()
    return
  }
}

#map = affine_map<(d0, d1) -> (0, 0)>
#map1 = affine_map<(d0, d1) -> (0)>
#map2 = affine_map<(d0, d1) -> (0, 0, 0)>
module attributes {stable_mosaic.version = 14 : i64} {
  func.func @_prop(%arg0: i32, %arg1: i32, %arg2: memref<10000x128xf32, #tpu.memory_space<hbm>>, %arg3: memref<320000xi32, #tpu.memory_space<hbm>>, %arg4: memref<32x125x80xi32, #tpu.memory_space<hbm>>, %arg5: memref<2x10240x128xf32, #tpu.memory_space<hbm>>, %arg6: memref<80x128xf32, #tpu.memory_space<vmem>>, %arg7: memref<80x128xf32, #tpu.memory_space<vmem>>, %arg8: memref<10000xi32, #tpu.memory_space<vmem>>, %arg9: memref<125x80xi32, #tpu.memory_space<vmem>>, %arg10: memref<10240x128xf32, #tpu.memory_space<vmem_shared>>, %arg11: memref<!tpu.dma_semaphore, #tpu.memory_space<semaphore_mem>>, %arg12: memref<!tpu.dma_semaphore, #tpu.memory_space<semaphore_mem>>) attributes {dimension_semantics = [#tpu.dimension_semantics<core_parallel>, #tpu.dimension_semantics<subcore_parallel>], iteration_bounds = array<i64: 2, 16>, scalar_prefetch = 0 : i64, scratch_operands = 7 : i64, tpu.core_type = #tpu.core_type<sc_vector_subcore>, window_params = [{transform_indices = #map}, {transform_indices = #map1}, {transform_indices = #map2}, {transform_indices = #map2}]} {
    %mul3A = arith.constant 16 : i32
    %mul3A_0 = arith.muli %arg0, %mul3A : i32
    %add3A = arith.addi %mul3A_0, %arg1 : i32
    %broadcast_in_dim3A = arith.constant 0.000000e+00 : f32
    %broadcast_in_dim3A_1 = vector.broadcast %broadcast_in_dim3A : f32 to vector<16xf32>
    %scan3A = arith.constant 0 : i32
    %scan3A_2 = arith.constant 80 : i32
    %scan3A_3 = arith.addi %scan3A, %scan3A_2 : i32
    %scan3A_4 = arith.constant 1 : i32
    scf.for %scan3A_154 = %scan3A to %scan3A_3 step %scan3A_4  : i32 {
      %mul3A_155 = arith.constant 1 : i32
      %mul3A_156 = arith.muli %scan3A_154, %mul3A_155 : i32
      %add3A_157 = arith.constant 0 : i32
      %add3A_158 = arith.addi %add3A_157, %mul3A_156 : i32
      %swap3A = arith.index_cast %add3A_158 : i32 to index
      %swap3A_159 = arith.constant 0 : index
      %swap3A_160 = tpu.vector_load %arg6[%swap3A, %swap3A_159] {strides = array<i32>} : memref<80x128xf32, #tpu.memory_space<vmem>>, vector<1x16xf32>,
      %swap3A_161 = vector.shape_cast %swap3A_160 : vector<1x16xf32> to vector<16xf32>
      %swap3A_162 = vector.shape_cast %broadcast_in_dim3A_1 : vector<16xf32> to vector<1x16xf32>
      tpu.vector_store %arg6[%swap3A, %swap3A_159], %swap3A_162 {strides = array<i32>} : memref<80x128xf32, #tpu.memory_space<vmem>>, vector<1x16xf32>,
      %swap3A_163 = arith.index_cast %add3A_158 : i32 to index
      %swap3A_164 = arith.constant 16 : index
      %swap3A_165 = tpu.vector_load %arg6[%swap3A_163, %swap3A_164] {strides = array<i32>} : memref<80x128xf32, #tpu.memory_space<vmem>>, vector<1x16xf32>,
      %swap3A_166 = vector.shape_cast %swap3A_165 : vector<1x16xf32> to vector<16xf32>
      %swap3A_167 = vector.shape_cast %broadcast_in_dim3A_1 : vector<16xf32> to vector<1x16xf32>
      tpu.vector_store %arg6[%swap3A_163, %swap3A_164], %swap3A_167 {strides = array<i32>} : memref<80x128xf32, #tpu.memory_space<vmem>>, vector<1x16xf32>,
      %swap3A_168 = arith.index_cast %add3A_158 : i32 to index
      %swap3A_169 = arith.constant 32 : index
      %swap3A_170 = tpu.vector_load %arg6[%swap3A_168, %swap3A_169] {strides = array<i32>} : memref<80x128xf32, #tpu.memory_space<vmem>>, vector<1x16xf32>,
      %swap3A_171 = vector.shape_cast %swap3A_170 : vector<1x16xf32> to vector<16xf32>
      %swap3A_172 = vector.shape_cast %broadcast_in_dim3A_1 : vector<16xf32> to vector<1x16xf32>
      tpu.vector_store %arg6[%swap3A_168, %swap3A_169], %swap3A_172 {strides = array<i32>} : memref<80x128xf32, #tpu.memory_space<vmem>>, vector<1x16xf32>,
      %swap3A_173 = arith.index_cast %add3A_158 : i32 to index
      %swap3A_174 = arith.constant 48 : index
      %swap3A_175 = tpu.vector_load %arg6[%swap3A_173, %swap3A_174] {strides = array<i32>} : memref<80x128xf32, #tpu.memory_space<vmem>>, vector<1x16xf32>,
      %swap3A_176 = vector.shape_cast %swap3A_175 : vector<1x16xf32> to vector<16xf32>
      %swap3A_177 = vector.shape_cast %broadcast_in_dim3A_1 : vector<16xf32> to vector<1x16xf32>
      tpu.vector_store %arg6[%swap3A_173, %swap3A_174], %swap3A_177 {strides = array<i32>} : memref<80x128xf32, #tpu.memory_space<vmem>>, vector<1x16xf32>,
      %swap3A_178 = arith.index_cast %add3A_158 : i32 to index
      %swap3A_179 = arith.constant 64 : index
      %swap3A_180 = tpu.vector_load %arg6[%swap3A_178, %swap3A_179] {strides = array<i32>} : memref<80x128xf32, #tpu.memory_space<vmem>>, vector<1x16xf32>,
      %swap3A_181 = vector.shape_cast %swap3A_180 : vector<1x16xf32> to vector<16xf32>
      %swap3A_182 = vector.shape_cast %broadcast_in_dim3A_1 : vector<16xf32> to vector<1x16xf32>
      tpu.vector_store %arg6[%swap3A_178, %swap3A_179], %swap3A_182 {strides = array<i32>} : memref<80x128xf32, #tpu.memory_space<vmem>>, vector<1x16xf32>,
      %swap3A_183 = arith.index_cast %add3A_158 : i32 to index
      %swap3A_184 = arith.constant 80 : index
      %swap3A_185 = tpu.vector_load %arg6[%swap3A_183, %swap3A_184] {strides = array<i32>} : memref<80x128xf32, #tpu.memory_space<vmem>>, vector<1x16xf32>,
      %swap3A_186 = vector.shape_cast %swap3A_185 : vector<1x16xf32> to vector<16xf32>
      %swap3A_187 = vector.shape_cast %broadcast_in_dim3A_1 : vector<16xf32> to vector<1x16xf32>
      tpu.vector_store %arg6[%swap3A_183, %swap3A_184], %swap3A_187 {strides = array<i32>} : memref<80x128xf32, #tpu.memory_space<vmem>>, vector<1x16xf32>,
      %swap3A_188 = arith.index_cast %add3A_158 : i32 to index
      %swap3A_189 = arith.constant 96 : index
      %swap3A_190 = tpu.vector_load %arg6[%swap3A_188, %swap3A_189] {strides = array<i32>} : memref<80x128xf32, #tpu.memory_space<vmem>>, vector<1x16xf32>,
      %swap3A_191 = vector.shape_cast %swap3A_190 : vector<1x16xf32> to vector<16xf32>
      %swap3A_192 = vector.shape_cast %broadcast_in_dim3A_1 : vector<16xf32> to vector<1x16xf32>
      tpu.vector_store %arg6[%swap3A_188, %swap3A_189], %swap3A_192 {strides = array<i32>} : memref<80x128xf32, #tpu.memory_space<vmem>>, vector<1x16xf32>,
      %swap3A_193 = arith.index_cast %add3A_158 : i32 to index
      %swap3A_194 = arith.constant 112 : index
      %swap3A_195 = tpu.vector_load %arg6[%swap3A_193, %swap3A_194] {strides = array<i32>} : memref<80x128xf32, #tpu.memory_space<vmem>>, vector<1x16xf32>,
      %swap3A_196 = vector.shape_cast %swap3A_195 : vector<1x16xf32> to vector<16xf32>
      %swap3A_197 = vector.shape_cast %broadcast_in_dim3A_1 : vector<16xf32> to vector<1x16xf32>
      tpu.vector_store %arg6[%swap3A_193, %swap3A_194], %swap3A_197 {strides = array<i32>} : memref<80x128xf32, #tpu.memory_space<vmem>>, vector<1x16xf32>,
    }
    %scan3A_5 = arith.constant 80 : i32
    %mul3A_6 = arith.constant 640 : i32
    %mul3A_7 = arith.muli %arg1, %mul3A_6 : i32
    %add3A_8 = arith.constant 0 : i32
    %add3A_9 = arith.addi %mul3A_7, %add3A_8 : i32
    %dma_start3A = arith.constant 0 : i32
    %dma_start3A_10 = tpu.memref_slice %arg10[%add3A_9, %dma_start3A] : memref<10240x128xf32, #tpu.memory_space<vmem_shared>> -> memref<80x128xf32, #tpu.memory_space<vmem_shared>>
    %dma_start3A_11 = arith.constant 0 : i32
    %dma_start3A_12 = tpu.memref_slice %arg10[%add3A_9, %dma_start3A_11] : memref<10240x128xf32, #tpu.memory_space<vmem_shared>> -> memref<80x128xf32, #tpu.memory_space<vmem_shared>>
    tpu.enqueue_dma source(%arg6 : memref<80x128xf32, #tpu.memory_space<vmem>>) target(%dma_start3A_12 : memref<80x128xf32, #tpu.memory_space<vmem_shared>>) target_semaphore(%arg12 : memref<!tpu.dma_semaphore, #tpu.memory_space<semaphore_mem>>)
    %mul3A_13 = arith.constant 640 : i32
    %mul3A_14 = arith.muli %arg1, %mul3A_13 : i32
    %add3A_15 = arith.constant 80 : i32
    %add3A_16 = arith.addi %mul3A_14, %add3A_15 : i32
    %dma_start3A_17 = arith.constant 0 : i32
    %dma_start3A_18 = tpu.memref_slice %arg10[%add3A_16, %dma_start3A_17] : memref<10240x128xf32, #tpu.memory_space<vmem_shared>> -> memref<80x128xf32, #tpu.memory_space<vmem_shared>>
    %dma_start3A_19 = arith.constant 0 : i32
    %dma_start3A_20 = tpu.memref_slice %arg10[%add3A_16, %dma_start3A_19] : memref<10240x128xf32, #tpu.memory_space<vmem_shared>> -> memref<80x128xf32, #tpu.memory_space<vmem_shared>>
    tpu.enqueue_dma source(%arg6 : memref<80x128xf32, #tpu.memory_space<vmem>>) target(%dma_start3A_20 : memref<80x128xf32, #tpu.memory_space<vmem_shared>>) target_semaphore(%arg12 : memref<!tpu.dma_semaphore, #tpu.memory_space<semaphore_mem>>)
    %mul3A_21 = arith.constant 640 : i32
    %mul3A_22 = arith.muli %arg1, %mul3A_21 : i32
    %add3A_23 = arith.constant 160 : i32
    %add3A_24 = arith.addi %mul3A_22, %add3A_23 : i32
    %dma_start3A_25 = arith.constant 0 : i32
    %dma_start3A_26 = tpu.memref_slice %arg10[%add3A_24, %dma_start3A_25] : memref<10240x128xf32, #tpu.memory_space<vmem_shared>> -> memref<80x128xf32, #tpu.memory_space<vmem_shared>>
    %dma_start3A_27 = arith.constant 0 : i32
    %dma_start3A_28 = tpu.memref_slice %arg10[%add3A_24, %dma_start3A_27] : memref<10240x128xf32, #tpu.memory_space<vmem_shared>> -> memref<80x128xf32, #tpu.memory_space<vmem_shared>>
    tpu.enqueue_dma source(%arg6 : memref<80x128xf32, #tpu.memory_space<vmem>>) target(%dma_start3A_28 : memref<80x128xf32, #tpu.memory_space<vmem_shared>>) target_semaphore(%arg12 : memref<!tpu.dma_semaphore, #tpu.memory_space<semaphore_mem>>)
    %mul3A_29 = arith.constant 640 : i32
    %mul3A_30 = arith.muli %arg1, %mul3A_29 : i32
    %add3A_31 = arith.constant 240 : i32
    %add3A_32 = arith.addi %mul3A_30, %add3A_31 : i32
    %dma_start3A_33 = arith.constant 0 : i32
    %dma_start3A_34 = tpu.memref_slice %arg10[%add3A_32, %dma_start3A_33] : memref<10240x128xf32, #tpu.memory_space<vmem_shared>> -> memref<80x128xf32, #tpu.memory_space<vmem_shared>>
    %dma_start3A_35 = arith.constant 0 : i32
    %dma_start3A_36 = tpu.memref_slice %arg10[%add3A_32, %dma_start3A_35] : memref<10240x128xf32, #tpu.memory_space<vmem_shared>> -> memref<80x128xf32, #tpu.memory_space<vmem_shared>>
    tpu.enqueue_dma source(%arg6 : memref<80x128xf32, #tpu.memory_space<vmem>>) target(%dma_start3A_36 : memref<80x128xf32, #tpu.memory_space<vmem_shared>>) target_semaphore(%arg12 : memref<!tpu.dma_semaphore, #tpu.memory_space<semaphore_mem>>)
    %mul3A_37 = arith.constant 640 : i32
    %mul3A_38 = arith.muli %arg1, %mul3A_37 : i32
    %add3A_39 = arith.constant 320 : i32
    %add3A_40 = arith.addi %mul3A_38, %add3A_39 : i32
    %dma_start3A_41 = arith.constant 0 : i32
    %dma_start3A_42 = tpu.memref_slice %arg10[%add3A_40, %dma_start3A_41] : memref<10240x128xf32, #tpu.memory_space<vmem_shared>> -> memref<80x128xf32, #tpu.memory_space<vmem_shared>>
    %dma_start3A_43 = arith.constant 0 : i32
    %dma_start3A_44 = tpu.memref_slice %arg10[%add3A_40, %dma_start3A_43] : memref<10240x128xf32, #tpu.memory_space<vmem_shared>> -> memref<80x128xf32, #tpu.memory_space<vmem_shared>>
    tpu.enqueue_dma source(%arg6 : memref<80x128xf32, #tpu.memory_space<vmem>>) target(%dma_start3A_44 : memref<80x128xf32, #tpu.memory_space<vmem_shared>>) target_semaphore(%arg12 : memref<!tpu.dma_semaphore, #tpu.memory_space<semaphore_mem>>)
    %mul3A_45 = arith.constant 640 : i32
    %mul3A_46 = arith.muli %arg1, %mul3A_45 : i32
    %add3A_47 = arith.constant 400 : i32
    %add3A_48 = arith.addi %mul3A_46, %add3A_47 : i32
    %dma_start3A_49 = arith.constant 0 : i32
    %dma_start3A_50 = tpu.memref_slice %arg10[%add3A_48, %dma_start3A_49] : memref<10240x128xf32, #tpu.memory_space<vmem_shared>> -> memref<80x128xf32, #tpu.memory_space<vmem_shared>>
    %dma_start3A_51 = arith.constant 0 : i32
    %dma_start3A_52 = tpu.memref_slice %arg10[%add3A_48, %dma_start3A_51] : memref<10240x128xf32, #tpu.memory_space<vmem_shared>> -> memref<80x128xf32, #tpu.memory_space<vmem_shared>>
    tpu.enqueue_dma source(%arg6 : memref<80x128xf32, #tpu.memory_space<vmem>>) target(%dma_start3A_52 : memref<80x128xf32, #tpu.memory_space<vmem_shared>>) target_semaphore(%arg12 : memref<!tpu.dma_semaphore, #tpu.memory_space<semaphore_mem>>)
    %mul3A_53 = arith.constant 640 : i32
    %mul3A_54 = arith.muli %arg1, %mul3A_53 : i32
    %add3A_55 = arith.constant 480 : i32
    %add3A_56 = arith.addi %mul3A_54, %add3A_55 : i32
    %dma_start3A_57 = arith.constant 0 : i32
    %dma_start3A_58 = tpu.memref_slice %arg10[%add3A_56, %dma_start3A_57] : memref<10240x128xf32, #tpu.memory_space<vmem_shared>> -> memref<80x128xf32, #tpu.memory_space<vmem_shared>>
    %dma_start3A_59 = arith.constant 0 : i32
    %dma_start3A_60 = tpu.memref_slice %arg10[%add3A_56, %dma_start3A_59] : memref<10240x128xf32, #tpu.memory_space<vmem_shared>> -> memref<80x128xf32, #tpu.memory_space<vmem_shared>>
    tpu.enqueue_dma source(%arg6 : memref<80x128xf32, #tpu.memory_space<vmem>>) target(%dma_start3A_60 : memref<80x128xf32, #tpu.memory_space<vmem_shared>>) target_semaphore(%arg12 : memref<!tpu.dma_semaphore, #tpu.memory_space<semaphore_mem>>)
    %mul3A_61 = arith.constant 640 : i32
    %mul3A_62 = arith.muli %arg1, %mul3A_61 : i32
    %add3A_63 = arith.constant 560 : i32
    %add3A_64 = arith.addi %mul3A_62, %add3A_63 : i32
    %dma_start3A_65 = arith.constant 0 : i32
    %dma_start3A_66 = tpu.memref_slice %arg10[%add3A_64, %dma_start3A_65] : memref<10240x128xf32, #tpu.memory_space<vmem_shared>> -> memref<80x128xf32, #tpu.memory_space<vmem_shared>>
    %dma_start3A_67 = arith.constant 0 : i32
    %dma_start3A_68 = tpu.memref_slice %arg10[%add3A_64, %dma_start3A_67] : memref<10240x128xf32, #tpu.memory_space<vmem_shared>> -> memref<80x128xf32, #tpu.memory_space<vmem_shared>>
    tpu.enqueue_dma source(%arg6 : memref<80x128xf32, #tpu.memory_space<vmem>>) target(%dma_start3A_68 : memref<80x128xf32, #tpu.memory_space<vmem_shared>>) target_semaphore(%arg12 : memref<!tpu.dma_semaphore, #tpu.memory_space<semaphore_mem>>)
    %mul3A_69 = arith.constant 10000 : i32
    %mul3A_70 = arith.muli %add3A, %mul3A_69 : i32
    "tpu.region"() ({
      %run_scoped3A_154 = tpu.sem_alloc : memref<!tpu.dma_semaphore, #tpu.memory_space<semaphore_mem>>
      %dma_start3A_155 = tpu.memref_slice %arg3[%mul3A_70] : memref<320000xi32, #tpu.memory_space<hbm>> -> memref<10000xi32, #tpu.memory_space<hbm>>
      %dma_start3A_156 = tpu.memref_slice %arg3[%mul3A_70] : memref<320000xi32, #tpu.memory_space<hbm>> -> memref<10000xi32, #tpu.memory_space<hbm>>
      tpu.enqueue_dma source(%dma_start3A_156 : memref<10000xi32, #tpu.memory_space<hbm>>) target(%arg8 : memref<10000xi32, #tpu.memory_space<vmem>>) target_semaphore(%run_scoped3A_154 : memref<!tpu.dma_semaphore, #tpu.memory_space<semaphore_mem>>)
      %dma_wait3A_157 = tpu.memref_slice %arg3[%mul3A_70] : memref<320000xi32, #tpu.memory_space<hbm>> -> memref<10000xi32, #tpu.memory_space<hbm>>
      %dma_wait3A_158 = tpu.memref_slice %arg3[%mul3A_70] : memref<320000xi32, #tpu.memory_space<hbm>> -> memref<10000xi32, #tpu.memory_space<hbm>>
      tpu.wait_dma2 semaphore(%run_scoped3A_154 : memref<!tpu.dma_semaphore, #tpu.memory_space<semaphore_mem>>) src(%dma_wait3A_158 : memref<10000xi32, #tpu.memory_space<hbm>>) dst(%arg8 : memref<10000xi32, #tpu.memory_space<vmem>>)
      tpu.yield
    }) : () -> ()
    "tpu.region"() ({
      %run_scoped3A_154 = tpu.sem_alloc : memref<!tpu.dma_semaphore, #tpu.memory_space<semaphore_mem>>
      %dma_start3A_155 = arith.constant 0 : i32
      %dma_start3A_156 = arith.constant 0 : i32
      %dma_start3A_157 = tpu.memref_slice %arg4[%add3A, %dma_start3A_155, %dma_start3A_156] : memref<32x125x80xi32, #tpu.memory_space<hbm>> -> memref<1x125x80xi32, #tpu.memory_space<hbm>>
      %dma_start3A_158 = tpu.memref_squeeze %dma_start3A_157 : memref<1x125x80xi32, #tpu.memory_space<hbm>> -> memref<125x80xi32, #tpu.memory_space<hbm>>
      %dma_start3A_159 = arith.constant 0 : i32
      %dma_start3A_160 = arith.constant 0 : i32
      %dma_start3A_161 = tpu.memref_slice %arg4[%add3A, %dma_start3A_159, %dma_start3A_160] : memref<32x125x80xi32, #tpu.memory_space<hbm>> -> memref<1x125x80xi32, #tpu.memory_space<hbm>>
      %dma_start3A_162 = tpu.memref_squeeze %dma_start3A_161 : memref<1x125x80xi32, #tpu.memory_space<hbm>> -> memref<125x80xi32, #tpu.memory_space<hbm>>
      tpu.enqueue_dma source(%dma_start3A_162 : memref<125x80xi32, #tpu.memory_space<hbm>>) target(%arg9 : memref<125x80xi32, #tpu.memory_space<vmem>>) target_semaphore(%run_scoped3A_154 : memref<!tpu.dma_semaphore, #tpu.memory_space<semaphore_mem>>)
      %dma_wait3A_163 = arith.constant 0 : i32
      %dma_wait3A_164 = arith.constant 0 : i32
      %dma_wait3A_165 = tpu.memref_slice %arg4[%add3A, %dma_wait3A_163, %dma_wait3A_164] : memref<32x125x80xi32, #tpu.memory_space<hbm>> -> memref<1x125x80xi32, #tpu.memory_space<hbm>>
      %dma_wait3A_166 = tpu.memref_squeeze %dma_wait3A_165 : memref<1x125x80xi32, #tpu.memory_space<hbm>> -> memref<125x80xi32, #tpu.memory_space<hbm>>
      %dma_wait3A_167 = arith.constant 0 : i32
      %dma_wait3A_168 = arith.constant 0 : i32
      %dma_wait3A_169 = tpu.memref_slice %arg4[%add3A, %dma_wait3A_167, %dma_wait3A_168] : memref<32x125x80xi32, #tpu.memory_space<hbm>> -> memref<1x125x80xi32, #tpu.memory_space<hbm>>
      %dma_wait3A_170 = tpu.memref_squeeze %dma_wait3A_169 : memref<1x125x80xi32, #tpu.memory_space<hbm>> -> memref<125x80xi32, #tpu.memory_space<hbm>>
      tpu.wait_dma2 semaphore(%run_scoped3A_154 : memref<!tpu.dma_semaphore, #tpu.memory_space<semaphore_mem>>) src(%dma_wait3A_170 : memref<125x80xi32, #tpu.memory_space<hbm>>) dst(%arg9 : memref<125x80xi32, #tpu.memory_space<vmem>>)
      tpu.yield
    }) : () -> ()
    %mul3A_71 = arith.constant 640 : i32
    %mul3A_72 = arith.muli %arg1, %mul3A_71 : i32
    %add3A_73 = arith.constant 0 : i32
    %add3A_74 = arith.addi %mul3A_72, %add3A_73 : i32
    %dma_wait3A = arith.constant 0 : i32
    %dma_wait3A_75 = tpu.memref_slice %arg10[%add3A_74, %dma_wait3A] : memref<10240x128xf32, #tpu.memory_space<vmem_shared>> -> memref<80x128xf32, #tpu.memory_space<vmem_shared>>
    %dma_wait3A_76 = arith.constant 0 : i32
    %dma_wait3A_77 = tpu.memref_slice %arg10[%add3A_74, %dma_wait3A_76] : memref<10240x128xf32, #tpu.memory_space<vmem_shared>> -> memref<80x128xf32, #tpu.memory_space<vmem_shared>>
    tpu.wait_dma2 semaphore(%arg12 : memref<!tpu.dma_semaphore, #tpu.memory_space<semaphore_mem>>) src(%arg6 : memref<80x128xf32, #tpu.memory_space<vmem>>) dst(%dma_wait3A_77 : memref<80x128xf32, #tpu.memory_space<vmem_shared>>)
    %mul3A_78 = arith.constant 640 : i32
    %mul3A_79 = arith.muli %arg1, %mul3A_78 : i32
    %add3A_80 = arith.constant 80 : i32
    %add3A_81 = arith.addi %mul3A_79, %add3A_80 : i32
    %dma_wait3A_82 = arith.constant 0 : i32
    %dma_wait3A_83 = tpu.memref_slice %arg10[%add3A_81, %dma_wait3A_82] : memref<10240x128xf32, #tpu.memory_space<vmem_shared>> -> memref<80x128xf32, #tpu.memory_space<vmem_shared>>
    %dma_wait3A_84 = arith.constant 0 : i32
    %dma_wait3A_85 = tpu.memref_slice %arg10[%add3A_81, %dma_wait3A_84] : memref<10240x128xf32, #tpu.memory_space<vmem_shared>> -> memref<80x128xf32, #tpu.memory_space<vmem_shared>>
    tpu.wait_dma2 semaphore(%arg12 : memref<!tpu.dma_semaphore, #tpu.memory_space<semaphore_mem>>) src(%arg6 : memref<80x128xf32, #tpu.memory_space<vmem>>) dst(%dma_wait3A_85 : memref<80x128xf32, #tpu.memory_space<vmem_shared>>)
    %mul3A_86 = arith.constant 640 : i32
    %mul3A_87 = arith.muli %arg1, %mul3A_86 : i32
    %add3A_88 = arith.constant 160 : i32
    %add3A_89 = arith.addi %mul3A_87, %add3A_88 : i32
    %dma_wait3A_90 = arith.constant 0 : i32
    %dma_wait3A_91 = tpu.memref_slice %arg10[%add3A_89, %dma_wait3A_90] : memref<10240x128xf32, #tpu.memory_space<vmem_shared>> -> memref<80x128xf32, #tpu.memory_space<vmem_shared>>
    %dma_wait3A_92 = arith.constant 0 : i32
    %dma_wait3A_93 = tpu.memref_slice %arg10[%add3A_89, %dma_wait3A_92] : memref<10240x128xf32, #tpu.memory_space<vmem_shared>> -> memref<80x128xf32, #tpu.memory_space<vmem_shared>>
    tpu.wait_dma2 semaphore(%arg12 : memref<!tpu.dma_semaphore, #tpu.memory_space<semaphore_mem>>) src(%arg6 : memref<80x128xf32, #tpu.memory_space<vmem>>) dst(%dma_wait3A_93 : memref<80x128xf32, #tpu.memory_space<vmem_shared>>)
    %mul3A_94 = arith.constant 640 : i32
    %mul3A_95 = arith.muli %arg1, %mul3A_94 : i32
    %add3A_96 = arith.constant 240 : i32
    %add3A_97 = arith.addi %mul3A_95, %add3A_96 : i32
    %dma_wait3A_98 = arith.constant 0 : i32
    %dma_wait3A_99 = tpu.memref_slice %arg10[%add3A_97, %dma_wait3A_98] : memref<10240x128xf32, #tpu.memory_space<vmem_shared>> -> memref<80x128xf32, #tpu.memory_space<vmem_shared>>
    %dma_wait3A_100 = arith.constant 0 : i32
    %dma_wait3A_101 = tpu.memref_slice %arg10[%add3A_97, %dma_wait3A_100] : memref<10240x128xf32, #tpu.memory_space<vmem_shared>> -> memref<80x128xf32, #tpu.memory_space<vmem_shared>>
    tpu.wait_dma2 semaphore(%arg12 : memref<!tpu.dma_semaphore, #tpu.memory_space<semaphore_mem>>) src(%arg6 : memref<80x128xf32, #tpu.memory_space<vmem>>) dst(%dma_wait3A_101 : memref<80x128xf32, #tpu.memory_space<vmem_shared>>)
    %mul3A_102 = arith.constant 640 : i32
    %mul3A_103 = arith.muli %arg1, %mul3A_102 : i32
    %add3A_104 = arith.constant 320 : i32
    %add3A_105 = arith.addi %mul3A_103, %add3A_104 : i32
    %dma_wait3A_106 = arith.constant 0 : i32
    %dma_wait3A_107 = tpu.memref_slice %arg10[%add3A_105, %dma_wait3A_106] : memref<10240x128xf32, #tpu.memory_space<vmem_shared>> -> memref<80x128xf32, #tpu.memory_space<vmem_shared>>
    %dma_wait3A_108 = arith.constant 0 : i32
    %dma_wait3A_109 = tpu.memref_slice %arg10[%add3A_105, %dma_wait3A_108] : memref<10240x128xf32, #tpu.memory_space<vmem_shared>> -> memref<80x128xf32, #tpu.memory_space<vmem_shared>>
    tpu.wait_dma2 semaphore(%arg12 : memref<!tpu.dma_semaphore, #tpu.memory_space<semaphore_mem>>) src(%arg6 : memref<80x128xf32, #tpu.memory_space<vmem>>) dst(%dma_wait3A_109 : memref<80x128xf32, #tpu.memory_space<vmem_shared>>)
    %mul3A_110 = arith.constant 640 : i32
    %mul3A_111 = arith.muli %arg1, %mul3A_110 : i32
    %add3A_112 = arith.constant 400 : i32
    %add3A_113 = arith.addi %mul3A_111, %add3A_112 : i32
    %dma_wait3A_114 = arith.constant 0 : i32
    %dma_wait3A_115 = tpu.memref_slice %arg10[%add3A_113, %dma_wait3A_114] : memref<10240x128xf32, #tpu.memory_space<vmem_shared>> -> memref<80x128xf32, #tpu.memory_space<vmem_shared>>
    %dma_wait3A_116 = arith.constant 0 : i32
    %dma_wait3A_117 = tpu.memref_slice %arg10[%add3A_113, %dma_wait3A_116] : memref<10240x128xf32, #tpu.memory_space<vmem_shared>> -> memref<80x128xf32, #tpu.memory_space<vmem_shared>>
    tpu.wait_dma2 semaphore(%arg12 : memref<!tpu.dma_semaphore, #tpu.memory_space<semaphore_mem>>) src(%arg6 : memref<80x128xf32, #tpu.memory_space<vmem>>) dst(%dma_wait3A_117 : memref<80x128xf32, #tpu.memory_space<vmem_shared>>)
    %mul3A_118 = arith.constant 640 : i32
    %mul3A_119 = arith.muli %arg1, %mul3A_118 : i32
    %add3A_120 = arith.constant 480 : i32
    %add3A_121 = arith.addi %mul3A_119, %add3A_120 : i32
    %dma_wait3A_122 = arith.constant 0 : i32
    %dma_wait3A_123 = tpu.memref_slice %arg10[%add3A_121, %dma_wait3A_122] : memref<10240x128xf32, #tpu.memory_space<vmem_shared>> -> memref<80x128xf32, #tpu.memory_space<vmem_shared>>
    %dma_wait3A_124 = arith.constant 0 : i32
    %dma_wait3A_125 = tpu.memref_slice %arg10[%add3A_121, %dma_wait3A_124] : memref<10240x128xf32, #tpu.memory_space<vmem_shared>> -> memref<80x128xf32, #tpu.memory_space<vmem_shared>>
    tpu.wait_dma2 semaphore(%arg12 : memref<!tpu.dma_semaphore, #tpu.memory_space<semaphore_mem>>) src(%arg6 : memref<80x128xf32, #tpu.memory_space<vmem>>) dst(%dma_wait3A_125 : memref<80x128xf32, #tpu.memory_space<vmem_shared>>)
    %mul3A_126 = arith.constant 640 : i32
    %mul3A_127 = arith.muli %arg1, %mul3A_126 : i32
    %add3A_128 = arith.constant 560 : i32
    %add3A_129 = arith.addi %mul3A_127, %add3A_128 : i32
    %dma_wait3A_130 = arith.constant 0 : i32
    %dma_wait3A_131 = tpu.memref_slice %arg10[%add3A_129, %dma_wait3A_130] : memref<10240x128xf32, #tpu.memory_space<vmem_shared>> -> memref<80x128xf32, #tpu.memory_space<vmem_shared>>
    %dma_wait3A_132 = arith.constant 0 : i32
    %dma_wait3A_133 = tpu.memref_slice %arg10[%add3A_129, %dma_wait3A_132] : memref<10240x128xf32, #tpu.memory_space<vmem_shared>> -> memref<80x128xf32, #tpu.memory_space<vmem_shared>>
    tpu.wait_dma2 semaphore(%arg12 : memref<!tpu.dma_semaphore, #tpu.memory_space<semaphore_mem>>) src(%arg6 : memref<80x128xf32, #tpu.memory_space<vmem>>) dst(%dma_wait3A_133 : memref<80x128xf32, #tpu.memory_space<vmem_shared>>)
    %barrier3A = arith.constant 0 : index
    tpu.barrier barrier_id(%barrier3A)
    %dma_start3A_134 = arith.constant 0 : i32
    %dma_start3A_135 = tpu.memref_slice %arg8[%dma_start3A_134] : memref<10000xi32, #tpu.memory_space<vmem>> -> memref<80xi32, #tpu.memory_space<vmem>>
    %dma_start3A_136 = arith.constant 0 : i32
    %dma_start3A_137 = arith.constant 0 : i32
    %dma_start3A_138 = tpu.memref_slice %arg2[%dma_start3A_136, %dma_start3A_137] : memref<10000x128xf32, #tpu.memory_space<hbm>> -> memref<10000x128xf32, #tpu.memory_space<hbm>>
    tpu.enqueue_indirect_dma source(%dma_start3A_138 : memref<10000x128xf32, #tpu.memory_space<hbm>>) target(%arg6 : memref<80x128xf32, #tpu.memory_space<vmem>>) offsets(%dma_start3A_135 : memref<80xi32, #tpu.memory_space<vmem>>) semaphore(%arg11 : memref<!tpu.dma_semaphore, #tpu.memory_space<semaphore_mem>>)
    %scan3A_139 = arith.constant 0 : i32
    %scan3A_140 = arith.constant 62 : i32
    %scan3A_141 = arith.addi %scan3A_139, %scan3A_140 : i32
    %scan3A_142 = arith.constant 1 : i32
    scf.for %scan3A_154 = %scan3A_139 to %scan3A_141 step %scan3A_142  : i32 {
      %mul3A_155 = arith.constant 1 : i32
      %mul3A_156 = arith.muli %scan3A_154, %mul3A_155 : i32
      %add3A_157 = arith.constant 0 : i32
      %add3A_158 = arith.addi %add3A_157, %mul3A_156 : i32
      %mul3A_159 = arith.constant 2 : i32
      %mul3A_160 = arith.muli %add3A_158, %mul3A_159 : i32
      %add3A_161 = arith.constant 1 : i32
      %add3A_162 = arith.addi %mul3A_160, %add3A_161 : i32
      %mul3A_163 = arith.constant 80 : i32
      %mul3A_164 = arith.muli %add3A_162, %mul3A_163 : i32
      %dma_start3A_165 = tpu.memref_slice %arg8[%mul3A_164] : memref<10000xi32, #tpu.memory_space<vmem>> -> memref<80xi32, #tpu.memory_space<vmem>>
      %dma_start3A_166 = arith.constant 0 : i32
      %dma_start3A_167 = arith.constant 0 : i32
      %dma_start3A_168 = tpu.memref_slice %arg2[%dma_start3A_166, %dma_start3A_167] : memref<10000x128xf32, #tpu.memory_space<hbm>> -> memref<10000x128xf32, #tpu.memory_space<hbm>>
      tpu.enqueue_indirect_dma source(%dma_start3A_168 : memref<10000x128xf32, #tpu.memory_space<hbm>>) target(%arg7 : memref<80x128xf32, #tpu.memory_space<vmem>>) offsets(%dma_start3A_165 : memref<80xi32, #tpu.memory_space<vmem>>) semaphore(%arg12 : memref<!tpu.dma_semaphore, #tpu.memory_space<semaphore_mem>>)
      %mul3A_169 = arith.constant 80 : i32
      %mul3A_170 = arith.muli %mul3A_160, %mul3A_169 : i32
      %dma_wait3A_171 = tpu.memref_slice %arg8[%mul3A_170] : memref<10000xi32, #tpu.memory_space<vmem>> -> memref<80xi32, #tpu.memory_space<vmem>>
      %dma_wait3A_172 = arith.constant 0 : i32
      %dma_wait3A_173 = arith.constant 0 : i32
      %dma_wait3A_174 = tpu.memref_slice %arg2[%dma_wait3A_172, %dma_wait3A_173] : memref<10000x128xf32, #tpu.memory_space<hbm>> -> memref<10000x128xf32, #tpu.memory_space<hbm>>
      tpu.wait_indirect_dma semaphore(%arg11 : memref<!tpu.dma_semaphore, #tpu.memory_space<semaphore_mem>>) src(%dma_wait3A_174 : memref<10000x128xf32, #tpu.memory_space<hbm>>) dst(%arg6 : memref<80x128xf32, #tpu.memory_space<vmem>>)
      "tpu.region"() ({
        %run_scoped3A_193 = tpu.sem_alloc : memref<!tpu.dma_semaphore, #tpu.memory_space<semaphore_mem>>
        %dma_start3A_194 = arith.constant 0 : i32
        %dma_start3A_195 = tpu.memref_slice %arg9[%mul3A_160, %dma_start3A_194] : memref<125x80xi32, #tpu.memory_space<vmem>> -> memref<1x80xi32, #tpu.memory_space<vmem>>
        %dma_start3A_196 = tpu.memref_squeeze %dma_start3A_195 : memref<1x80xi32, #tpu.memory_space<vmem>> -> memref<80xi32, #tpu.memory_space<vmem>>
        %dma_start3A_197 = arith.constant 0 : i32
        %dma_start3A_198 = arith.constant 0 : i32
        %dma_start3A_199 = tpu.memref_slice %arg10[%dma_start3A_197, %dma_start3A_198] : memref<10240x128xf32, #tpu.memory_space<vmem_shared>> -> memref<10240x128xf32, #tpu.memory_space<vmem_shared>>
        tpu.enqueue_indirect_dma source(%arg6 : memref<80x128xf32, #tpu.memory_space<vmem>>) target(%dma_start3A_199 : memref<10240x128xf32, #tpu.memory_space<vmem_shared>>) offsets(%dma_start3A_196 : memref<80xi32, #tpu.memory_space<vmem>>) semaphore(%run_scoped3A_193 : memref<!tpu.dma_semaphore, #tpu.memory_space<semaphore_mem>>) {add = true}
        %dma_wait3A_200 = arith.constant 0 : i32
        %dma_wait3A_201 = tpu.memref_slice %arg9[%mul3A_160, %dma_wait3A_200] : memref<125x80xi32, #tpu.memory_space<vmem>> -> memref<1x80xi32, #tpu.memory_space<vmem>>
        %dma_wait3A_202 = tpu.memref_squeeze %dma_wait3A_201 : memref<1x80xi32, #tpu.memory_space<vmem>> -> memref<80xi32, #tpu.memory_space<vmem>>
        %dma_wait3A_203 = arith.constant 0 : i32
        %dma_wait3A_204 = arith.constant 0 : i32
        %dma_wait3A_205 = tpu.memref_slice %arg10[%dma_wait3A_203, %dma_wait3A_204] : memref<10240x128xf32, #tpu.memory_space<vmem_shared>> -> memref<10240x128xf32, #tpu.memory_space<vmem_shared>>
        tpu.wait_indirect_dma semaphore(%run_scoped3A_193 : memref<!tpu.dma_semaphore, #tpu.memory_space<semaphore_mem>>) src(%arg6 : memref<80x128xf32, #tpu.memory_space<vmem>>) dst(%dma_wait3A_205 : memref<10240x128xf32, #tpu.memory_space<vmem_shared>>)
        tpu.yield
      }) : () -> ()
      %add3A_175 = arith.constant 2 : i32
      %add3A_176 = arith.addi %mul3A_160, %add3A_175 : i32
      %mul3A_177 = arith.constant 80 : i32
      %mul3A_178 = arith.muli %add3A_176, %mul3A_177 : i32
      %dma_start3A_179 = tpu.memref_slice %arg8[%mul3A_178] : memref<10000xi32, #tpu.memory_space<vmem>> -> memref<80xi32, #tpu.memory_space<vmem>>
      %dma_start3A_180 = arith.constant 0 : i32
      %dma_start3A_181 = arith.constant 0 : i32
      %dma_start3A_182 = tpu.memref_slice %arg2[%dma_start3A_180, %dma_start3A_181] : memref<10000x128xf32, #tpu.memory_space<hbm>> -> memref<10000x128xf32, #tpu.memory_space<hbm>>
      tpu.enqueue_indirect_dma source(%dma_start3A_182 : memref<10000x128xf32, #tpu.memory_space<hbm>>) target(%arg6 : memref<80x128xf32, #tpu.memory_space<vmem>>) offsets(%dma_start3A_179 : memref<80xi32, #tpu.memory_space<vmem>>) semaphore(%arg11 : memref<!tpu.dma_semaphore, #tpu.memory_space<semaphore_mem>>)
      %add3A_183 = arith.constant 1 : i32
      %add3A_184 = arith.addi %mul3A_160, %add3A_183 : i32
      %mul3A_185 = arith.constant 80 : i32
      %mul3A_186 = arith.muli %add3A_184, %mul3A_185 : i32
      %dma_wait3A_187 = tpu.memref_slice %arg8[%mul3A_186] : memref<10000xi32, #tpu.memory_space<vmem>> -> memref<80xi32, #tpu.memory_space<vmem>>
      %dma_wait3A_188 = arith.constant 0 : i32
      %dma_wait3A_189 = arith.constant 0 : i32
      %dma_wait3A_190 = tpu.memref_slice %arg2[%dma_wait3A_188, %dma_wait3A_189] : memref<10000x128xf32, #tpu.memory_space<hbm>> -> memref<10000x128xf32, #tpu.memory_space<hbm>>
      tpu.wait_indirect_dma semaphore(%arg12 : memref<!tpu.dma_semaphore, #tpu.memory_space<semaphore_mem>>) src(%dma_wait3A_190 : memref<10000x128xf32, #tpu.memory_space<hbm>>) dst(%arg7 : memref<80x128xf32, #tpu.memory_space<vmem>>)
      %add3A_191 = arith.constant 1 : i32
      %add3A_192 = arith.addi %mul3A_160, %add3A_191 : i32
      "tpu.region"() ({
        %run_scoped3A_193 = tpu.sem_alloc : memref<!tpu.dma_semaphore, #tpu.memory_space<semaphore_mem>>
        %dma_start3A_194 = arith.constant 0 : i32
        %dma_start3A_195 = tpu.memref_slice %arg9[%add3A_192, %dma_start3A_194] : memref<125x80xi32, #tpu.memory_space<vmem>> -> memref<1x80xi32, #tpu.memory_space<vmem>>
        %dma_start3A_196 = tpu.memref_squeeze %dma_start3A_195 : memref<1x80xi32, #tpu.memory_space<vmem>> -> memref<80xi32, #tpu.memory_space<vmem>>
        %dma_start3A_197 = arith.constant 0 : i32
        %dma_start3A_198 = arith.constant 0 : i32
        %dma_start3A_199 = tpu.memref_slice %arg10[%dma_start3A_197, %dma_start3A_198] : memref<10240x128xf32, #tpu.memory_space<vmem_shared>> -> memref<10240x128xf32, #tpu.memory_space<vmem_shared>>
        tpu.enqueue_indirect_dma source(%arg7 : memref<80x128xf32, #tpu.memory_space<vmem>>) target(%dma_start3A_199 : memref<10240x128xf32, #tpu.memory_space<vmem_shared>>) offsets(%dma_start3A_196 : memref<80xi32, #tpu.memory_space<vmem>>) semaphore(%run_scoped3A_193 : memref<!tpu.dma_semaphore, #tpu.memory_space<semaphore_mem>>) {add = true}
        %dma_wait3A_200 = arith.constant 0 : i32
        %dma_wait3A_201 = tpu.memref_slice %arg9[%add3A_192, %dma_wait3A_200] : memref<125x80xi32, #tpu.memory_space<vmem>> -> memref<1x80xi32, #tpu.memory_space<vmem>>
        %dma_wait3A_202 = tpu.memref_squeeze %dma_wait3A_201 : memref<1x80xi32, #tpu.memory_space<vmem>> -> memref<80xi32, #tpu.memory_space<vmem>>
        %dma_wait3A_203 = arith.constant 0 : i32
        %dma_wait3A_204 = arith.constant 0 : i32
        %dma_wait3A_205 = tpu.memref_slice %arg10[%dma_wait3A_203, %dma_wait3A_204] : memref<10240x128xf32, #tpu.memory_space<vmem_shared>> -> memref<10240x128xf32, #tpu.memory_space<vmem_shared>>
        tpu.wait_indirect_dma semaphore(%run_scoped3A_193 : memref<!tpu.dma_semaphore, #tpu.memory_space<semaphore_mem>>) src(%arg7 : memref<80x128xf32, #tpu.memory_space<vmem>>) dst(%dma_wait3A_205 : memref<10240x128xf32, #tpu.memory_space<vmem_shared>>)
        tpu.yield
      }) : () -> ()
    }
    %scan3A_143 = arith.constant 62 : i32
    %dma_wait3A_144 = arith.constant 9920 : i32
    %dma_wait3A_145 = tpu.memref_slice %arg8[%dma_wait3A_144] : memref<10000xi32, #tpu.memory_space<vmem>> -> memref<80xi32, #tpu.memory_space<vmem>>
    %dma_wait3A_146 = arith.constant 0 : i32
    %dma_wait3A_147 = arith.constant 0 : i32
    %dma_wait3A_148 = tpu.memref_slice %arg2[%dma_wait3A_146, %dma_wait3A_147] : memref<10000x128xf32, #tpu.memory_space<hbm>> -> memref<10000x128xf32, #tpu.memory_space<hbm>>
    tpu.wait_indirect_dma semaphore(%arg11 : memref<!tpu.dma_semaphore, #tpu.memory_space<semaphore_mem>>) src(%dma_wait3A_148 : memref<10000x128xf32, #tpu.memory_space<hbm>>) dst(%arg6 : memref<80x128xf32, #tpu.memory_space<vmem>>)
    %run_scoped3A = arith.constant 124 : i32
    "tpu.region"() ({
      %run_scoped3A_154 = tpu.sem_alloc : memref<!tpu.dma_semaphore, #tpu.memory_space<semaphore_mem>>
      %dma_start3A_155 = arith.constant 0 : i32
      %dma_start3A_156 = tpu.memref_slice %arg9[%run_scoped3A, %dma_start3A_155] : memref<125x80xi32, #tpu.memory_space<vmem>> -> memref<1x80xi32, #tpu.memory_space<vmem>>
      %dma_start3A_157 = tpu.memref_squeeze %dma_start3A_156 : memref<1x80xi32, #tpu.memory_space<vmem>> -> memref<80xi32, #tpu.memory_space<vmem>>
      %dma_start3A_158 = arith.constant 0 : i32
      %dma_start3A_159 = arith.constant 0 : i32
      %dma_start3A_160 = tpu.memref_slice %arg10[%dma_start3A_158, %dma_start3A_159] : memref<10240x128xf32, #tpu.memory_space<vmem_shared>> -> memref<10240x128xf32, #tpu.memory_space<vmem_shared>>
      tpu.enqueue_indirect_dma source(%arg6 : memref<80x128xf32, #tpu.memory_space<vmem>>) target(%dma_start3A_160 : memref<10240x128xf32, #tpu.memory_space<vmem_shared>>) offsets(%dma_start3A_157 : memref<80xi32, #tpu.memory_space<vmem>>) semaphore(%run_scoped3A_154 : memref<!tpu.dma_semaphore, #tpu.memory_space<semaphore_mem>>) {add = true}
      %dma_wait3A_161 = arith.constant 0 : i32
      %dma_wait3A_162 = tpu.memref_slice %arg9[%run_scoped3A, %dma_wait3A_161] : memref<125x80xi32, #tpu.memory_space<vmem>> -> memref<1x80xi32, #tpu.memory_space<vmem>>
      %dma_wait3A_163 = tpu.memref_squeeze %dma_wait3A_162 : memref<1x80xi32, #tpu.memory_space<vmem>> -> memref<80xi32, #tpu.memory_space<vmem>>
      %dma_wait3A_164 = arith.constant 0 : i32
      %dma_wait3A_165 = arith.constant 0 : i32
      %dma_wait3A_166 = tpu.memref_slice %arg10[%dma_wait3A_164, %dma_wait3A_165] : memref<10240x128xf32, #tpu.memory_space<vmem_shared>> -> memref<10240x128xf32, #tpu.memory_space<vmem_shared>>
      tpu.wait_indirect_dma semaphore(%run_scoped3A_154 : memref<!tpu.dma_semaphore, #tpu.memory_space<semaphore_mem>>) src(%arg6 : memref<80x128xf32, #tpu.memory_space<vmem>>) dst(%dma_wait3A_166 : memref<10240x128xf32, #tpu.memory_space<vmem_shared>>)
      tpu.yield
    }) : () -> ()
    %barrier3A_149 = arith.constant 0 : index
    tpu.barrier barrier_id(%barrier3A_149)
    %mul3A_150 = arith.constant 640 : i32
    %mul3A_151 = arith.muli %arg1, %mul3A_150 : i32
    %mul3A_152 = arith.constant 640 : i32
    %mul3A_153 = arith.muli %arg1, %mul3A_152 : i32
    "tpu.region"() ({
      %run_scoped3A_154 = tpu.sem_alloc : memref<!tpu.dma_semaphore, #tpu.memory_space<semaphore_mem>>
      %dma_start3A_155 = arith.constant 0 : i32
      %dma_start3A_156 = tpu.memref_slice %arg5[%arg0, %mul3A_153, %dma_start3A_155] : memref<2x10240x128xf32, #tpu.memory_space<hbm>> -> memref<1x640x128xf32, #tpu.memory_space<hbm>>
      %dma_start3A_157 = tpu.memref_squeeze %dma_start3A_156 : memref<1x640x128xf32, #tpu.memory_space<hbm>> -> memref<640x128xf32, #tpu.memory_space<hbm>>
      %dma_start3A_158 = arith.constant 0 : i32
      %dma_start3A_159 = tpu.memref_slice %arg10[%mul3A_151, %dma_start3A_158] : memref<10240x128xf32, #tpu.memory_space<vmem_shared>> -> memref<640x128xf32, #tpu.memory_space<vmem_shared>>
      tpu.enqueue_dma source(%dma_start3A_159 : memref<640x128xf32, #tpu.memory_space<vmem_shared>>) target(%dma_start3A_157 : memref<640x128xf32, #tpu.memory_space<hbm>>) target_semaphore(%run_scoped3A_154 : memref<!tpu.dma_semaphore, #tpu.memory_space<semaphore_mem>>)
      %dma_wait3A_160 = arith.constant 0 : i32
      %dma_wait3A_161 = tpu.memref_slice %arg5[%arg0, %mul3A_153, %dma_wait3A_160] : memref<2x10240x128xf32, #tpu.memory_space<hbm>> -> memref<1x640x128xf32, #tpu.memory_space<hbm>>
      %dma_wait3A_162 = tpu.memref_squeeze %dma_wait3A_161 : memref<1x640x128xf32, #tpu.memory_space<hbm>> -> memref<640x128xf32, #tpu.memory_space<hbm>>
      %dma_wait3A_163 = arith.constant 0 : i32
      %dma_wait3A_164 = tpu.memref_slice %arg10[%mul3A_151, %dma_wait3A_163] : memref<10240x128xf32, #tpu.memory_space<vmem_shared>> -> memref<640x128xf32, #tpu.memory_space<vmem_shared>>
      tpu.wait_dma2 semaphore(%run_scoped3A_154 : memref<!tpu.dma_semaphore, #tpu.memory_space<semaphore_mem>>) src(%dma_wait3A_164 : memref<640x128xf32, #tpu.memory_space<vmem_shared>>) dst(%dma_wait3A_162 : memref<640x128xf32, #tpu.memory_space<hbm>>)
      tpu.yield
    }) : () -> ()
    return
  }
}

#map = affine_map<(d0, d1) -> (0, 0)>
#map1 = affine_map<(d0, d1) -> (0)>
#map2 = affine_map<(d0, d1) -> (0, 0, 0)>
module attributes {stable_mosaic.version = 14 : i64} {
  func.func @_prop(%arg0: i32, %arg1: i32, %arg2: memref<10000x128xf32, #tpu.memory_space<hbm>>, %arg3: memref<320000xi32, #tpu.memory_space<hbm>>, %arg4: memref<32x125x80xi32, #tpu.memory_space<hbm>>, %arg5: memref<2x10240x128xf32, #tpu.memory_space<hbm>>, %arg6: memref<80x128xf32, #tpu.memory_space<vmem>>, %arg7: memref<80x128xf32, #tpu.memory_space<vmem>>, %arg8: memref<10000xi32, #tpu.memory_space<vmem>>, %arg9: memref<125x80xi32, #tpu.memory_space<vmem>>, %arg10: memref<10240x128xf32, #tpu.memory_space<vmem_shared>>, %arg11: memref<!tpu.dma_semaphore, #tpu.memory_space<semaphore_mem>>, %arg12: memref<!tpu.dma_semaphore, #tpu.memory_space<semaphore_mem>>) attributes {dimension_semantics = [#tpu.dimension_semantics<core_parallel>, #tpu.dimension_semantics<subcore_parallel>], iteration_bounds = array<i64: 2, 16>, scalar_prefetch = 0 : i64, scratch_operands = 7 : i64, tpu.core_type = #tpu.core_type<sc_vector_subcore>, window_params = [{transform_indices = #map}, {transform_indices = #map1}, {transform_indices = #map2}, {transform_indices = #map2}]} {
    %mul3A = arith.constant 16 : i32
    %mul3A_0 = arith.muli %arg0, %mul3A : i32
    %add3A = arith.addi %mul3A_0, %arg1 : i32
    %broadcast_in_dim3A = arith.constant 0.000000e+00 : f32
    %broadcast_in_dim3A_1 = vector.broadcast %broadcast_in_dim3A : f32 to vector<16xf32>
    %scan3A = arith.constant 0 : i32
    %scan3A_2 = arith.constant 80 : i32
    %scan3A_3 = arith.addi %scan3A, %scan3A_2 : i32
    %scan3A_4 = arith.constant 1 : i32
    scf.for %scan3A_154 = %scan3A to %scan3A_3 step %scan3A_4  : i32 {
      %mul3A_155 = arith.constant 1 : i32
      %mul3A_156 = arith.muli %scan3A_154, %mul3A_155 : i32
      %add3A_157 = arith.constant 0 : i32
      %add3A_158 = arith.addi %add3A_157, %mul3A_156 : i32
      %swap3A = arith.index_cast %add3A_158 : i32 to index
      %swap3A_159 = arith.constant 0 : index
      %swap3A_160 = tpu.vector_load %arg6[%swap3A, %swap3A_159] {strides = array<i32>} : memref<80x128xf32, #tpu.memory_space<vmem>>, vector<1x16xf32>,
      %swap3A_161 = vector.shape_cast %swap3A_160 : vector<1x16xf32> to vector<16xf32>
      %swap3A_162 = vector.shape_cast %broadcast_in_dim3A_1 : vector<16xf32> to vector<1x16xf32>
      tpu.vector_store %arg6[%swap3A, %swap3A_159], %swap3A_162 {strides = array<i32>} : memref<80x128xf32, #tpu.memory_space<vmem>>, vector<1x16xf32>,
      %swap3A_163 = arith.index_cast %add3A_158 : i32 to index
      %swap3A_164 = arith.constant 16 : index
      %swap3A_165 = tpu.vector_load %arg6[%swap3A_163, %swap3A_164] {strides = array<i32>} : memref<80x128xf32, #tpu.memory_space<vmem>>, vector<1x16xf32>,
      %swap3A_166 = vector.shape_cast %swap3A_165 : vector<1x16xf32> to vector<16xf32>
      %swap3A_167 = vector.shape_cast %broadcast_in_dim3A_1 : vector<16xf32> to vector<1x16xf32>
      tpu.vector_store %arg6[%swap3A_163, %swap3A_164], %swap3A_167 {strides = array<i32>} : memref<80x128xf32, #tpu.memory_space<vmem>>, vector<1x16xf32>,
      %swap3A_168 = arith.index_cast %add3A_158 : i32 to index
      %swap3A_169 = arith.constant 32 : index
      %swap3A_170 = tpu.vector_load %arg6[%swap3A_168, %swap3A_169] {strides = array<i32>} : memref<80x128xf32, #tpu.memory_space<vmem>>, vector<1x16xf32>,
      %swap3A_171 = vector.shape_cast %swap3A_170 : vector<1x16xf32> to vector<16xf32>
      %swap3A_172 = vector.shape_cast %broadcast_in_dim3A_1 : vector<16xf32> to vector<1x16xf32>
      tpu.vector_store %arg6[%swap3A_168, %swap3A_169], %swap3A_172 {strides = array<i32>} : memref<80x128xf32, #tpu.memory_space<vmem>>, vector<1x16xf32>,
      %swap3A_173 = arith.index_cast %add3A_158 : i32 to index
      %swap3A_174 = arith.constant 48 : index
      %swap3A_175 = tpu.vector_load %arg6[%swap3A_173, %swap3A_174] {strides = array<i32>} : memref<80x128xf32, #tpu.memory_space<vmem>>, vector<1x16xf32>,
      %swap3A_176 = vector.shape_cast %swap3A_175 : vector<1x16xf32> to vector<16xf32>
      %swap3A_177 = vector.shape_cast %broadcast_in_dim3A_1 : vector<16xf32> to vector<1x16xf32>
      tpu.vector_store %arg6[%swap3A_173, %swap3A_174], %swap3A_177 {strides = array<i32>} : memref<80x128xf32, #tpu.memory_space<vmem>>, vector<1x16xf32>,
      %swap3A_178 = arith.index_cast %add3A_158 : i32 to index
      %swap3A_179 = arith.constant 64 : index
      %swap3A_180 = tpu.vector_load %arg6[%swap3A_178, %swap3A_179] {strides = array<i32>} : memref<80x128xf32, #tpu.memory_space<vmem>>, vector<1x16xf32>,
      %swap3A_181 = vector.shape_cast %swap3A_180 : vector<1x16xf32> to vector<16xf32>
      %swap3A_182 = vector.shape_cast %broadcast_in_dim3A_1 : vector<16xf32> to vector<1x16xf32>
      tpu.vector_store %arg6[%swap3A_178, %swap3A_179], %swap3A_182 {strides = array<i32>} : memref<80x128xf32, #tpu.memory_space<vmem>>, vector<1x16xf32>,
      %swap3A_183 = arith.index_cast %add3A_158 : i32 to index
      %swap3A_184 = arith.constant 80 : index
      %swap3A_185 = tpu.vector_load %arg6[%swap3A_183, %swap3A_184] {strides = array<i32>} : memref<80x128xf32, #tpu.memory_space<vmem>>, vector<1x16xf32>,
      %swap3A_186 = vector.shape_cast %swap3A_185 : vector<1x16xf32> to vector<16xf32>
      %swap3A_187 = vector.shape_cast %broadcast_in_dim3A_1 : vector<16xf32> to vector<1x16xf32>
      tpu.vector_store %arg6[%swap3A_183, %swap3A_184], %swap3A_187 {strides = array<i32>} : memref<80x128xf32, #tpu.memory_space<vmem>>, vector<1x16xf32>,
      %swap3A_188 = arith.index_cast %add3A_158 : i32 to index
      %swap3A_189 = arith.constant 96 : index
      %swap3A_190 = tpu.vector_load %arg6[%swap3A_188, %swap3A_189] {strides = array<i32>} : memref<80x128xf32, #tpu.memory_space<vmem>>, vector<1x16xf32>,
      %swap3A_191 = vector.shape_cast %swap3A_190 : vector<1x16xf32> to vector<16xf32>
      %swap3A_192 = vector.shape_cast %broadcast_in_dim3A_1 : vector<16xf32> to vector<1x16xf32>
      tpu.vector_store %arg6[%swap3A_188, %swap3A_189], %swap3A_192 {strides = array<i32>} : memref<80x128xf32, #tpu.memory_space<vmem>>, vector<1x16xf32>,
      %swap3A_193 = arith.index_cast %add3A_158 : i32 to index
      %swap3A_194 = arith.constant 112 : index
      %swap3A_195 = tpu.vector_load %arg6[%swap3A_193, %swap3A_194] {strides = array<i32>} : memref<80x128xf32, #tpu.memory_space<vmem>>, vector<1x16xf32>,
      %swap3A_196 = vector.shape_cast %swap3A_195 : vector<1x16xf32> to vector<16xf32>
      %swap3A_197 = vector.shape_cast %broadcast_in_dim3A_1 : vector<16xf32> to vector<1x16xf32>
      tpu.vector_store %arg6[%swap3A_193, %swap3A_194], %swap3A_197 {strides = array<i32>} : memref<80x128xf32, #tpu.memory_space<vmem>>, vector<1x16xf32>,
    }
    %scan3A_5 = arith.constant 80 : i32
    %mul3A_6 = arith.constant 640 : i32
    %mul3A_7 = arith.muli %arg1, %mul3A_6 : i32
    %add3A_8 = arith.constant 0 : i32
    %add3A_9 = arith.addi %mul3A_7, %add3A_8 : i32
    %dma_start3A = arith.constant 0 : i32
    %dma_start3A_10 = tpu.memref_slice %arg10[%add3A_9, %dma_start3A] : memref<10240x128xf32, #tpu.memory_space<vmem_shared>> -> memref<80x128xf32, #tpu.memory_space<vmem_shared>>
    %dma_start3A_11 = arith.constant 0 : i32
    %dma_start3A_12 = tpu.memref_slice %arg10[%add3A_9, %dma_start3A_11] : memref<10240x128xf32, #tpu.memory_space<vmem_shared>> -> memref<80x128xf32, #tpu.memory_space<vmem_shared>>
    tpu.enqueue_dma source(%arg6 : memref<80x128xf32, #tpu.memory_space<vmem>>) target(%dma_start3A_12 : memref<80x128xf32, #tpu.memory_space<vmem_shared>>) target_semaphore(%arg12 : memref<!tpu.dma_semaphore, #tpu.memory_space<semaphore_mem>>)
    %mul3A_13 = arith.constant 640 : i32
    %mul3A_14 = arith.muli %arg1, %mul3A_13 : i32
    %add3A_15 = arith.constant 80 : i32
    %add3A_16 = arith.addi %mul3A_14, %add3A_15 : i32
    %dma_start3A_17 = arith.constant 0 : i32
    %dma_start3A_18 = tpu.memref_slice %arg10[%add3A_16, %dma_start3A_17] : memref<10240x128xf32, #tpu.memory_space<vmem_shared>> -> memref<80x128xf32, #tpu.memory_space<vmem_shared>>
    %dma_start3A_19 = arith.constant 0 : i32
    %dma_start3A_20 = tpu.memref_slice %arg10[%add3A_16, %dma_start3A_19] : memref<10240x128xf32, #tpu.memory_space<vmem_shared>> -> memref<80x128xf32, #tpu.memory_space<vmem_shared>>
    tpu.enqueue_dma source(%arg6 : memref<80x128xf32, #tpu.memory_space<vmem>>) target(%dma_start3A_20 : memref<80x128xf32, #tpu.memory_space<vmem_shared>>) target_semaphore(%arg12 : memref<!tpu.dma_semaphore, #tpu.memory_space<semaphore_mem>>)
    %mul3A_21 = arith.constant 640 : i32
    %mul3A_22 = arith.muli %arg1, %mul3A_21 : i32
    %add3A_23 = arith.constant 160 : i32
    %add3A_24 = arith.addi %mul3A_22, %add3A_23 : i32
    %dma_start3A_25 = arith.constant 0 : i32
    %dma_start3A_26 = tpu.memref_slice %arg10[%add3A_24, %dma_start3A_25] : memref<10240x128xf32, #tpu.memory_space<vmem_shared>> -> memref<80x128xf32, #tpu.memory_space<vmem_shared>>
    %dma_start3A_27 = arith.constant 0 : i32
    %dma_start3A_28 = tpu.memref_slice %arg10[%add3A_24, %dma_start3A_27] : memref<10240x128xf32, #tpu.memory_space<vmem_shared>> -> memref<80x128xf32, #tpu.memory_space<vmem_shared>>
    tpu.enqueue_dma source(%arg6 : memref<80x128xf32, #tpu.memory_space<vmem>>) target(%dma_start3A_28 : memref<80x128xf32, #tpu.memory_space<vmem_shared>>) target_semaphore(%arg12 : memref<!tpu.dma_semaphore, #tpu.memory_space<semaphore_mem>>)
    %mul3A_29 = arith.constant 640 : i32
    %mul3A_30 = arith.muli %arg1, %mul3A_29 : i32
    %add3A_31 = arith.constant 240 : i32
    %add3A_32 = arith.addi %mul3A_30, %add3A_31 : i32
    %dma_start3A_33 = arith.constant 0 : i32
    %dma_start3A_34 = tpu.memref_slice %arg10[%add3A_32, %dma_start3A_33] : memref<10240x128xf32, #tpu.memory_space<vmem_shared>> -> memref<80x128xf32, #tpu.memory_space<vmem_shared>>
    %dma_start3A_35 = arith.constant 0 : i32
    %dma_start3A_36 = tpu.memref_slice %arg10[%add3A_32, %dma_start3A_35] : memref<10240x128xf32, #tpu.memory_space<vmem_shared>> -> memref<80x128xf32, #tpu.memory_space<vmem_shared>>
    tpu.enqueue_dma source(%arg6 : memref<80x128xf32, #tpu.memory_space<vmem>>) target(%dma_start3A_36 : memref<80x128xf32, #tpu.memory_space<vmem_shared>>) target_semaphore(%arg12 : memref<!tpu.dma_semaphore, #tpu.memory_space<semaphore_mem>>)
    %mul3A_37 = arith.constant 640 : i32
    %mul3A_38 = arith.muli %arg1, %mul3A_37 : i32
    %add3A_39 = arith.constant 320 : i32
    %add3A_40 = arith.addi %mul3A_38, %add3A_39 : i32
    %dma_start3A_41 = arith.constant 0 : i32
    %dma_start3A_42 = tpu.memref_slice %arg10[%add3A_40, %dma_start3A_41] : memref<10240x128xf32, #tpu.memory_space<vmem_shared>> -> memref<80x128xf32, #tpu.memory_space<vmem_shared>>
    %dma_start3A_43 = arith.constant 0 : i32
    %dma_start3A_44 = tpu.memref_slice %arg10[%add3A_40, %dma_start3A_43] : memref<10240x128xf32, #tpu.memory_space<vmem_shared>> -> memref<80x128xf32, #tpu.memory_space<vmem_shared>>
    tpu.enqueue_dma source(%arg6 : memref<80x128xf32, #tpu.memory_space<vmem>>) target(%dma_start3A_44 : memref<80x128xf32, #tpu.memory_space<vmem_shared>>) target_semaphore(%arg12 : memref<!tpu.dma_semaphore, #tpu.memory_space<semaphore_mem>>)
    %mul3A_45 = arith.constant 640 : i32
    %mul3A_46 = arith.muli %arg1, %mul3A_45 : i32
    %add3A_47 = arith.constant 400 : i32
    %add3A_48 = arith.addi %mul3A_46, %add3A_47 : i32
    %dma_start3A_49 = arith.constant 0 : i32
    %dma_start3A_50 = tpu.memref_slice %arg10[%add3A_48, %dma_start3A_49] : memref<10240x128xf32, #tpu.memory_space<vmem_shared>> -> memref<80x128xf32, #tpu.memory_space<vmem_shared>>
    %dma_start3A_51 = arith.constant 0 : i32
    %dma_start3A_52 = tpu.memref_slice %arg10[%add3A_48, %dma_start3A_51] : memref<10240x128xf32, #tpu.memory_space<vmem_shared>> -> memref<80x128xf32, #tpu.memory_space<vmem_shared>>
    tpu.enqueue_dma source(%arg6 : memref<80x128xf32, #tpu.memory_space<vmem>>) target(%dma_start3A_52 : memref<80x128xf32, #tpu.memory_space<vmem_shared>>) target_semaphore(%arg12 : memref<!tpu.dma_semaphore, #tpu.memory_space<semaphore_mem>>)
    %mul3A_53 = arith.constant 640 : i32
    %mul3A_54 = arith.muli %arg1, %mul3A_53 : i32
    %add3A_55 = arith.constant 480 : i32
    %add3A_56 = arith.addi %mul3A_54, %add3A_55 : i32
    %dma_start3A_57 = arith.constant 0 : i32
    %dma_start3A_58 = tpu.memref_slice %arg10[%add3A_56, %dma_start3A_57] : memref<10240x128xf32, #tpu.memory_space<vmem_shared>> -> memref<80x128xf32, #tpu.memory_space<vmem_shared>>
    %dma_start3A_59 = arith.constant 0 : i32
    %dma_start3A_60 = tpu.memref_slice %arg10[%add3A_56, %dma_start3A_59] : memref<10240x128xf32, #tpu.memory_space<vmem_shared>> -> memref<80x128xf32, #tpu.memory_space<vmem_shared>>
    tpu.enqueue_dma source(%arg6 : memref<80x128xf32, #tpu.memory_space<vmem>>) target(%dma_start3A_60 : memref<80x128xf32, #tpu.memory_space<vmem_shared>>) target_semaphore(%arg12 : memref<!tpu.dma_semaphore, #tpu.memory_space<semaphore_mem>>)
    %mul3A_61 = arith.constant 640 : i32
    %mul3A_62 = arith.muli %arg1, %mul3A_61 : i32
    %add3A_63 = arith.constant 560 : i32
    %add3A_64 = arith.addi %mul3A_62, %add3A_63 : i32
    %dma_start3A_65 = arith.constant 0 : i32
    %dma_start3A_66 = tpu.memref_slice %arg10[%add3A_64, %dma_start3A_65] : memref<10240x128xf32, #tpu.memory_space<vmem_shared>> -> memref<80x128xf32, #tpu.memory_space<vmem_shared>>
    %dma_start3A_67 = arith.constant 0 : i32
    %dma_start3A_68 = tpu.memref_slice %arg10[%add3A_64, %dma_start3A_67] : memref<10240x128xf32, #tpu.memory_space<vmem_shared>> -> memref<80x128xf32, #tpu.memory_space<vmem_shared>>
    tpu.enqueue_dma source(%arg6 : memref<80x128xf32, #tpu.memory_space<vmem>>) target(%dma_start3A_68 : memref<80x128xf32, #tpu.memory_space<vmem_shared>>) target_semaphore(%arg12 : memref<!tpu.dma_semaphore, #tpu.memory_space<semaphore_mem>>)
    %mul3A_69 = arith.constant 10000 : i32
    %mul3A_70 = arith.muli %add3A, %mul3A_69 : i32
    "tpu.region"() ({
      %run_scoped3A_154 = tpu.sem_alloc : memref<!tpu.dma_semaphore, #tpu.memory_space<semaphore_mem>>
      %dma_start3A_155 = tpu.memref_slice %arg3[%mul3A_70] : memref<320000xi32, #tpu.memory_space<hbm>> -> memref<10000xi32, #tpu.memory_space<hbm>>
      %dma_start3A_156 = tpu.memref_slice %arg3[%mul3A_70] : memref<320000xi32, #tpu.memory_space<hbm>> -> memref<10000xi32, #tpu.memory_space<hbm>>
      tpu.enqueue_dma source(%dma_start3A_156 : memref<10000xi32, #tpu.memory_space<hbm>>) target(%arg8 : memref<10000xi32, #tpu.memory_space<vmem>>) target_semaphore(%run_scoped3A_154 : memref<!tpu.dma_semaphore, #tpu.memory_space<semaphore_mem>>)
      %dma_wait3A_157 = tpu.memref_slice %arg3[%mul3A_70] : memref<320000xi32, #tpu.memory_space<hbm>> -> memref<10000xi32, #tpu.memory_space<hbm>>
      %dma_wait3A_158 = tpu.memref_slice %arg3[%mul3A_70] : memref<320000xi32, #tpu.memory_space<hbm>> -> memref<10000xi32, #tpu.memory_space<hbm>>
      tpu.wait_dma2 semaphore(%run_scoped3A_154 : memref<!tpu.dma_semaphore, #tpu.memory_space<semaphore_mem>>) src(%dma_wait3A_158 : memref<10000xi32, #tpu.memory_space<hbm>>) dst(%arg8 : memref<10000xi32, #tpu.memory_space<vmem>>)
      tpu.yield
    }) : () -> ()
    "tpu.region"() ({
      %run_scoped3A_154 = tpu.sem_alloc : memref<!tpu.dma_semaphore, #tpu.memory_space<semaphore_mem>>
      %dma_start3A_155 = arith.constant 0 : i32
      %dma_start3A_156 = arith.constant 0 : i32
      %dma_start3A_157 = tpu.memref_slice %arg4[%add3A, %dma_start3A_155, %dma_start3A_156] : memref<32x125x80xi32, #tpu.memory_space<hbm>> -> memref<1x125x80xi32, #tpu.memory_space<hbm>>
      %dma_start3A_158 = tpu.memref_squeeze %dma_start3A_157 : memref<1x125x80xi32, #tpu.memory_space<hbm>> -> memref<125x80xi32, #tpu.memory_space<hbm>>
      %dma_start3A_159 = arith.constant 0 : i32
      %dma_start3A_160 = arith.constant 0 : i32
      %dma_start3A_161 = tpu.memref_slice %arg4[%add3A, %dma_start3A_159, %dma_start3A_160] : memref<32x125x80xi32, #tpu.memory_space<hbm>> -> memref<1x125x80xi32, #tpu.memory_space<hbm>>
      %dma_start3A_162 = tpu.memref_squeeze %dma_start3A_161 : memref<1x125x80xi32, #tpu.memory_space<hbm>> -> memref<125x80xi32, #tpu.memory_space<hbm>>
      tpu.enqueue_dma source(%dma_start3A_162 : memref<125x80xi32, #tpu.memory_space<hbm>>) target(%arg9 : memref<125x80xi32, #tpu.memory_space<vmem>>) target_semaphore(%run_scoped3A_154 : memref<!tpu.dma_semaphore, #tpu.memory_space<semaphore_mem>>)
      %dma_wait3A_163 = arith.constant 0 : i32
      %dma_wait3A_164 = arith.constant 0 : i32
      %dma_wait3A_165 = tpu.memref_slice %arg4[%add3A, %dma_wait3A_163, %dma_wait3A_164] : memref<32x125x80xi32, #tpu.memory_space<hbm>> -> memref<1x125x80xi32, #tpu.memory_space<hbm>>
      %dma_wait3A_166 = tpu.memref_squeeze %dma_wait3A_165 : memref<1x125x80xi32, #tpu.memory_space<hbm>> -> memref<125x80xi32, #tpu.memory_space<hbm>>
      %dma_wait3A_167 = arith.constant 0 : i32
      %dma_wait3A_168 = arith.constant 0 : i32
      %dma_wait3A_169 = tpu.memref_slice %arg4[%add3A, %dma_wait3A_167, %dma_wait3A_168] : memref<32x125x80xi32, #tpu.memory_space<hbm>> -> memref<1x125x80xi32, #tpu.memory_space<hbm>>
      %dma_wait3A_170 = tpu.memref_squeeze %dma_wait3A_169 : memref<1x125x80xi32, #tpu.memory_space<hbm>> -> memref<125x80xi32, #tpu.memory_space<hbm>>
      tpu.wait_dma2 semaphore(%run_scoped3A_154 : memref<!tpu.dma_semaphore, #tpu.memory_space<semaphore_mem>>) src(%dma_wait3A_170 : memref<125x80xi32, #tpu.memory_space<hbm>>) dst(%arg9 : memref<125x80xi32, #tpu.memory_space<vmem>>)
      tpu.yield
    }) : () -> ()
    %mul3A_71 = arith.constant 640 : i32
    %mul3A_72 = arith.muli %arg1, %mul3A_71 : i32
    %add3A_73 = arith.constant 0 : i32
    %add3A_74 = arith.addi %mul3A_72, %add3A_73 : i32
    %dma_wait3A = arith.constant 0 : i32
    %dma_wait3A_75 = tpu.memref_slice %arg10[%add3A_74, %dma_wait3A] : memref<10240x128xf32, #tpu.memory_space<vmem_shared>> -> memref<80x128xf32, #tpu.memory_space<vmem_shared>>
    %dma_wait3A_76 = arith.constant 0 : i32
    %dma_wait3A_77 = tpu.memref_slice %arg10[%add3A_74, %dma_wait3A_76] : memref<10240x128xf32, #tpu.memory_space<vmem_shared>> -> memref<80x128xf32, #tpu.memory_space<vmem_shared>>
    tpu.wait_dma2 semaphore(%arg12 : memref<!tpu.dma_semaphore, #tpu.memory_space<semaphore_mem>>) src(%arg6 : memref<80x128xf32, #tpu.memory_space<vmem>>) dst(%dma_wait3A_77 : memref<80x128xf32, #tpu.memory_space<vmem_shared>>)
    %mul3A_78 = arith.constant 640 : i32
    %mul3A_79 = arith.muli %arg1, %mul3A_78 : i32
    %add3A_80 = arith.constant 80 : i32
    %add3A_81 = arith.addi %mul3A_79, %add3A_80 : i32
    %dma_wait3A_82 = arith.constant 0 : i32
    %dma_wait3A_83 = tpu.memref_slice %arg10[%add3A_81, %dma_wait3A_82] : memref<10240x128xf32, #tpu.memory_space<vmem_shared>> -> memref<80x128xf32, #tpu.memory_space<vmem_shared>>
    %dma_wait3A_84 = arith.constant 0 : i32
    %dma_wait3A_85 = tpu.memref_slice %arg10[%add3A_81, %dma_wait3A_84] : memref<10240x128xf32, #tpu.memory_space<vmem_shared>> -> memref<80x128xf32, #tpu.memory_space<vmem_shared>>
    tpu.wait_dma2 semaphore(%arg12 : memref<!tpu.dma_semaphore, #tpu.memory_space<semaphore_mem>>) src(%arg6 : memref<80x128xf32, #tpu.memory_space<vmem>>) dst(%dma_wait3A_85 : memref<80x128xf32, #tpu.memory_space<vmem_shared>>)
    %mul3A_86 = arith.constant 640 : i32
    %mul3A_87 = arith.muli %arg1, %mul3A_86 : i32
    %add3A_88 = arith.constant 160 : i32
    %add3A_89 = arith.addi %mul3A_87, %add3A_88 : i32
    %dma_wait3A_90 = arith.constant 0 : i32
    %dma_wait3A_91 = tpu.memref_slice %arg10[%add3A_89, %dma_wait3A_90] : memref<10240x128xf32, #tpu.memory_space<vmem_shared>> -> memref<80x128xf32, #tpu.memory_space<vmem_shared>>
    %dma_wait3A_92 = arith.constant 0 : i32
    %dma_wait3A_93 = tpu.memref_slice %arg10[%add3A_89, %dma_wait3A_92] : memref<10240x128xf32, #tpu.memory_space<vmem_shared>> -> memref<80x128xf32, #tpu.memory_space<vmem_shared>>
    tpu.wait_dma2 semaphore(%arg12 : memref<!tpu.dma_semaphore, #tpu.memory_space<semaphore_mem>>) src(%arg6 : memref<80x128xf32, #tpu.memory_space<vmem>>) dst(%dma_wait3A_93 : memref<80x128xf32, #tpu.memory_space<vmem_shared>>)
    %mul3A_94 = arith.constant 640 : i32
    %mul3A_95 = arith.muli %arg1, %mul3A_94 : i32
    %add3A_96 = arith.constant 240 : i32
    %add3A_97 = arith.addi %mul3A_95, %add3A_96 : i32
    %dma_wait3A_98 = arith.constant 0 : i32
    %dma_wait3A_99 = tpu.memref_slice %arg10[%add3A_97, %dma_wait3A_98] : memref<10240x128xf32, #tpu.memory_space<vmem_shared>> -> memref<80x128xf32, #tpu.memory_space<vmem_shared>>
    %dma_wait3A_100 = arith.constant 0 : i32
    %dma_wait3A_101 = tpu.memref_slice %arg10[%add3A_97, %dma_wait3A_100] : memref<10240x128xf32, #tpu.memory_space<vmem_shared>> -> memref<80x128xf32, #tpu.memory_space<vmem_shared>>
    tpu.wait_dma2 semaphore(%arg12 : memref<!tpu.dma_semaphore, #tpu.memory_space<semaphore_mem>>) src(%arg6 : memref<80x128xf32, #tpu.memory_space<vmem>>) dst(%dma_wait3A_101 : memref<80x128xf32, #tpu.memory_space<vmem_shared>>)
    %mul3A_102 = arith.constant 640 : i32
    %mul3A_103 = arith.muli %arg1, %mul3A_102 : i32
    %add3A_104 = arith.constant 320 : i32
    %add3A_105 = arith.addi %mul3A_103, %add3A_104 : i32
    %dma_wait3A_106 = arith.constant 0 : i32
    %dma_wait3A_107 = tpu.memref_slice %arg10[%add3A_105, %dma_wait3A_106] : memref<10240x128xf32, #tpu.memory_space<vmem_shared>> -> memref<80x128xf32, #tpu.memory_space<vmem_shared>>
    %dma_wait3A_108 = arith.constant 0 : i32
    %dma_wait3A_109 = tpu.memref_slice %arg10[%add3A_105, %dma_wait3A_108] : memref<10240x128xf32, #tpu.memory_space<vmem_shared>> -> memref<80x128xf32, #tpu.memory_space<vmem_shared>>
    tpu.wait_dma2 semaphore(%arg12 : memref<!tpu.dma_semaphore, #tpu.memory_space<semaphore_mem>>) src(%arg6 : memref<80x128xf32, #tpu.memory_space<vmem>>) dst(%dma_wait3A_109 : memref<80x128xf32, #tpu.memory_space<vmem_shared>>)
    %mul3A_110 = arith.constant 640 : i32
    %mul3A_111 = arith.muli %arg1, %mul3A_110 : i32
    %add3A_112 = arith.constant 400 : i32
    %add3A_113 = arith.addi %mul3A_111, %add3A_112 : i32
    %dma_wait3A_114 = arith.constant 0 : i32
    %dma_wait3A_115 = tpu.memref_slice %arg10[%add3A_113, %dma_wait3A_114] : memref<10240x128xf32, #tpu.memory_space<vmem_shared>> -> memref<80x128xf32, #tpu.memory_space<vmem_shared>>
    %dma_wait3A_116 = arith.constant 0 : i32
    %dma_wait3A_117 = tpu.memref_slice %arg10[%add3A_113, %dma_wait3A_116] : memref<10240x128xf32, #tpu.memory_space<vmem_shared>> -> memref<80x128xf32, #tpu.memory_space<vmem_shared>>
    tpu.wait_dma2 semaphore(%arg12 : memref<!tpu.dma_semaphore, #tpu.memory_space<semaphore_mem>>) src(%arg6 : memref<80x128xf32, #tpu.memory_space<vmem>>) dst(%dma_wait3A_117 : memref<80x128xf32, #tpu.memory_space<vmem_shared>>)
    %mul3A_118 = arith.constant 640 : i32
    %mul3A_119 = arith.muli %arg1, %mul3A_118 : i32
    %add3A_120 = arith.constant 480 : i32
    %add3A_121 = arith.addi %mul3A_119, %add3A_120 : i32
    %dma_wait3A_122 = arith.constant 0 : i32
    %dma_wait3A_123 = tpu.memref_slice %arg10[%add3A_121, %dma_wait3A_122] : memref<10240x128xf32, #tpu.memory_space<vmem_shared>> -> memref<80x128xf32, #tpu.memory_space<vmem_shared>>
    %dma_wait3A_124 = arith.constant 0 : i32
    %dma_wait3A_125 = tpu.memref_slice %arg10[%add3A_121, %dma_wait3A_124] : memref<10240x128xf32, #tpu.memory_space<vmem_shared>> -> memref<80x128xf32, #tpu.memory_space<vmem_shared>>
    tpu.wait_dma2 semaphore(%arg12 : memref<!tpu.dma_semaphore, #tpu.memory_space<semaphore_mem>>) src(%arg6 : memref<80x128xf32, #tpu.memory_space<vmem>>) dst(%dma_wait3A_125 : memref<80x128xf32, #tpu.memory_space<vmem_shared>>)
    %mul3A_126 = arith.constant 640 : i32
    %mul3A_127 = arith.muli %arg1, %mul3A_126 : i32
    %add3A_128 = arith.constant 560 : i32
    %add3A_129 = arith.addi %mul3A_127, %add3A_128 : i32
    %dma_wait3A_130 = arith.constant 0 : i32
    %dma_wait3A_131 = tpu.memref_slice %arg10[%add3A_129, %dma_wait3A_130] : memref<10240x128xf32, #tpu.memory_space<vmem_shared>> -> memref<80x128xf32, #tpu.memory_space<vmem_shared>>
    %dma_wait3A_132 = arith.constant 0 : i32
    %dma_wait3A_133 = tpu.memref_slice %arg10[%add3A_129, %dma_wait3A_132] : memref<10240x128xf32, #tpu.memory_space<vmem_shared>> -> memref<80x128xf32, #tpu.memory_space<vmem_shared>>
    tpu.wait_dma2 semaphore(%arg12 : memref<!tpu.dma_semaphore, #tpu.memory_space<semaphore_mem>>) src(%arg6 : memref<80x128xf32, #tpu.memory_space<vmem>>) dst(%dma_wait3A_133 : memref<80x128xf32, #tpu.memory_space<vmem_shared>>)
    %barrier3A = arith.constant 0 : index
    tpu.barrier barrier_id(%barrier3A)
    %dma_start3A_134 = arith.constant 0 : i32
    %dma_start3A_135 = tpu.memref_slice %arg8[%dma_start3A_134] : memref<10000xi32, #tpu.memory_space<vmem>> -> memref<80xi32, #tpu.memory_space<vmem>>
    %dma_start3A_136 = arith.constant 0 : i32
    %dma_start3A_137 = arith.constant 0 : i32
    %dma_start3A_138 = tpu.memref_slice %arg2[%dma_start3A_136, %dma_start3A_137] : memref<10000x128xf32, #tpu.memory_space<hbm>> -> memref<10000x128xf32, #tpu.memory_space<hbm>>
    tpu.enqueue_indirect_dma source(%dma_start3A_138 : memref<10000x128xf32, #tpu.memory_space<hbm>>) target(%arg6 : memref<80x128xf32, #tpu.memory_space<vmem>>) offsets(%dma_start3A_135 : memref<80xi32, #tpu.memory_space<vmem>>) semaphore(%arg11 : memref<!tpu.dma_semaphore, #tpu.memory_space<semaphore_mem>>)
    %scan3A_139 = arith.constant 0 : i32
    %scan3A_140 = arith.constant 62 : i32
    %scan3A_141 = arith.addi %scan3A_139, %scan3A_140 : i32
    %scan3A_142 = arith.constant 1 : i32
    scf.for %scan3A_154 = %scan3A_139 to %scan3A_141 step %scan3A_142  : i32 {
      %mul3A_155 = arith.constant 1 : i32
      %mul3A_156 = arith.muli %scan3A_154, %mul3A_155 : i32
      %add3A_157 = arith.constant 0 : i32
      %add3A_158 = arith.addi %add3A_157, %mul3A_156 : i32
      %mul3A_159 = arith.constant 2 : i32
      %mul3A_160 = arith.muli %add3A_158, %mul3A_159 : i32
      %add3A_161 = arith.constant 1 : i32
      %add3A_162 = arith.addi %mul3A_160, %add3A_161 : i32
      %mul3A_163 = arith.constant 80 : i32
      %mul3A_164 = arith.muli %add3A_162, %mul3A_163 : i32
      %dma_start3A_165 = tpu.memref_slice %arg8[%mul3A_164] : memref<10000xi32, #tpu.memory_space<vmem>> -> memref<80xi32, #tpu.memory_space<vmem>>
      %dma_start3A_166 = arith.constant 0 : i32
      %dma_start3A_167 = arith.constant 0 : i32
      %dma_start3A_168 = tpu.memref_slice %arg2[%dma_start3A_166, %dma_start3A_167] : memref<10000x128xf32, #tpu.memory_space<hbm>> -> memref<10000x128xf32, #tpu.memory_space<hbm>>
      tpu.enqueue_indirect_dma source(%dma_start3A_168 : memref<10000x128xf32, #tpu.memory_space<hbm>>) target(%arg7 : memref<80x128xf32, #tpu.memory_space<vmem>>) offsets(%dma_start3A_165 : memref<80xi32, #tpu.memory_space<vmem>>) semaphore(%arg12 : memref<!tpu.dma_semaphore, #tpu.memory_space<semaphore_mem>>)
      %mul3A_169 = arith.constant 80 : i32
      %mul3A_170 = arith.muli %mul3A_160, %mul3A_169 : i32
      %dma_wait3A_171 = tpu.memref_slice %arg8[%mul3A_170] : memref<10000xi32, #tpu.memory_space<vmem>> -> memref<80xi32, #tpu.memory_space<vmem>>
      %dma_wait3A_172 = arith.constant 0 : i32
      %dma_wait3A_173 = arith.constant 0 : i32
      %dma_wait3A_174 = tpu.memref_slice %arg2[%dma_wait3A_172, %dma_wait3A_173] : memref<10000x128xf32, #tpu.memory_space<hbm>> -> memref<10000x128xf32, #tpu.memory_space<hbm>>
      tpu.wait_indirect_dma semaphore(%arg11 : memref<!tpu.dma_semaphore, #tpu.memory_space<semaphore_mem>>) src(%dma_wait3A_174 : memref<10000x128xf32, #tpu.memory_space<hbm>>) dst(%arg6 : memref<80x128xf32, #tpu.memory_space<vmem>>)
      "tpu.region"() ({
        %run_scoped3A_193 = tpu.sem_alloc : memref<!tpu.dma_semaphore, #tpu.memory_space<semaphore_mem>>
        %dma_start3A_194 = arith.constant 0 : i32
        %dma_start3A_195 = tpu.memref_slice %arg9[%mul3A_160, %dma_start3A_194] : memref<125x80xi32, #tpu.memory_space<vmem>> -> memref<1x80xi32, #tpu.memory_space<vmem>>
        %dma_start3A_196 = tpu.memref_squeeze %dma_start3A_195 : memref<1x80xi32, #tpu.memory_space<vmem>> -> memref<80xi32, #tpu.memory_space<vmem>>
        %dma_start3A_197 = arith.constant 0 : i32
        %dma_start3A_198 = arith.constant 0 : i32
        %dma_start3A_199 = tpu.memref_slice %arg10[%dma_start3A_197, %dma_start3A_198] : memref<10240x128xf32, #tpu.memory_space<vmem_shared>> -> memref<10240x128xf32, #tpu.memory_space<vmem_shared>>
        tpu.enqueue_indirect_dma source(%arg6 : memref<80x128xf32, #tpu.memory_space<vmem>>) target(%dma_start3A_199 : memref<10240x128xf32, #tpu.memory_space<vmem_shared>>) offsets(%dma_start3A_196 : memref<80xi32, #tpu.memory_space<vmem>>) semaphore(%run_scoped3A_193 : memref<!tpu.dma_semaphore, #tpu.memory_space<semaphore_mem>>) {add = true}
        %dma_wait3A_200 = arith.constant 0 : i32
        %dma_wait3A_201 = tpu.memref_slice %arg9[%mul3A_160, %dma_wait3A_200] : memref<125x80xi32, #tpu.memory_space<vmem>> -> memref<1x80xi32, #tpu.memory_space<vmem>>
        %dma_wait3A_202 = tpu.memref_squeeze %dma_wait3A_201 : memref<1x80xi32, #tpu.memory_space<vmem>> -> memref<80xi32, #tpu.memory_space<vmem>>
        %dma_wait3A_203 = arith.constant 0 : i32
        %dma_wait3A_204 = arith.constant 0 : i32
        %dma_wait3A_205 = tpu.memref_slice %arg10[%dma_wait3A_203, %dma_wait3A_204] : memref<10240x128xf32, #tpu.memory_space<vmem_shared>> -> memref<10240x128xf32, #tpu.memory_space<vmem_shared>>
        tpu.wait_indirect_dma semaphore(%run_scoped3A_193 : memref<!tpu.dma_semaphore, #tpu.memory_space<semaphore_mem>>) src(%arg6 : memref<80x128xf32, #tpu.memory_space<vmem>>) dst(%dma_wait3A_205 : memref<10240x128xf32, #tpu.memory_space<vmem_shared>>)
        tpu.yield
      }) : () -> ()
      %add3A_175 = arith.constant 2 : i32
      %add3A_176 = arith.addi %mul3A_160, %add3A_175 : i32
      %mul3A_177 = arith.constant 80 : i32
      %mul3A_178 = arith.muli %add3A_176, %mul3A_177 : i32
      %dma_start3A_179 = tpu.memref_slice %arg8[%mul3A_178] : memref<10000xi32, #tpu.memory_space<vmem>> -> memref<80xi32, #tpu.memory_space<vmem>>
      %dma_start3A_180 = arith.constant 0 : i32
      %dma_start3A_181 = arith.constant 0 : i32
      %dma_start3A_182 = tpu.memref_slice %arg2[%dma_start3A_180, %dma_start3A_181] : memref<10000x128xf32, #tpu.memory_space<hbm>> -> memref<10000x128xf32, #tpu.memory_space<hbm>>
      tpu.enqueue_indirect_dma source(%dma_start3A_182 : memref<10000x128xf32, #tpu.memory_space<hbm>>) target(%arg6 : memref<80x128xf32, #tpu.memory_space<vmem>>) offsets(%dma_start3A_179 : memref<80xi32, #tpu.memory_space<vmem>>) semaphore(%arg11 : memref<!tpu.dma_semaphore, #tpu.memory_space<semaphore_mem>>)
      %add3A_183 = arith.constant 1 : i32
      %add3A_184 = arith.addi %mul3A_160, %add3A_183 : i32
      %mul3A_185 = arith.constant 80 : i32
      %mul3A_186 = arith.muli %add3A_184, %mul3A_185 : i32
      %dma_wait3A_187 = tpu.memref_slice %arg8[%mul3A_186] : memref<10000xi32, #tpu.memory_space<vmem>> -> memref<80xi32, #tpu.memory_space<vmem>>
      %dma_wait3A_188 = arith.constant 0 : i32
      %dma_wait3A_189 = arith.constant 0 : i32
      %dma_wait3A_190 = tpu.memref_slice %arg2[%dma_wait3A_188, %dma_wait3A_189] : memref<10000x128xf32, #tpu.memory_space<hbm>> -> memref<10000x128xf32, #tpu.memory_space<hbm>>
      tpu.wait_indirect_dma semaphore(%arg12 : memref<!tpu.dma_semaphore, #tpu.memory_space<semaphore_mem>>) src(%dma_wait3A_190 : memref<10000x128xf32, #tpu.memory_space<hbm>>) dst(%arg7 : memref<80x128xf32, #tpu.memory_space<vmem>>)
      %add3A_191 = arith.constant 1 : i32
      %add3A_192 = arith.addi %mul3A_160, %add3A_191 : i32
      "tpu.region"() ({
        %run_scoped3A_193 = tpu.sem_alloc : memref<!tpu.dma_semaphore, #tpu.memory_space<semaphore_mem>>
        %dma_start3A_194 = arith.constant 0 : i32
        %dma_start3A_195 = tpu.memref_slice %arg9[%add3A_192, %dma_start3A_194] : memref<125x80xi32, #tpu.memory_space<vmem>> -> memref<1x80xi32, #tpu.memory_space<vmem>>
        %dma_start3A_196 = tpu.memref_squeeze %dma_start3A_195 : memref<1x80xi32, #tpu.memory_space<vmem>> -> memref<80xi32, #tpu.memory_space<vmem>>
        %dma_start3A_197 = arith.constant 0 : i32
        %dma_start3A_198 = arith.constant 0 : i32
        %dma_start3A_199 = tpu.memref_slice %arg10[%dma_start3A_197, %dma_start3A_198] : memref<10240x128xf32, #tpu.memory_space<vmem_shared>> -> memref<10240x128xf32, #tpu.memory_space<vmem_shared>>
        tpu.enqueue_indirect_dma source(%arg7 : memref<80x128xf32, #tpu.memory_space<vmem>>) target(%dma_start3A_199 : memref<10240x128xf32, #tpu.memory_space<vmem_shared>>) offsets(%dma_start3A_196 : memref<80xi32, #tpu.memory_space<vmem>>) semaphore(%run_scoped3A_193 : memref<!tpu.dma_semaphore, #tpu.memory_space<semaphore_mem>>) {add = true}
        %dma_wait3A_200 = arith.constant 0 : i32
        %dma_wait3A_201 = tpu.memref_slice %arg9[%add3A_192, %dma_wait3A_200] : memref<125x80xi32, #tpu.memory_space<vmem>> -> memref<1x80xi32, #tpu.memory_space<vmem>>
        %dma_wait3A_202 = tpu.memref_squeeze %dma_wait3A_201 : memref<1x80xi32, #tpu.memory_space<vmem>> -> memref<80xi32, #tpu.memory_space<vmem>>
        %dma_wait3A_203 = arith.constant 0 : i32
        %dma_wait3A_204 = arith.constant 0 : i32
        %dma_wait3A_205 = tpu.memref_slice %arg10[%dma_wait3A_203, %dma_wait3A_204] : memref<10240x128xf32, #tpu.memory_space<vmem_shared>> -> memref<10240x128xf32, #tpu.memory_space<vmem_shared>>
        tpu.wait_indirect_dma semaphore(%run_scoped3A_193 : memref<!tpu.dma_semaphore, #tpu.memory_space<semaphore_mem>>) src(%arg7 : memref<80x128xf32, #tpu.memory_space<vmem>>) dst(%dma_wait3A_205 : memref<10240x128xf32, #tpu.memory_space<vmem_shared>>)
        tpu.yield
      }) : () -> ()
    }
    %scan3A_143 = arith.constant 62 : i32
    %dma_wait3A_144 = arith.constant 9920 : i32
    %dma_wait3A_145 = tpu.memref_slice %arg8[%dma_wait3A_144] : memref<10000xi32, #tpu.memory_space<vmem>> -> memref<80xi32, #tpu.memory_space<vmem>>
    %dma_wait3A_146 = arith.constant 0 : i32
    %dma_wait3A_147 = arith.constant 0 : i32
    %dma_wait3A_148 = tpu.memref_slice %arg2[%dma_wait3A_146, %dma_wait3A_147] : memref<10000x128xf32, #tpu.memory_space<hbm>> -> memref<10000x128xf32, #tpu.memory_space<hbm>>
    tpu.wait_indirect_dma semaphore(%arg11 : memref<!tpu.dma_semaphore, #tpu.memory_space<semaphore_mem>>) src(%dma_wait3A_148 : memref<10000x128xf32, #tpu.memory_space<hbm>>) dst(%arg6 : memref<80x128xf32, #tpu.memory_space<vmem>>)
    %run_scoped3A = arith.constant 124 : i32
    "tpu.region"() ({
      %run_scoped3A_154 = tpu.sem_alloc : memref<!tpu.dma_semaphore, #tpu.memory_space<semaphore_mem>>
      %dma_start3A_155 = arith.constant 0 : i32
      %dma_start3A_156 = tpu.memref_slice %arg9[%run_scoped3A, %dma_start3A_155] : memref<125x80xi32, #tpu.memory_space<vmem>> -> memref<1x80xi32, #tpu.memory_space<vmem>>
      %dma_start3A_157 = tpu.memref_squeeze %dma_start3A_156 : memref<1x80xi32, #tpu.memory_space<vmem>> -> memref<80xi32, #tpu.memory_space<vmem>>
      %dma_start3A_158 = arith.constant 0 : i32
      %dma_start3A_159 = arith.constant 0 : i32
      %dma_start3A_160 = tpu.memref_slice %arg10[%dma_start3A_158, %dma_start3A_159] : memref<10240x128xf32, #tpu.memory_space<vmem_shared>> -> memref<10240x128xf32, #tpu.memory_space<vmem_shared>>
      tpu.enqueue_indirect_dma source(%arg6 : memref<80x128xf32, #tpu.memory_space<vmem>>) target(%dma_start3A_160 : memref<10240x128xf32, #tpu.memory_space<vmem_shared>>) offsets(%dma_start3A_157 : memref<80xi32, #tpu.memory_space<vmem>>) semaphore(%run_scoped3A_154 : memref<!tpu.dma_semaphore, #tpu.memory_space<semaphore_mem>>) {add = true}
      %dma_wait3A_161 = arith.constant 0 : i32
      %dma_wait3A_162 = tpu.memref_slice %arg9[%run_scoped3A, %dma_wait3A_161] : memref<125x80xi32, #tpu.memory_space<vmem>> -> memref<1x80xi32, #tpu.memory_space<vmem>>
      %dma_wait3A_163 = tpu.memref_squeeze %dma_wait3A_162 : memref<1x80xi32, #tpu.memory_space<vmem>> -> memref<80xi32, #tpu.memory_space<vmem>>
      %dma_wait3A_164 = arith.constant 0 : i32
      %dma_wait3A_165 = arith.constant 0 : i32
      %dma_wait3A_166 = tpu.memref_slice %arg10[%dma_wait3A_164, %dma_wait3A_165] : memref<10240x128xf32, #tpu.memory_space<vmem_shared>> -> memref<10240x128xf32, #tpu.memory_space<vmem_shared>>
      tpu.wait_indirect_dma semaphore(%run_scoped3A_154 : memref<!tpu.dma_semaphore, #tpu.memory_space<semaphore_mem>>) src(%arg6 : memref<80x128xf32, #tpu.memory_space<vmem>>) dst(%dma_wait3A_166 : memref<10240x128xf32, #tpu.memory_space<vmem_shared>>)
      tpu.yield
    }) : () -> ()
    %barrier3A_149 = arith.constant 0 : index
    tpu.barrier barrier_id(%barrier3A_149)
    %mul3A_150 = arith.constant 640 : i32
    %mul3A_151 = arith.muli %arg1, %mul3A_150 : i32
    %mul3A_152 = arith.constant 640 : i32
    %mul3A_153 = arith.muli %arg1, %mul3A_152 : i32
    "tpu.region"() ({
      %run_scoped3A_154 = tpu.sem_alloc : memref<!tpu.dma_semaphore, #tpu.memory_space<semaphore_mem>>
      %dma_start3A_155 = arith.constant 0 : i32
      %dma_start3A_156 = tpu.memref_slice %arg5[%arg0, %mul3A_153, %dma_start3A_155] : memref<2x10240x128xf32, #tpu.memory_space<hbm>> -> memref<1x640x128xf32, #tpu.memory_space<hbm>>
      %dma_start3A_157 = tpu.memref_squeeze %dma_start3A_156 : memref<1x640x128xf32, #tpu.memory_space<hbm>> -> memref<640x128xf32, #tpu.memory_space<hbm>>
      %dma_start3A_158 = arith.constant 0 : i32
      %dma_start3A_159 = tpu.memref_slice %arg10[%mul3A_151, %dma_start3A_158] : memref<10240x128xf32, #tpu.memory_space<vmem_shared>> -> memref<640x128xf32, #tpu.memory_space<vmem_shared>>
      tpu.enqueue_dma source(%dma_start3A_159 : memref<640x128xf32, #tpu.memory_space<vmem_shared>>) target(%dma_start3A_157 : memref<640x128xf32, #tpu.memory_space<hbm>>) target_semaphore(%run_scoped3A_154 : memref<!tpu.dma_semaphore, #tpu.memory_space<semaphore_mem>>)
      %dma_wait3A_160 = arith.constant 0 : i32
      %dma_wait3A_161 = tpu.memref_slice %arg5[%arg0, %mul3A_153, %dma_wait3A_160] : memref<2x10240x128xf32, #tpu.memory_space<hbm>> -> memref<1x640x128xf32, #tpu.memory_space<hbm>>
      %dma_wait3A_162 = tpu.memref_squeeze %dma_wait3A_161 : memref<1x640x128xf32, #tpu.memory_space<hbm>> -> memref<640x128xf32, #tpu.memory_space<hbm>>
      %dma_wait3A_163 = arith.constant 0 : i32
      %dma_wait3A_164 = tpu.memref_slice %arg10[%mul3A_151, %dma_wait3A_163] : memref<10240x128xf32, #tpu.memory_space<vmem_shared>> -> memref<640x128xf32, #tpu.memory_space<vmem_shared>>
      tpu.wait_dma2 semaphore(%run_scoped3A_154 : memref<!tpu.dma_semaphore, #tpu.memory_space<semaphore_mem>>) src(%dma_wait3A_164 : memref<640x128xf32, #tpu.memory_space<vmem_shared>>) dst(%dma_wait3A_162 : memref<640x128xf32, #tpu.memory_space<hbm>>)
      tpu.yield
    }) : () -> ()
    return
  }
}

module attributes {stable_mosaic.version = 14 : i64} {
  func.func @_mm_body(%arg0: i32, %arg1: memref<1000x128xf32, #tpu.memory_space<vmem>>, %arg2: memref<128x128xf32, #tpu.memory_space<vmem>>, %arg3: memref<1000x128xf32, #tpu.memory_space<vmem>>) attributes {dimension_semantics = [#tpu.dimension_semantics<arbitrary>], iteration_bounds = array<i64: 10>, scalar_prefetch = 0 : i64, scratch_operands = 0 : i64, tpu.core_type = #tpu.core_type<tc>, window_params = [{transform_indices = @transform_0, window_bounds = array<i64: 1000, 128>}, {pipeline_mode = #tpu.pipeline_mode<synchronous>, transform_indices = @transform_1, window_bounds = array<i64: 128, 128>}, {transform_indices = @transform_2, window_bounds = array<i64: 1000, 128>}]} {
    %get3A = arith.constant 0 : index
    %get3A_0 = arith.constant 0 : index
    %get3A_1 = vector.load %arg1[%get3A, %get3A_0] : memref<1000x128xf32, #tpu.memory_space<vmem>>, vector<1000x128xf32>
    %get3A_2 = arith.constant 0 : index
    %get3A_3 = arith.constant 0 : index
    %get3A_4 = vector.load %arg2[%get3A_2, %get3A_3] : memref<128x128xf32, #tpu.memory_space<vmem>>, vector<128x128xf32>
    %dot_general3A = arith.constant dense<0.000000e+00> : vector<1000x128xf32>
    %dot_general3A_5 = tpu.matmul %get3A_1, %get3A_4, %dot_general3A {dimension_numbers = #tpu.dot_dimension_numbers<[1], [0], [0], [1], [0, 0, 1, 1], [], []>, transpose_lhs_hint = false} : vector<1000x128xf32>, vector<128x128xf32>, vector<1000x128xf32> -> vector<1000x128xf32>
    %swap3A = arith.constant 0 : index
    %swap3A_6 = arith.constant 0 : index
    %swap3A_7 = vector.load %arg3[%swap3A, %swap3A_6] : memref<1000x128xf32, #tpu.memory_space<vmem>>, vector<1000x128xf32>
    tpu.vector_store %arg3[%swap3A, %swap3A_6], %dot_general3A_5 {strides = array<i32>} : memref<1000x128xf32, #tpu.memory_space<vmem>>, vector<1000x128xf32>,
    return
  }
  func.func @transform_0(%arg0: i32) -> (i32, i32) {
    %c0_i32 = arith.constant 0 : i32
    %c0_i32_0 = arith.constant 0 : i32
    return %arg0, %c0_i32 : i32, i32
  }
  func.func @transform_1(%arg0: i32) -> (i32, i32) {
    %c0_i32 = arith.constant 0 : i32
    %c0_i32_0 = arith.constant 0 : i32
    %c0_i32_1 = arith.constant 0 : i32
    return %c0_i32, %c0_i32_0 : i32, i32
  }
  func.func @transform_2(%arg0: i32) -> (i32, i32) {
    %c0_i32 = arith.constant 0 : i32
    %c0_i32_0 = arith.constant 0 : i32
    return %arg0, %c0_i32 : i32, i32
  }
}

module attributes {stable_mosaic.version = 14 : i64} {
  func.func @_first_body(%arg0: i32, %arg1: memref<2x1000x128xf32, #tpu.memory_space<vmem>>, %arg2: memref<1000x128xf32, #tpu.memory_space<vmem>>, %arg3: memref<1000x128xf32, #tpu.memory_space<vmem>>, %arg4: memref<1000x1xf32, #tpu.memory_space<vmem>>) attributes {dimension_semantics = [#tpu.dimension_semantics<arbitrary>], iteration_bounds = array<i64: 10>, scalar_prefetch = 0 : i64, scratch_operands = 0 : i64, tpu.core_type = #tpu.core_type<tc>, window_params = [{transform_indices = @transform_0, window_bounds = array<i64: 2, 1000, 128>}, {transform_indices = @transform_1, window_bounds = array<i64: 1000, 128>}, {transform_indices = @transform_2, window_bounds = array<i64: 1000, 128>}, {transform_indices = @transform_3, window_bounds = array<i64: 1000, 1>}]} {
    %get3A = arith.constant 0 : index
    %get3A_0 = arith.constant 0 : index
    %get3A_1 = arith.constant 0 : index
    %get3A_2 = vector.load %arg1[%get3A, %get3A_0, %get3A_1] : memref<2x1000x128xf32, #tpu.memory_space<vmem>>, vector<1x1000x1xf32>
    %get3A_3 = vector.shape_cast %get3A_2 : vector<1x1000x1xf32> to vector<1000x1xf32>
    %get3A_4 = arith.constant 1 : index
    %get3A_5 = arith.constant 0 : index
    %get3A_6 = arith.constant 0 : index
    %get3A_7 = vector.load %arg1[%get3A_4, %get3A_5, %get3A_6] : memref<2x1000x128xf32, #tpu.memory_space<vmem>>, vector<1x1000x1xf32>
    %get3A_8 = vector.shape_cast %get3A_7 : vector<1x1000x1xf32> to vector<1000x1xf32>
    %add3A = arith.addf %get3A_3, %get3A_8 : vector<1000x1xf32>
    %add3A_9 = arith.constant 1.000000e+00 : f32
    %add3A_10 = vector.broadcast %add3A_9 : f32 to vector<1000x1xf32>
    %add3A_11 = arith.addf %add3A, %add3A_10 : vector<1000x1xf32>
    %rsqrt3A = math.rsqrt %add3A_11 : vector<1000x1xf32>
    %get3A_12 = arith.constant 0 : index
    %get3A_13 = arith.constant 0 : index
    %get3A_14 = vector.load %arg2[%get3A_12, %get3A_13] : memref<1000x128xf32, #tpu.memory_space<vmem>>, vector<1000x128xf32>
    %mul3A = vector.broadcast %rsqrt3A : vector<1000x1xf32> to vector<1000x128xf32>
    %mul3A_15 = arith.mulf %get3A_14, %mul3A : vector<1000x128xf32>
    %swap3A = arith.constant 0 : index
    %swap3A_16 = arith.constant 0 : index
    %swap3A_17 = vector.load %arg3[%swap3A, %swap3A_16] : memref<1000x128xf32, #tpu.memory_space<vmem>>, vector<1000x128xf32>
    tpu.vector_store %arg3[%swap3A, %swap3A_16], %mul3A_15 {strides = array<i32>} : memref<1000x128xf32, #tpu.memory_space<vmem>>, vector<1000x128xf32>,
    %swap3A_18 = arith.constant 0 : index
    %swap3A_19 = arith.constant 0 : index
    %swap3A_20 = vector.load %arg4[%swap3A_18, %swap3A_19] : memref<1000x1xf32, #tpu.memory_space<vmem>>, vector<1000x1xf32>
    tpu.vector_store %arg4[%swap3A_18, %swap3A_19], %rsqrt3A {strides = array<i32>} : memref<1000x1xf32, #tpu.memory_space<vmem>>, vector<1000x1xf32>,
    return
  }
  func.func @transform_0(%arg0: i32) -> (i32, i32, i32) {
    %c0_i32 = arith.constant 0 : i32
    %c0_i32_0 = arith.constant 0 : i32
    %c0_i32_1 = arith.constant 0 : i32
    return %c0_i32, %arg0, %c0_i32_0 : i32, i32, i32
  }
  func.func @transform_1(%arg0: i32) -> (i32, i32) {
    %c0_i32 = arith.constant 0 : i32
    %c0_i32_0 = arith.constant 0 : i32
    return %arg0, %c0_i32 : i32, i32
  }
  func.func @transform_2(%arg0: i32) -> (i32, i32) {
    %c0_i32 = arith.constant 0 : i32
    %c0_i32_0 = arith.constant 0 : i32
    return %arg0, %c0_i32 : i32, i32
  }
  func.func @transform_3(%arg0: i32) -> (i32, i32) {
    %c0_i32 = arith.constant 0 : i32
    %c0_i32_0 = arith.constant 0 : i32
    return %arg0, %c0_i32 : i32, i32
  }
}

module attributes {stable_mosaic.version = 14 : i64} {
  func.func @_mid_body(%arg0: i32, %arg1: memref<2x1000x128xf32, #tpu.memory_space<vmem>>, %arg2: memref<1000x128xf32, #tpu.memory_space<vmem>>, %arg3: memref<1000x1xf32, #tpu.memory_space<vmem>>, %arg4: memref<1x128xf32, #tpu.memory_space<vmem>>, %arg5: memref<128x128xf32, #tpu.memory_space<vmem>>, %arg6: memref<1000x128xf32, #tpu.memory_space<vmem>>) attributes {dimension_semantics = [#tpu.dimension_semantics<arbitrary>], iteration_bounds = array<i64: 10>, scalar_prefetch = 0 : i64, scratch_operands = 0 : i64, tpu.core_type = #tpu.core_type<tc>, window_params = [{transform_indices = @transform_0, window_bounds = array<i64: 2, 1000, 128>}, {transform_indices = @transform_1, window_bounds = array<i64: 1000, 128>}, {transform_indices = @transform_2, window_bounds = array<i64: 1000, 1>}, {pipeline_mode = #tpu.pipeline_mode<synchronous>, transform_indices = @transform_3, window_bounds = array<i64: 1, 128>}, {pipeline_mode = #tpu.pipeline_mode<synchronous>, transform_indices = @transform_4, window_bounds = array<i64: 128, 128>}, {transform_indices = @transform_5, window_bounds = array<i64: 1000, 128>}]} {
    %get3A = arith.constant 0 : index
    %get3A_0 = arith.constant 0 : index
    %get3A_1 = arith.constant 0 : index
    %get3A_2 = vector.load %arg1[%get3A, %get3A_0, %get3A_1] : memref<2x1000x128xf32, #tpu.memory_space<vmem>>, vector<1x1000x128xf32>
    %get3A_3 = vector.shape_cast %get3A_2 : vector<1x1000x128xf32> to vector<1000x128xf32>
    %get3A_4 = arith.constant 1 : index
    %get3A_5 = arith.constant 0 : index
    %get3A_6 = arith.constant 0 : index
    %get3A_7 = vector.load %arg1[%get3A_4, %get3A_5, %get3A_6] : memref<2x1000x128xf32, #tpu.memory_space<vmem>>, vector<1x1000x128xf32>
    %get3A_8 = vector.shape_cast %get3A_7 : vector<1x1000x128xf32> to vector<1000x128xf32>
    %add3A = arith.addf %get3A_3, %get3A_8 : vector<1000x128xf32>
    %get3A_9 = arith.constant 0 : index
    %get3A_10 = arith.constant 0 : index
    %get3A_11 = vector.load %arg2[%get3A_9, %get3A_10] : memref<1000x128xf32, #tpu.memory_space<vmem>>, vector<1000x128xf32>
    %add3A_12 = arith.addf %add3A, %get3A_11 : vector<1000x128xf32>
    %get3A_13 = arith.constant 0 : index
    %get3A_14 = arith.constant 0 : index
    %get3A_15 = vector.load %arg3[%get3A_13, %get3A_14] : memref<1000x1xf32, #tpu.memory_space<vmem>>, vector<1000x1xf32>
    %mul3A = vector.broadcast %get3A_15 : vector<1000x1xf32> to vector<1000x128xf32>
    %mul3A_16 = arith.mulf %add3A_12, %mul3A : vector<1000x128xf32>
    %get3A_17 = arith.constant 0 : index
    %get3A_18 = arith.constant 0 : index
    %get3A_19 = vector.load %arg4[%get3A_17, %get3A_18] : memref<1x128xf32, #tpu.memory_space<vmem>>, vector<1x128xf32>
    %add3A_20 = vector.broadcast %get3A_19 : vector<1x128xf32> to vector<1000x128xf32>
    %add3A_21 = arith.addf %mul3A_16, %add3A_20 : vector<1000x128xf32>
    %max3A = arith.constant 0.000000e+00 : f32
    %max3A_22 = vector.broadcast %max3A : f32 to vector<1000x128xf32>
    %max3A_23 = arith.maximumf %add3A_21, %max3A_22 : vector<1000x128xf32>
    %get3A_24 = arith.constant 0 : index
    %get3A_25 = arith.constant 0 : index
    %get3A_26 = vector.load %arg5[%get3A_24, %get3A_25] : memref<128x128xf32, #tpu.memory_space<vmem>>, vector<128x128xf32>
    %dot_general3A = arith.constant dense<0.000000e+00> : vector<1000x128xf32>
    %dot_general3A_27 = tpu.matmul %max3A_23, %get3A_26, %dot_general3A {dimension_numbers = #tpu.dot_dimension_numbers<[1], [0], [0], [1], [0, 0, 1, 1], [], []>, transpose_lhs_hint = false} : vector<1000x128xf32>, vector<128x128xf32>, vector<1000x128xf32> -> vector<1000x128xf32>
    %get3A_28 = arith.constant 0 : index
    %get3A_29 = arith.constant 0 : index
    %get3A_30 = vector.load %arg3[%get3A_28, %get3A_29] : memref<1000x1xf32, #tpu.memory_space<vmem>>, vector<1000x1xf32>
    %mul3A_31 = vector.broadcast %get3A_30 : vector<1000x1xf32> to vector<1000x128xf32>
    %mul3A_32 = arith.mulf %dot_general3A_27, %mul3A_31 : vector<1000x128xf32>
    %swap3A = arith.constant 0 : index
    %swap3A_33 = arith.constant 0 : index
    %swap3A_34 = vector.load %arg6[%swap3A, %swap3A_33] : memref<1000x128xf32, #tpu.memory_space<vmem>>, vector<1000x128xf32>
    tpu.vector_store %arg6[%swap3A, %swap3A_33], %mul3A_32 {strides = array<i32>} : memref<1000x128xf32, #tpu.memory_space<vmem>>, vector<1000x128xf32>,
    return
  }
  func.func @transform_0(%arg0: i32) -> (i32, i32, i32) {
    %c0_i32 = arith.constant 0 : i32
    %c0_i32_0 = arith.constant 0 : i32
    %c0_i32_1 = arith.constant 0 : i32
    return %c0_i32, %arg0, %c0_i32_0 : i32, i32, i32
  }
  func.func @transform_1(%arg0: i32) -> (i32, i32) {
    %c0_i32 = arith.constant 0 : i32
    %c0_i32_0 = arith.constant 0 : i32
    return %arg0, %c0_i32 : i32, i32
  }
  func.func @transform_2(%arg0: i32) -> (i32, i32) {
    %c0_i32 = arith.constant 0 : i32
    %c0_i32_0 = arith.constant 0 : i32
    return %arg0, %c0_i32 : i32, i32
  }
  func.func @transform_3(%arg0: i32) -> (i32, i32) {
    %c0_i32 = arith.constant 0 : i32
    %c0_i32_0 = arith.constant 0 : i32
    %c0_i32_1 = arith.constant 0 : i32
    return %c0_i32, %c0_i32_0 : i32, i32
  }
  func.func @transform_4(%arg0: i32) -> (i32, i32) {
    %c0_i32 = arith.constant 0 : i32
    %c0_i32_0 = arith.constant 0 : i32
    %c0_i32_1 = arith.constant 0 : i32
    return %c0_i32, %c0_i32_0 : i32, i32
  }
  func.func @transform_5(%arg0: i32) -> (i32, i32) {
    %c0_i32 = arith.constant 0 : i32
    %c0_i32_0 = arith.constant 0 : i32
    return %arg0, %c0_i32 : i32, i32
  }
}

module attributes {stable_mosaic.version = 14 : i64} {
  func.func @_final_body(%arg0: i32, %arg1: memref<2x1000x128xf32, #tpu.memory_space<vmem>>, %arg2: memref<1000x128xf32, #tpu.memory_space<vmem>>, %arg3: memref<1000x1xf32, #tpu.memory_space<vmem>>, %arg4: memref<1x128xf32, #tpu.memory_space<vmem>>, %arg5: memref<1x1x1000xi32, #tpu.memory_space<vmem>>, %arg6: memref<128x64xf32, #tpu.memory_space<vmem>>, %arg7: memref<1x64xf32, #tpu.memory_space<vmem>>, %arg8: memref<64x64xf32, #tpu.memory_space<vmem>>, %arg9: memref<64x128xf32, #tpu.memory_space<vmem>>, %arg10: memref<64x128xf32, #tpu.memory_space<vmem>>) attributes {dimension_semantics = [#tpu.dimension_semantics<arbitrary>], iteration_bounds = array<i64: 10>, scalar_prefetch = 0 : i64, scratch_operands = 2 : i64, tpu.core_type = #tpu.core_type<tc>, window_params = [{transform_indices = @transform_0, window_bounds = array<i64: 2, 1000, 128>}, {transform_indices = @transform_1, window_bounds = array<i64: 1000, 128>}, {transform_indices = @transform_2, window_bounds = array<i64: 1000, 1>}, {pipeline_mode = #tpu.pipeline_mode<synchronous>, transform_indices = @transform_3, window_bounds = array<i64: 1, 128>}, {transform_indices = @transform_4, window_bounds = array<i64: 1, 1, 1000>}, {pipeline_mode = #tpu.pipeline_mode<synchronous>, transform_indices = @transform_5, window_bounds = array<i64: 128, 64>}, {pipeline_mode = #tpu.pipeline_mode<synchronous>, transform_indices = @transform_6, window_bounds = array<i64: 1, 64>}, {pipeline_mode = #tpu.pipeline_mode<synchronous>, transform_indices = @transform_7, window_bounds = array<i64: 64, 64>}]} {
    %eq3A = arith.constant 0 : i32
    %eq3A_0 = arith.cmpi eq, %arg0, %eq3A : i32
    %convert_element_type3A = arith.extui %eq3A_0 : i1 to i32
    %cond3A = arith.constant 0 : i32
    %cond3A_1 = arith.cmpi ne, %convert_element_type3A, %cond3A : i32
    scf.if %cond3A_1 {
      %broadcast_in_dim3A_57 = arith.constant 0.000000e+00 : f32
      %broadcast_in_dim3A_58 = vector.broadcast %broadcast_in_dim3A_57 : f32 to vector<64x128xf32>
      %swap3A_59 = arith.constant 0 : index
      %swap3A_60 = arith.constant 0 : index
      %swap3A_61 = vector.load %arg9[%swap3A_59, %swap3A_60] : memref<64x128xf32, #tpu.memory_space<vmem>>, vector<64x128xf32>
      tpu.vector_store %arg9[%swap3A_59, %swap3A_60], %broadcast_in_dim3A_58 {strides = array<i32>} : memref<64x128xf32, #tpu.memory_space<vmem>>, vector<64x128xf32>,
      %broadcast_in_dim3A_62 = arith.constant 0.000000e+00 : f32
      %broadcast_in_dim3A_63 = vector.broadcast %broadcast_in_dim3A_62 : f32 to vector<64x128xf32>
      %swap3A_64 = arith.constant 0 : index
      %swap3A_65 = arith.constant 0 : index
      %swap3A_66 = vector.load %arg10[%swap3A_64, %swap3A_65] : memref<64x128xf32, #tpu.memory_space<vmem>>, vector<64x128xf32>
      tpu.vector_store %arg10[%swap3A_64, %swap3A_65], %broadcast_in_dim3A_63 {strides = array<i32>} : memref<64x128xf32, #tpu.memory_space<vmem>>, vector<64x128xf32>,
    } else {
    }
    %get3A = arith.constant 0 : index
    %get3A_2 = arith.constant 0 : index
    %get3A_3 = arith.constant 0 : index
    %get3A_4 = vector.load %arg1[%get3A, %get3A_2, %get3A_3] : memref<2x1000x128xf32, #tpu.memory_space<vmem>>, vector<1x1000x128xf32>
    %get3A_5 = vector.shape_cast %get3A_4 : vector<1x1000x128xf32> to vector<1000x128xf32>
    %get3A_6 = arith.constant 1 : index
    %get3A_7 = arith.constant 0 : index
    %get3A_8 = arith.constant 0 : index
    %get3A_9 = vector.load %arg1[%get3A_6, %get3A_7, %get3A_8] : memref<2x1000x128xf32, #tpu.memory_space<vmem>>, vector<1x1000x128xf32>
    %get3A_10 = vector.shape_cast %get3A_9 : vector<1x1000x128xf32> to vector<1000x128xf32>
    %add3A = arith.addf %get3A_5, %get3A_10 : vector<1000x128xf32>
    %get3A_11 = arith.constant 0 : index
    %get3A_12 = arith.constant 0 : index
    %get3A_13 = vector.load %arg2[%get3A_11, %get3A_12] : memref<1000x128xf32, #tpu.memory_space<vmem>>, vector<1000x128xf32>
    %add3A_14 = arith.addf %add3A, %get3A_13 : vector<1000x128xf32>
    %get3A_15 = arith.constant 0 : index
    %get3A_16 = arith.constant 0 : index
    %get3A_17 = vector.load %arg3[%get3A_15, %get3A_16] : memref<1000x1xf32, #tpu.memory_space<vmem>>, vector<1000x1xf32>
    %mul3A = vector.broadcast %get3A_17 : vector<1000x1xf32> to vector<1000x128xf32>
    %mul3A_18 = arith.mulf %add3A_14, %mul3A : vector<1000x128xf32>
    %get3A_19 = arith.constant 0 : index
    %get3A_20 = arith.constant 0 : index
    %get3A_21 = vector.load %arg4[%get3A_19, %get3A_20] : memref<1x128xf32, #tpu.memory_space<vmem>>, vector<1x128xf32>
    %add3A_22 = vector.broadcast %get3A_21 : vector<1x128xf32> to vector<1000x128xf32>
    %add3A_23 = arith.addf %mul3A_18, %add3A_22 : vector<1000x128xf32>
    %max3A = arith.constant 0.000000e+00 : f32
    %max3A_24 = vector.broadcast %max3A : f32 to vector<1000x128xf32>
    %max3A_25 = arith.maximumf %add3A_23, %max3A_24 : vector<1000x128xf32>
    %get3A_26 = arith.constant 0 : index
    %get3A_27 = arith.constant 0 : index
    %get3A_28 = arith.constant 0 : index
    %get3A_29 = vector.load %arg5[%get3A_26, %get3A_27, %get3A_28] : memref<1x1x1000xi32, #tpu.memory_space<vmem>>, vector<1x1x1000xi32>
    %get3A_30 = vector.shape_cast %get3A_29 : vector<1x1x1000xi32> to vector<1x1000xi32>
    %iota3A = tpu.iota {dimensions = array<i32: 0>} : vector<64x1000xi32>
    %eq3A_31 = vector.broadcast %get3A_30 : vector<1x1000xi32> to vector<64x1000xi32>
    %eq3A_32 = arith.cmpi eq, %iota3A, %eq3A_31 : vector<64x1000xi32>
    %convert_element_type3A_33 = arith.extui %eq3A_32 : vector<64x1000xi1> to vector<64x1000xi32>
    %convert_element_type3A_34 = arith.sitofp %convert_element_type3A_33 : vector<64x1000xi32> to vector<64x1000xf32>
    %get3A_35 = arith.constant 0 : index
    %get3A_36 = arith.constant 0 : index
    %get3A_37 = vector.load %arg9[%get3A_35, %get3A_36] : memref<64x128xf32, #tpu.memory_space<vmem>>, vector<64x128xf32>
    %dot_general3A = arith.constant dense<0.000000e+00> : vector<64x128xf32>
    %dot_general3A_38 = tpu.matmul %convert_element_type3A_34, %max3A_25, %dot_general3A {dimension_numbers = #tpu.dot_dimension_numbers<[1], [0], [0], [1], [0, 0, 1, 1], [], []>, transpose_lhs_hint = false} : vector<64x1000xf32>, vector<1000x128xf32>, vector<64x128xf32> -> vector<64x128xf32>
    %add3A_39 = arith.addf %get3A_37, %dot_general3A_38 : vector<64x128xf32>
    %swap3A = arith.constant 0 : index
    %swap3A_40 = arith.constant 0 : index
    %swap3A_41 = vector.load %arg9[%swap3A, %swap3A_40] : memref<64x128xf32, #tpu.memory_space<vmem>>, vector<64x128xf32>
    tpu.vector_store %arg9[%swap3A, %swap3A_40], %add3A_39 {strides = array<i32>} : memref<64x128xf32, #tpu.memory_space<vmem>>, vector<64x128xf32>,
    %get3A_42 = arith.constant 0 : index
    %get3A_43 = arith.constant 0 : index
    %get3A_44 = vector.load %arg10[%get3A_42, %get3A_43] : memref<64x128xf32, #tpu.memory_space<vmem>>, vector<64x128xf32>
    %reduce_sum3A = arith.constant dense<0.000000e+00> : vector<64xf32>
    %reduce_sum3A_45 = vector.multi_reduction <add>, %convert_element_type3A_34, %reduce_sum3A [1] : vector<64x1000xf32> to vector<64xf32>
    %broadcast_in_dim3A = vector.shape_cast %reduce_sum3A_45 : vector<64xf32> to vector<64x1xf32>
    %broadcast_in_dim3A_46 = vector.shape_cast %broadcast_in_dim3A : vector<64x1xf32> to vector<64x1xf32>
    %broadcast_in_dim3A_47 = vector.broadcast %broadcast_in_dim3A_46 : vector<64x1xf32> to vector<64x128xf32>
    %add3A_48 = arith.addf %get3A_44, %broadcast_in_dim3A_47 : vector<64x128xf32>
    %swap3A_49 = arith.constant 0 : index
    %swap3A_50 = arith.constant 0 : index
    %swap3A_51 = vector.load %arg10[%swap3A_49, %swap3A_50] : memref<64x128xf32, #tpu.memory_space<vmem>>, vector<64x128xf32>
    tpu.vector_store %arg10[%swap3A_49, %swap3A_50], %add3A_48 {strides = array<i32>} : memref<64x128xf32, #tpu.memory_space<vmem>>, vector<64x128xf32>,
    %eq3A_52 = arith.constant 9 : i32
    %eq3A_53 = arith.cmpi eq, %arg0, %eq3A_52 : i32
    %convert_element_type3A_54 = arith.extui %eq3A_53 : i1 to i32
    %cond3A_55 = arith.constant 0 : i32
    %cond3A_56 = arith.cmpi ne, %convert_element_type3A_54, %cond3A_55 : i32
    scf.if %cond3A_56 {
      %get3A_57 = arith.constant 0 : index
      %get3A_58 = arith.constant 0 : index
      %get3A_59 = vector.load %arg9[%get3A_57, %get3A_58] : memref<64x128xf32, #tpu.memory_space<vmem>>, vector<64x128xf32>
      %get3A_60 = arith.constant 0 : index
      %get3A_61 = arith.constant 0 : index
      %get3A_62 = vector.load %arg10[%get3A_60, %get3A_61] : memref<64x128xf32, #tpu.memory_space<vmem>>, vector<64x128xf32>
      %max3A_63 = arith.constant 1.000000e+00 : f32
      %max3A_64 = vector.broadcast %max3A_63 : f32 to vector<64x128xf32>
      %max3A_65 = arith.maximumf %get3A_62, %max3A_64 : vector<64x128xf32>
      %div3A = arith.divf %get3A_59, %max3A_65 : vector<64x128xf32>
      %get3A_66 = arith.constant 0 : index
      %get3A_67 = arith.constant 0 : index
      %get3A_68 = vector.load %arg6[%get3A_66, %get3A_67] : memref<128x64xf32, #tpu.memory_space<vmem>>, vector<128x64xf32>
      %dot_general3A_69 = arith.constant dense<0.000000e+00> : vector<64x64xf32>
      %dot_general3A_70 = tpu.matmul %div3A, %get3A_68, %dot_general3A_69 {dimension_numbers = #tpu.dot_dimension_numbers<[1], [0], [0], [1], [0, 0, 1, 1], [], []>, transpose_lhs_hint = false} : vector<64x128xf32>, vector<128x64xf32>, vector<64x64xf32> -> vector<64x64xf32>
      %get3A_71 = arith.constant 0 : index
      %get3A_72 = arith.constant 0 : index
      %get3A_73 = vector.load %arg7[%get3A_71, %get3A_72] : memref<1x64xf32, #tpu.memory_space<vmem>>, vector<1x64xf32>
      %add3A_74 = vector.broadcast %get3A_73 : vector<1x64xf32> to vector<64x64xf32>
      %add3A_75 = arith.addf %dot_general3A_70, %add3A_74 : vector<64x64xf32>
      %swap3A_76 = arith.constant 0 : index
      %swap3A_77 = arith.constant 0 : index
      %swap3A_78 = vector.load %arg8[%swap3A_76, %swap3A_77] : memref<64x64xf32, #tpu.memory_space<vmem>>, vector<64x64xf32>
      tpu.vector_store %arg8[%swap3A_76, %swap3A_77], %add3A_75 {strides = array<i32>} : memref<64x64xf32, #tpu.memory_space<vmem>>, vector<64x64xf32>,
    } else {
    }
    return
  }
  func.func @transform_0(%arg0: i32) -> (i32, i32, i32) {
    %c0_i32 = arith.constant 0 : i32
    %c0_i32_0 = arith.constant 0 : i32
    %c0_i32_1 = arith.constant 0 : i32
    return %c0_i32, %arg0, %c0_i32_0 : i32, i32, i32
  }
  func.func @transform_1(%arg0: i32) -> (i32, i32) {
    %c0_i32 = arith.constant 0 : i32
    %c0_i32_0 = arith.constant 0 : i32
    return %arg0, %c0_i32 : i32, i32
  }
  func.func @transform_2(%arg0: i32) -> (i32, i32) {
    %c0_i32 = arith.constant 0 : i32
    %c0_i32_0 = arith.constant 0 : i32
    return %arg0, %c0_i32 : i32, i32
  }
  func.func @transform_3(%arg0: i32) -> (i32, i32) {
    %c0_i32 = arith.constant 0 : i32
    %c0_i32_0 = arith.constant 0 : i32
    %c0_i32_1 = arith.constant 0 : i32
    return %c0_i32, %c0_i32_0 : i32, i32
  }
  func.func @transform_4(%arg0: i32) -> (i32, i32, i32) {
    %c0_i32 = arith.constant 0 : i32
    %c0_i32_0 = arith.constant 0 : i32
    %c0_i32_1 = arith.constant 0 : i32
    return %arg0, %c0_i32, %c0_i32_0 : i32, i32, i32
  }
  func.func @transform_5(%arg0: i32) -> (i32, i32) {
    %c0_i32 = arith.constant 0 : i32
    %c0_i32_0 = arith.constant 0 : i32
    %c0_i32_1 = arith.constant 0 : i32
    return %c0_i32, %c0_i32_0 : i32, i32
  }
  func.func @transform_6(%arg0: i32) -> (i32, i32) {
    %c0_i32 = arith.constant 0 : i32
    %c0_i32_0 = arith.constant 0 : i32
    %c0_i32_1 = arith.constant 0 : i32
    return %c0_i32, %c0_i32_0 : i32, i32
  }
  func.func @transform_7(%arg0: i32) -> (i32, i32) {
    %c0_i32 = arith.constant 0 : i32
    %c0_i32_0 = arith.constant 0 : i32
    %c0_i32_1 = arith.constant 0 : i32
    return %c0_i32, %c0_i32_0 : i32, i32
  }
}

</mosaic_0001>

<sc_bundles>
// kernel: kernel.11.cloned.1.call-start
scs
__scs_entry_jumppad:
0x0: {  	(pc) =	sbr.rel $0x88, $3  }
0x1: {  	(tag) =	ssettag $0x0;
	lr =	simm.s32 $0x1  }
0x2: {  	[smem:$0x3F96] =	sst lr;
	_ =	strace $0xD0000000  }
0x3: {  	_ = 	snop  }
0x4: {  	_ = 	snop  }
0x5: {  	_ = 	snop  }
0x6: {  	_ = 	snop  }
0x7: {  	_ = 	snop  }
__scs_overlays_trampoline_lowered:
0x8: {  	[smem:$0x3FA5] =	sst s0  }
0x9: {  	[smem:$0x3FA6] =	sst s1  }
0xa: {  	[smem:$0x3FA7] =	sst s2  }
0xb: {  	[smem:$0x3FA8] =	sst s3  }
0xc: {  	[smem:$0x3FA9] =	sst s4  }
0xd: {  	[smem:$0x3FAA] =	sst s5  }
0xe: {  	[smem:$0x3FAB] =	sst s6  }
0xf: {  	[smem:$0x3FAC] =	sst s7  }
0x10: {  	[smem:$0x3FAD] =	sst s8  }
0x11: {  	[smem:$0x3FAE] =	sst s9;
	s0 =	simm.s32 @!p0 $0x0  }
0x12: {  	s1 =	sld [smem:$0x3F94];
	s0 =	simm.s32 @p0 $0x1  }
0x13: {  	[smem:$0x3FAF] =	sst s0;
	s0 =	simm.s32 @!p1 $0x0  }
0x14: {  	s2 =	sld [smem:$0x3F93];
	s0 =	simm.s32 @p1 $0x1  }
0x15: {  	[smem:$0x3FB0] =	sst s0;
	s0 =	simm.s32 @!p2 $0x0  }
0x16: {  	s3 =	sld [smem:$0x3FDB];
	s0 =	simm.s32 @p2 $0x1  }
0x17: {  	s4 =	simm.s32 $0x1BF5;
	[smem:$0x3FB2] =	sst s0  }
0x18: {  	s0 =	sld [smem:$0x3F95];
	_ =	swait.ge [sflag:s4], $0x0  }
0x19: {  	s7 =	sld [smem:$0x3F96]  }
0x1a: {  	s8 =	sadd.s32 $0xFFFFE003, lr  }
0x1b: {  	s9 =	sadd.s32 $0xFFFFFEF7, lr;
	s5 =	simm.s32 $0xFFFFFFFF;
	p2 =	slt.u32 s8, $0xFFFFF086  }
0x1c: {  	p1 =	slt.u32 s9, $0xF7A;
	s5 =	simm.s32 @!p2 $0x0  }
0x1d: {  	s5 =	simm.s32 @p1 $0x1;
	p0 =	seq.s32 s7, s2  }
0x1e: {  	s7 =	smul.u32 @!p0 $0xF7A, s2;
	p2 =	seq.s32 @!p0 s5, $0x0  }
0x1f: {  	s9 =	smul.u32 $0xF7A, s1;
	s8 =	simm.s32 @!p0 $0x1BF5;
	p2 =	por !p2, p0  }
0x20: {  	[sflag:s8] =	ssyncset.s32 @!p0 $0xFFFFF086;
	s6 =	sadd.s32 @!p0 s3, s7;
	s7 =	simm.s32 @!p0 $0x108  }
0x21: {  	s3 =	sadd.s32 s3, s9;
	s6 =	sadd.s32 @!p0 $0x88, s6;
	s7 =	simm.s32 @p2 $0x1082  }
0x22: {  	[simem:s7], [sflag:s8] =	dma.local @!p0 [hbm:s6], $0xF7A  }
0x23: {  	s9 =	sor.u32 $0xD0000000, s2;
	s6 =	simm.s32 $0x108;
	_ =	swait.ge @!p0 [sflag:s8], $0x0  }
0x24: {  	s3 =	sadd.s32 $0x88, s3;
	s6 =	simm.s32 @!p1 $0x1082;
	[sflag:s4] =	ssyncset.s32 $0xFFFFF086  }
0x25: {  	[simem:s6], [sflag:s4] =	dma.local [hbm:s3], $0xF7A  }
0x26: {  	[smem:$0x3F96] =	sst s1;
	(tag) =	ssettag s2;
	_ =	strace s9  }
0x27: {  	s1 =	sld [smem:$0x3FA6]  }
0x28: {  	s2 =	sld [smem:$0x3FA7]  }
0x29: {  	s4 =	sld [smem:$0x3FA9]  }
0x2a: {  	p0 =	seq.s32 s5, $0x0;
	s5 =	sld [smem:$0x3FAA]  }
0x2b: {  	s6 =	sld [smem:$0x3FAB]  }
0x2c: {  	s7 =	sld [smem:$0x3FAC]  }
0x2d: {  	s3 =	simm.s32 $0x108;
	s8 =	sld [smem:$0x3FAD]  }
0x2e: {  	s3 =	simm.s32 @!p0 $0x1082;
	s9 =	sld [smem:$0x3FAE]  }
0x2f: {  	lr =	sadd.s32 s0, s3;
	s0 =	sld [smem:$0x3FA5]  }
0x30: {  	s3 =	sld [smem:$0x3FA8]  }
0x31: {  	[smem:$0x3FB1] =	sst s10  }
0x32: {  	s10 =	sld [smem:$0x3FAF];
	_ =	sdelay $0x3  }
0x33: {  	p0 =	seq.s32 s10, $0x1;
	s10 =	sld [smem:$0x3FB1];
	_ =	sdelay $0x3  }
0x34: {  	[smem:$0x3FB1] =	sst s10  }
0x35: {  	s10 =	sld [smem:$0x3FB0];
	_ =	sdelay $0x3  }
0x36: {  	p1 =	seq.s32 s10, $0x1;
	s10 =	sld [smem:$0x3FB1];
	_ =	sdelay $0x3  }
0x37: {  	[smem:$0x3FB1] =	sst s10  }
0x38: {  	s10 =	sld [smem:$0x3FB2]  }
0x39: {  	_ = 	snop;
	(pc) =	sbr.ind lr, $3  }
0x3a: {  	_ = 	snop  }
0x3b: {  	_ = 	snop  }
0x3c: {  	p2 =	seq.s32 s10, $0x1;
	s10 =	sld [smem:$0x3FB1]  }
0x3d: {  	_ =	shalt  }
0x3e: {  	_ =	shalt  }
0x3f: {  	_ =	shalt  }
0x40: {  	_ =	shalt  }
0x41: {  	_ =	shalt  }
0x42: {  	_ =	shalt  }
0x43: {  	_ =	shalt  }
0x44: {  	_ =	shalt  }
0x45: {  	_ =	shalt  }
0x46: {  	_ =	shalt  }
0x47: {  	_ =	shalt  }
0x48: {  	_ =	shalt  }
0x49: {  	_ =	shalt  }
0x4a: {  	_ =	shalt  }
0x4b: {  	_ =	shalt  }
0x4c: {  	_ =	shalt  }
0x4d: {  	_ =	shalt  }
0x4e: {  	_ =	shalt  }
0x4f: {  	_ =	shalt  }
0x50: {  	_ =	shalt  }
0x51: {  	_ =	shalt  }
0x52: {  	_ =	shalt  }
0x53: {  	_ =	shalt  }
0x54: {  	_ =	shalt  }
0x55: {  	_ =	shalt  }
0x56: {  	_ =	shalt  }
0x57: {  	_ =	shalt  }
0x58: {  	_ =	shalt  }
0x59: {  	_ =	shalt  }
0x5a: {  	_ =	shalt  }
0x5b: {  	_ =	shalt  }
0x5c: {  	_ =	shalt  }
0x5d: {  	_ =	shalt  }
0x5e: {  	_ =	shalt  }
0x5f: {  	_ =	shalt  }
0x60: {  	_ =	shalt  }
0x61: {  	_ =	shalt  }
0x62: {  	_ =	shalt  }
0x63: {  	_ =	shalt  }
0x64: {  	_ =	shalt  }
0x65: {  	_ =	shalt  }
0x66: {  	_ =	shalt  }
0x67: {  	_ =	shalt  }
0x68: {  	_ =	shalt  }
0x69: {  	_ =	shalt  }
0x6a: {  	_ =	shalt  }
0x6b: {  	_ =	shalt  }
0x6c: {  	_ =	shalt  }
0x6d: {  	_ =	shalt  }
0x6e: {  	_ =	shalt  }
0x6f: {  	_ =	shalt  }
0x70: {  	_ =	shalt  }
0x71: {  	_ =	shalt  }
0x72: {  	_ =	shalt  }
0x73: {  	_ =	shalt  }
0x74: {  	_ =	shalt  }
0x75: {  	_ =	shalt  }
0x76: {  	_ =	shalt  }
0x77: {  	_ =	shalt  }
0x78: {  	_ =	shalt  }
0x79: {  	_ =	shalt  }
0x7a: {  	_ =	shalt  }
0x7b: {  	_ =	shalt  }
0x7c: {  	_ =	shalt  }
0x7d: {  	_ =	shalt  }
0x7e: {  	_ =	shalt  }
0x7f: {  	_ =	shalt  }
0x80: {  	_ =	shalt  }
0x81: {  	_ =	shalt  }
0x82: {  	_ =	shalt  }
0x83: {  	_ =	shalt  }
0x84: {  	_ =	shalt  }
0x85: {  	_ =	shalt  }
0x86: {  	_ =	shalt  }
0x87: {  	_ =	shalt  }
.Lfunc_end0:
.L_simem_size_0:
called_computation_lowered:
.L_overlay_start_0:
0x88: {  	s2 =	sld [smem:$0x3FD9]  }
0x89: {  	s3 =	sld [smem:$0x3FFE];
	_ =	sdelay $0x1  }
0x8a: {  	s1 =	srdreg.scid  }
0x8b: {  	s0 =	sand.u32 $0x1, s1  }
0x8c: {  	s16 =	sshll.u32 s0, $0xA;
	s2 =	sadd.s32 s3, s2  }
0x8d: {  	s2 =	sadd.s32 s2, s16  }
0x8e: {  	[smem:$0x3FBD] =	sst s2  }
0x8f: {  	_ = 	snop  }
0x90: {  	(tm) =	ssettm $0x1  }
0x91: {  	s17 =	sld [smem:$0x3FFB];
	_ =	sdelay $0x3  }
0x92: {  	_ =	strace s17  }
0x93: {  	s2 =	sld [smem:$0x3FFC];
	_ =	sdelay $0x3  }
0x94: {  	_ =	strace s2  }
0x95: {  	s2 =	sld [smem:$0x3FFD];
	_ =	sdelay $0x3  }
0x96: {  	_ =	strace s2  }
0x97: {  	_ =	strace $0x8FFFFFFF  }
0x98: {  	s18 =	sld [smem:$0x3FDB];
	_ =	sdelay $0x1  }
0x99: {  	s19 =	simm.s32 $_scs_section_size  }
0x9a: {  	s4 =	simm.s32 $_size__tile_overlayer_lowered;
	s5 =	simm.s32 $_tile_overlayer_lowered  }
0x9b: {  	s22 =	simm.s32 $0x1BFF;
	s21 =	sshll.u32 s5, $0x1;
	s2 =	sadd.s32 s19, s18  }
0x9c: {  	s6 =	simm.s32 $0x0;
	s20 =	sshll.u32 s4, $0x1;
	s4 =	sadd.s32 s21, s2  }
0x9d: {  	[timem:s6], [sflag:s22] =	dma.local [hbm:s4], s20  }
0x9e: {  	_ =	swait.ge [sflag:s22], s20  }
0x9f: {  	s3 =	ssub.s32 $0x0, s20;
	[sflag:s22] =	ssyncset.done $0x0  }
0xa0: {  	[sflag:s22] =	ssyncadd.s32 s3;
	_ =	sdelay $0x1  }
0xa1: {  	s23 =	simm.s32 $0x1B8B  }
0xa2: {  	_ =	swait.ge [sflag:s23], $0x1  }
0xa3: {  	[sflag:s23] =	ssyncset.done $0x0  }
0xa4: {  	s25 =	simm.s32 $0x1B8E;
	s24 =	sld [smem:$0x3FFE];
	[sflag:s23] =	ssyncadd.s32 $0xFFFFFFFF  }
0xa5: {  	s26 =	simm.s32 $execute0_lowered;
	[smem:$0x3FD2] =	sst s25  }
0xa6: {  	s4 =	sshll.u32 s26, $0x1;
	_ =	strace $0x80000046;
	[dreg:$0x1] =	wrdreg $0xFFFFFFFF  }
0xa7: {  	s28 =	simm.s32 $_size_execute0_lowered;
	s2 =	sadd.s32 s2, s4;
	[dreg:$0x0] =	wrdreg $0x0  }
0xa8: {  	s4 =	sshll.u32 s28, $0x1;
	[dreg:$0x2] =	wrdreg s2  }
0xa9: {  	[dreg:$0x3] =	wrdreg s4  }
0xaa: {  	[dreg:$0x4] =	wrdreg $0xC0  }
0xab: {  	_ =	task [dreg:s6], $0x5FFFF  }
0xac: {  	[dreg:$0x1] =	wrdreg $0xFFFFFFFF  }
0xad: {  	[dreg:$0x0] =	wrdreg $0x60  }
0xae: {  	[dreg:$0x2] =	wrdreg s24  }
0xaf: {  	[dreg:$0x3] =	wrdreg $0x68000  }
0xb0: {  	[dreg:$0x4] =	wrdreg $0x9  }
0xb1: {  	_ =	task.clear_ibuf [dreg:s6], $0x5FFFF;
	_ =	strace $0x90000046  }
0xb2: {  	s29 =	simm.s32 $0x9;
	_ =	strace $0x80000048  }
0xb3: {  	_ =	swait.ge [sflag:s29], $0x1  }
0xb4: {  	[sflag:s29] =	ssyncadd.s32 $0xFFFFFFFF  }
0xb5: {  	_ =	strace $0x90000048  }
0xb6: {  	_ =	sfence  }
0xb7: {  	s30 =	sld [smem:$0x0];
	_ =	sdelay $0x2  }
0xb8: {  	s31 =	sshll.u32 s1, $0xD;
	s1 =	sshrl.u32 s1, $0x2  }
0xb9: {  	s3 =	sand.u32 $0x4000, s31;
	s1 =	sadd.s32 s1, s30  }
0xba: {  	s0 =	sor.u32 s3, s0;
	s1 =	sshll.u32 s1, $0x11  }
0xbb: {  	s0 =	sor.u32 s1, s0  }
0xbc: {  	s0 =	sadd.s32 $0x8F2B, s0  }
0xbd: {  	[sflag:s0] =	ssyncadd.remote.s32 $0x1  }
0xbe: {  	_ =	sfence.sel $0xFFFF  }
0xbf: {  	[dreg:$0x0] =	wrdreg $0xFFFFFFFF;
	(pc) =	sbr.abs _section_cstart, $3  }
0xc0: {  	[dreg:$0x1] =	wrdreg $0xFFFFFFFF  }
0xc1: {  	_ =	task.clear_ibuf [dreg:s6], $0x2FFFF;
	_ =	strace $0x9FFFFFFF  }
0xc2: {  	(tm) =	ssettm $0x7FFFFFFF  }
0xc3: {  	_ =	shalt  }
tec
execute0_lowered:
.L_overlay_start_1:
0x0: {  	(tag) =	ssettag $0x1  }
0x1: {  	s4 =	rddreg [dreg:$0x0];
	s0 =	srdreg.scid  }
0x2: {  	s2 =	rddreg [dreg:$0x1];
	s1 =	stileid.u32;
	s3 =	simm.s32 $0x0  }
0x3: {  	s15 =	simm.s32 $0x3;
	s16 =	simm.s32 $0x2800;
	s17 =	simm.s32 $0x50  }
0x4: {  	s18 =	simm.s32 $0x2880;
	s19 =	simm.s32 $0x2900;
	s20 =	simm.s32 $0x2980  }
0x5: {  	s21 =	simm.s32 $0x2A00;
	s22 =	simm.s32 $0x1;
	s23 =	simm.s32 $0x2  }
0x6: {  	s5 =	sand.u32 $0x1, s0;
	s0 =	rddreg [dreg:$0x2];
	s7 =	smul.u32 $0x14000, s1  }
0x7: {  	s24 =	simm.s32 $0x0;
	[smem:$0x7FF] =	sst s3;
	s6 =	smul.u32 $0x140000, s5  }
0x8: {  	s8 =	sshll.u32 s1, $0xB;
	s9 =	smul.u32 $0x50000, s1;
	_ =	strace $0x80000047  }
0x9: {  	s8 =	sadd.s32 s8, s4;
	s28 =	ssub.s32 $0x2, s5;
	s6 =	sadd.s32 s7, s6  }
0xa: {  	s5 =	sshll.u32 s5, $0xF;
	s29 =	sshrl.u32 s28, $0x1;
	s6 =	sshrl.u32 s6, $0x3  }
0xb: {  	s30 =	sadd.s32 s5, s8;
	s31 =	sshrl.u32 s9, $0x2;
	s6 =	sadd.s32 s6, s4  }
0xc: {  	s7 =	ssub.s32 s28, s29;
	s5 =	sadd.s32 $0x1D000, s6;
	s6 =	sadd.s32 s31, s2  }
0xd: {  	s7 =	smax.u32 s7, $0x1;
	s4 =	sadd.s32 $0xD000, s30;
	s8 =	sadd.s32 $0x2800, s6  }
0xe: {  	s9 =	sadd.s32 $0x5000, s6;
	s10 =	sadd.s32 $0x7800, s6;
	s11 =	sadd.s32 $0xA000, s6  }
0xf: {  	v0 =	vimm.f32 $0.0e+00;
	v1 =	vimm.f32 $1.000000000e+00;
	s12 =	sadd.s32 $0xC800, s6;
	s13 =	sadd.s32 $0xF000, s6;
	s14 =	sadd.s32 $0x11800, s6  }
.LBB2_1:
0x10: {  	s25 =	simm.s32 $0x0;
	s26 =	simm.s32 $0x200  }
.LBB2_2:
0x11: {  	p0 =	sne.s32 s26, $0x9E00;
	[tilespmem:s25+$0x70] =	vst v0  }
0x12: {  	[tilespmem:s25+$0x0] =	vst v0  }
0x13: {  	[tilespmem:s25+$0x10] =	vst v0  }
.Ltmp0:
0x14: {  	[tilespmem:s25+$0x20] =	vst v0;
	(pc) =	sbr.rel @p0 .LBB2_2-.Ltmp0, $4  }
0x15: {  	[tilespmem:s25+$0x30] =	vst v0  }
0x16: {  	[tilespmem:s25+$0x40] =	vst v0  }
0x17: {  	[tilespmem:s25+$0x50] =	vst v0  }
0x18: {  	[tilespmem:s25+$0x60] =	vst v0;
	s25 =	sshra.s32 s26, $0x2;
	s26 =	sadd.s32 $0x200, s26  }
0x19: {  	[tilespmem:s25+$0x70] =	vst v0  }
0x1a: {  	[tilespmem:s25+$0x0] =	vst v0  }
0x1b: {  	[tilespmem:s25+$0x10] =	vst v0  }
0x1c: {  	[tilespmem:s25+$0x20] =	vst v0  }
0x1d: {  	[tilespmem:s25+$0x30] =	vst v0  }
0x1e: {  	[tilespmem:s25+$0x40] =	vst v0  }
0x1f: {  	[tilespmem:s25+$0x50] =	vst v0  }
0x20: {  	[tilespmem:s25+$0x60] =	vst v0;
	s31 =	simm.s32 $0x0  }
0x21: {  	[spmem:s6] =	stream.linear.scatter [tilespmem:s31], [sflag:$0x3], $0x2800, $0x38;
	[tilespmem:$0x1A800] =	vst v63  }
0x22: {  	_ =	swait.ge [sflag:s15], $0x2800  }
0x23: {  	[sflag:s15] =	ssyncset.done $0x0  }
0x24: {  	[sflag:s15] =	ssyncadd.s32 $0xFFFFD800  }
0x25: {  	[spmem:s8] =	stream.linear.scatter [tilespmem:s31], [sflag:$0x3], $0x2800, $0x38;
	[tilespmem:$0x1A800] =	vst v63  }
0x26: {  	_ =	swait.ge [sflag:s15], $0x2800  }
0x27: {  	[sflag:s15] =	ssyncset.done $0x0  }
0x28: {  	[sflag:s15] =	ssyncadd.s32 $0xFFFFD800  }
0x29: {  	[spmem:s9] =	stream.linear.scatter [tilespmem:s31], [sflag:$0x3], $0x2800, $0x38;
	[tilespmem:$0x1A800] =	vst v63  }
0x2a: {  	_ =	swait.ge [sflag:s15], $0x2800  }
0x2b: {  	[sflag:s15] =	ssyncset.done $0x0  }
0x2c: {  	[sflag:s15] =	ssyncadd.s32 $0xFFFFD800  }
0x2d: {  	[spmem:s10] =	stream.linear.scatter [tilespmem:s31], [sflag:$0x3], $0x2800, $0x38;
	[tilespmem:$0x1A800] =	vst v63  }
0x2e: {  	_ =	swait.ge [sflag:s15], $0x2800  }
0x2f: {  	[sflag:s15] =	ssyncset.done $0x0  }
0x30: {  	[sflag:s15] =	ssyncadd.s32 $0xFFFFD800  }
0x31: {  	[spmem:s11] =	stream.linear.scatter [tilespmem:s31], [sflag:$0x3], $0x2800, $0x38;
	[tilespmem:$0x1A800] =	vst v63  }
0x32: {  	_ =	swait.ge [sflag:s15], $0x2800  }
0x33: {  	[sflag:s15] =	ssyncset.done $0x0  }
0x34: {  	[sflag:s15] =	ssyncadd.s32 $0xFFFFD800  }
0x35: {  	[spmem:s12] =	stream.linear.scatter [tilespmem:s31], [sflag:$0x3], $0x2800, $0x38;
	[tilespmem:$0x1A800] =	vst v63  }
0x36: {  	_ =	swait.ge [sflag:s15], $0x2800  }
0x37: {  	[sflag:s15] =	ssyncset.done $0x0  }
0x38: {  	[sflag:s15] =	ssyncadd.s32 $0xFFFFD800  }
0x39: {  	[spmem:s13] =	stream.linear.scatter [tilespmem:s31], [sflag:$0x3], $0x2800, $0x38;
	[tilespmem:$0x1A800] =	vst v63  }
0x3a: {  	_ =	swait.ge [sflag:s15], $0x2800  }
0x3b: {  	[sflag:s15] =	ssyncset.done $0x0  }
0x3c: {  	[sflag:s15] =	ssyncadd.s32 $0xFFFFD800  }
0x3d: {  	[spmem:s14] =	stream.linear.scatter [tilespmem:s31], [sflag:$0x3], $0x2800, $0x38;
	[tilespmem:$0x1A800] =	vst v63  }
0x3e: {  	_ =	swait.ge [sflag:s15], $0x2800  }
0x3f: {  	[sflag:s15] =	ssyncset.done $0x0  }
0x40: {  	[sflag:s15] =	ssyncadd.s32 $0xFFFFD800  }
0x41: {  	[tilespmem:s16], [sflag:$0x3] =	stream.linear.gather [hbm4b:s4+s31], $0x3E80, $0x38;
	[tilespmem:$0x1A800] =	vst v63  }
0x42: {  	_ =	swait.ge [sflag:s15], $0x3E80  }
0x43: {  	[sflag:s15] =	ssyncset.done $0x0  }
0x44: {  	[sflag:s15] =	ssyncadd.s32 $0xFFFFC180  }
0x45: {  	s25 =	simm.s32 $0x0;
	s26 =	simm.s32 $0x200;
	[bflag:$0x0] =	sbarrier.arrive $0xFFFF  }
.LBB2_4:
0x46: {  	p0 =	sne.s32 s26, $0x9E00;
	[tilespmem:s25+$0x70] =	vst v1  }
0x47: {  	[tilespmem:s25+$0x0] =	vst v1  }
0x48: {  	[tilespmem:s25+$0x10] =	vst v1  }
.Ltmp1:
0x49: {  	[tilespmem:s25+$0x20] =	vst v1;
	(pc) =	sbr.rel @p0 .LBB2_4-.Ltmp1, $4  }
0x4a: {  	[tilespmem:s25+$0x30] =	vst v1  }
0x4b: {  	[tilespmem:s25+$0x40] =	vst v1  }
0x4c: {  	[tilespmem:s25+$0x50] =	vst v1  }
0x4d: {  	[tilespmem:s25+$0x60] =	vst v1;
	s25 =	sshra.s32 s26, $0x2;
	s26 =	sadd.s32 $0x200, s26  }
0x4e: {  	[tilespmem:s25+$0x70] =	vst v1  }
0x4f: {  	[tilespmem:s25+$0x0] =	vst v1  }
0x50: {  	[tilespmem:s25+$0x10] =	vst v1  }
0x51: {  	[tilespmem:s25+$0x20] =	vst v1  }
0x52: {  	[tilespmem:s25+$0x30] =	vst v1  }
0x53: {  	[tilespmem:s25+$0x40] =	vst v1  }
0x54: {  	[tilespmem:s25+$0x50] =	vst v1  }
0x55: {  	[tilespmem:s25+$0x60] =	vst v1;
	s28 =	simm.s32 $0x0  }
0x56: {  	[spmem:s2] =	stream.indirect.scatter.add.f32 [tilespmem:s28], [sflag:$0x1], $0x80, s16, s17, $0xb8;
	[tilespmem:$0x1A800] =	vst v63  }
0x57: {  	_ = 	snop  }
0x58: {  	[spmem:s2] =	stream.indirect.scatter.add.f32 [tilespmem:s28], [sflag:$0x1], $0x80, s18, s17, $0xb8;
	[tilespmem:$0x1A800] =	vst v63  }
0x59: {  	_ = 	snop  }
0x5a: {  	[spmem:s2] =	stream.indirect.scatter.add.f32 [tilespmem:s28], [sflag:$0x1], $0x80, s19, s17, $0xb8;
	[tilespmem:$0x1A800] =	vst v63  }
0x5b: {  	_ = 	snop  }
0x5c: {  	[spmem:s2] =	stream.indirect.scatter.add.f32 [tilespmem:s28], [sflag:$0x1], $0x80, s20, s17, $0xb8;
	[tilespmem:$0x1A800] =	vst v63  }
0x5d: {  	_ = 	snop  }
0x5e: {  	[spmem:s2] =	stream.indirect.scatter.add.f32 [tilespmem:s28], [sflag:$0x1], $0x80, s21, s17, $0xb8;
	[tilespmem:$0x1A800] =	vst v63  }
0x5f: {  	s30 =	simm.s32 $0x2A80  }
0x60: {  	[spmem:s2] =	stream.indirect.scatter.add.f32 [tilespmem:s3], [sflag:$0x2], $0x80, s30, s17, $0xb8;
	[tilespmem:$0x1A800] =	vst v63  }
0x61: {  	s31 =	simm.s32 $0x2B00  }
0x62: {  	[spmem:s2] =	stream.indirect.scatter.add.f32 [tilespmem:s3], [sflag:$0x2], $0x80, s31, s17, $0xb8;
	[tilespmem:$0x1A800] =	vst v63  }
0x63: {  	s26 =	simm.s32 $0x2B80  }
0x64: {  	[spmem:s2] =	stream.indirect.scatter.add.f32 [tilespmem:s3], [sflag:$0x2], $0x80, s26, s17, $0xb8;
	[tilespmem:$0x1A800] =	vst v63  }
0x65: {  	s28 =	simm.s32 $0x2C00  }
0x66: {  	[spmem:s2] =	stream.indirect.scatter.add.f32 [tilespmem:s3], [sflag:$0x2], $0x80, s28, s17, $0xb8;
	[tilespmem:$0x1A800] =	vst v63  }
0x67: {  	s30 =	simm.s32 $0x2C80  }
0x68: {  	[spmem:s2] =	stream.indirect.scatter.add.f32 [tilespmem:s3], [sflag:$0x2], $0x80, s30, s17, $0xb8;
	[tilespmem:$0x1A800] =	vst v63  }
0x69: {  	_ =	swait.ge [sflag:s22], $0x2800  }
0x6a: {  	[sflag:s22] =	ssyncset.done $0x0  }
0x6b: {  	[sflag:s22] =	ssyncadd.s32 $0xFFFFD800  }
0x6c: {  	_ =	swait.ge [sflag:s22], $0x2800  }
0x6d: {  	[sflag:s22] =	ssyncset.done $0x0  }
0x6e: {  	[sflag:s22] =	ssyncadd.s32 $0xFFFFD800  }
0x6f: {  	_ =	swait.ge [sflag:s22], $0x2800  }
0x70: {  	[sflag:s22] =	ssyncset.done $0x0  }
0x71: {  	[sflag:s22] =	ssyncadd.s32 $0xFFFFD800  }
0x72: {  	_ =	swait.ge [sflag:s22], $0x2800  }
0x73: {  	[sflag:s22] =	ssyncset.done $0x0  }
0x74: {  	[sflag:s22] =	ssyncadd.s32 $0xFFFFD800  }
0x75: {  	_ =	swait.ge [sflag:s22], $0x2800  }
0x76: {  	[sflag:s22] =	ssyncset.done $0x0  }
0x77: {  	s31 =	simm.s32 $0x2D00;
	[sflag:s22] =	ssyncadd.s32 $0xFFFFD800  }
0x78: {  	[spmem:s2] =	stream.indirect.scatter.add.f32 [tilespmem:s3], [sflag:$0x1], $0x80, s31, s17, $0xb8;
	[tilespmem:$0x1A800] =	vst v63  }
0x79: {  	s26 =	simm.s32 $0x2D80  }
0x7a: {  	[spmem:s2] =	stream.indirect.scatter.add.f32 [tilespmem:s3], [sflag:$0x1], $0x80, s26, s17, $0xb8;
	[tilespmem:$0x1A800] =	vst v63  }
0x7b: {  	s28 =	simm.s32 $0x2E00  }
0x7c: {  	[spmem:s2] =	stream.indirect.scatter.add.f32 [tilespmem:s3], [sflag:$0x1], $0x80, s28, s17, $0xb8;
	[tilespmem:$0x1A800] =	vst v63  }
0x7d: {  	s30 =	simm.s32 $0x2E80  }
0x7e: {  	[spmem:s2] =	stream.indirect.scatter.add.f32 [tilespmem:s3], [sflag:$0x1], $0x80, s30, s17, $0xb8;
	[tilespmem:$0x1A800] =	vst v63  }
0x7f: {  	s31 =	simm.s32 $0x2F00  }
0x80: {  	[spmem:s2] =	stream.indirect.scatter.add.f32 [tilespmem:s3], [sflag:$0x1], $0x80, s31, s17, $0xb8;
	[tilespmem:$0x1A800] =	vst v63  }
0x81: {  	_ =	swait.ge [sflag:s23], $0x2800  }
0x82: {  	[sflag:s23] =	ssyncset.done $0x0  }
0x83: {  	[sflag:s23] =	ssyncadd.s32 $0xFFFFD800  }
0x84: {  	_ =	swait.ge [sflag:s23], $0x2800  }
0x85: {  	[sflag:s23] =	ssyncset.done $0x0  }
0x86: {  	[sflag:s23] =	ssyncadd.s32 $0xFFFFD800  }
0x87: {  	_ =	swait.ge [sflag:s23], $0x2800  }
0x88: {  	[sflag:s23] =	ssyncset.done $0x0  }
0x89: {  	[sflag:s23] =	ssyncadd.s32 $0xFFFFD800  }
0x8a: {  	_ =	swait.ge [sflag:s23], $0x2800  }
0x8b: {  	[sflag:s23] =	ssyncset.done $0x0  }
0x8c: {  	[sflag:s23] =	ssyncadd.s32 $0xFFFFD800  }
0x8d: {  	_ =	swait.ge [sflag:s23], $0x2800  }
0x8e: {  	s29 =	simm.s32 $0x2800;
	s25 =	simm.s32 $0x500;
	[sflag:s23] =	ssyncset.done $0x0  }
.LBB2_6:
0x8f: {  	s30 =	sadd.s32 $0x2A80, s25  }
0x90: {  	[sflag:s23] =	ssyncadd.s32 $0xFFFFD800;
	s28 =	smov.u32 s29;
	s26 =	sadd.s32 $0x1400, s29  }
0x91: {  	[spmem:s2] =	stream.indirect.scatter.add.f32 [tilespmem:s3], [sflag:$0x2], $0x80, s30, s17, $0xb8;
	[tilespmem:$0x1A800] =	vst v63  }
0x92: {  	p0 =	sne.s32 s29, $0xDC00;
	s29 =	sadd.s32 $0x2B00, s25  }
0x93: {  	[spmem:s2] =	stream.indirect.scatter.add.f32 [tilespmem:s3], [sflag:$0x2], $0x80, s29, s17, $0xb8;
	[tilespmem:$0x1A800] =	vst v63  }
0x94: {  	s29 =	sadd.s32 $0x2B80, s25  }
0x95: {  	[spmem:s2] =	stream.indirect.scatter.add.f32 [tilespmem:s3], [sflag:$0x2], $0x80, s29, s17, $0xb8;
	[tilespmem:$0x1A800] =	vst v63  }
0x96: {  	s29 =	sadd.s32 $0x2C00, s25  }
0x97: {  	[spmem:s2] =	stream.indirect.scatter.add.f32 [tilespmem:s3], [sflag:$0x2], $0x80, s29, s17, $0xb8;
	[tilespmem:$0x1A800] =	vst v63  }
0x98: {  	s29 =	sadd.s32 $0x2C80, s25  }
0x99: {  	[spmem:s2] =	stream.indirect.scatter.add.f32 [tilespmem:s3], [sflag:$0x2], $0x80, s29, s17, $0xb8;
	[tilespmem:$0x1A800] =	vst v63  }
0x9a: {  	_ =	swait.ge [sflag:s22], $0x2800  }
0x9b: {  	[sflag:s22] =	ssyncset.done $0x0  }
0x9c: {  	[sflag:s22] =	ssyncadd.s32 $0xFFFFD800  }
0x9d: {  	_ =	swait.ge [sflag:s22], $0x2800  }
0x9e: {  	[sflag:s22] =	ssyncset.done $0x0  }
0x9f: {  	[sflag:s22] =	ssyncadd.s32 $0xFFFFD800  }
0xa0: {  	_ =	swait.ge [sflag:s22], $0x2800  }
0xa1: {  	[sflag:s22] =	ssyncset.done $0x0  }
0xa2: {  	[sflag:s22] =	ssyncadd.s32 $0xFFFFD800  }
0xa3: {  	_ =	swait.ge [sflag:s22], $0x2800  }
0xa4: {  	[sflag:s22] =	ssyncset.done $0x0  }
0xa5: {  	[sflag:s22] =	ssyncadd.s32 $0xFFFFD800  }
0xa6: {  	_ =	swait.ge [sflag:s22], $0x2800  }
0xa7: {  	[sflag:s22] =	ssyncset.done $0x0  }
0xa8: {  	s29 =	sadd.s32 $0x2D00, s25;
	[sflag:s22] =	ssyncadd.s32 $0xFFFFD800  }
0xa9: {  	[spmem:s2] =	stream.indirect.scatter.add.f32 [tilespmem:s3], [sflag:$0x1], $0x80, s29, s17, $0xb8;
	[tilespmem:$0x1A800] =	vst v63  }
0xaa: {  	s29 =	sadd.s32 $0x2D80, s25  }
0xab: {  	[spmem:s2] =	stream.indirect.scatter.add.f32 [tilespmem:s3], [sflag:$0x1], $0x80, s29, s17, $0xb8;
	[tilespmem:$0x1A800] =	vst v63  }
0xac: {  	s29 =	sadd.s32 $0x2E00, s25  }
0xad: {  	[spmem:s2] =	stream.indirect.scatter.add.f32 [tilespmem:s3], [sflag:$0x1], $0x80, s29, s17, $0xb8;
	[tilespmem:$0x1A800] =	vst v63  }
0xae: {  	s29 =	sadd.s32 $0x2E80, s25  }
0xaf: {  	[spmem:s2] =	stream.indirect.scatter.add.f32 [tilespmem:s3], [sflag:$0x1], $0x80, s29, s17, $0xb8;
	[tilespmem:$0x1A800] =	vst v63  }
0xb0: {  	s25 =	sadd.s32 $0x2F00, s25  }
0xb1: {  	[spmem:s2] =	stream.indirect.scatter.add.f32 [tilespmem:s3], [sflag:$0x1], $0x80, s25, s17, $0xb8;
	[tilespmem:$0x1A800] =	vst v63  }
0xb2: {  	_ =	swait.ge [sflag:s23], $0x2800  }
0xb3: {  	[sflag:s23] =	ssyncset.done $0x0  }
0xb4: {  	[sflag:s23] =	ssyncadd.s32 $0xFFFFD800  }
0xb5: {  	_ =	swait.ge [sflag:s23], $0x2800  }
0xb6: {  	[sflag:s23] =	ssyncset.done $0x0  }
0xb7: {  	[sflag:s23] =	ssyncadd.s32 $0xFFFFD800  }
0xb8: {  	_ =	swait.ge [sflag:s23], $0x2800  }
0xb9: {  	[sflag:s23] =	ssyncset.done $0x0  }
0xba: {  	[sflag:s23] =	ssyncadd.s32 $0xFFFFD800  }
.Ltmp2:
0xbb: {  	_ =	swait.ge [sflag:s23], $0x2800;
	(pc) =	sbr.rel @p0 .LBB2_6-.Ltmp2, $4  }
0xbc: {  	[sflag:s23] =	ssyncset.done $0x0  }
0xbd: {  	[sflag:s23] =	ssyncadd.s32 $0xFFFFD800  }
0xbe: {  	_ =	swait.ge [sflag:s23], $0x2800  }
0xbf: {  	s29 =	smov.u32 s26;
	s25 =	sshra.s32 s28, $0x2;
	[sflag:s23] =	ssyncset.done $0x0  }
0xc0: {  	s26 =	sadd.s32 $0x2A80, s25;
	[sflag:s23] =	ssyncadd.s32 $0xFFFFD800  }
0xc1: {  	[spmem:s2] =	stream.indirect.scatter.add.f32 [tilespmem:s3], [sflag:$0x2], $0x80, s26, s17, $0xb8;
	[tilespmem:$0x1A800] =	vst v63  }
0xc2: {  	s29 =	sadd.s32 $0x2B00, s25  }
0xc3: {  	[spmem:s2] =	stream.indirect.scatter.add.f32 [tilespmem:s3], [sflag:$0x2], $0x80, s29, s17, $0xb8;
	[tilespmem:$0x1A800] =	vst v63  }
0xc4: {  	s30 =	sadd.s32 $0x2B80, s25  }
0xc5: {  	[spmem:s2] =	stream.indirect.scatter.add.f32 [tilespmem:s3], [sflag:$0x2], $0x80, s30, s17, $0xb8;
	[tilespmem:$0x1A800] =	vst v63  }
0xc6: {  	s31 =	sadd.s32 $0x2C00, s25  }
0xc7: {  	[spmem:s2] =	stream.indirect.scatter.add.f32 [tilespmem:s3], [sflag:$0x2], $0x80, s31, s17, $0xb8;
	[tilespmem:$0x1A800] =	vst v63  }
0xc8: {  	s28 =	sadd.s32 $0x2C80, s25  }
0xc9: {  	[spmem:s2] =	stream.indirect.scatter.add.f32 [tilespmem:s3], [sflag:$0x2], $0x80, s28, s17, $0xb8;
	[tilespmem:$0x1A800] =	vst v63  }
0xca: {  	_ =	swait.ge [sflag:s22], $0x2800  }
0xcb: {  	[sflag:s22] =	ssyncset.done $0x0  }
0xcc: {  	[sflag:s22] =	ssyncadd.s32 $0xFFFFD800  }
0xcd: {  	_ =	swait.ge [sflag:s22], $0x2800  }
0xce: {  	[sflag:s22] =	ssyncset.done $0x0  }
0xcf: {  	[sflag:s22] =	ssyncadd.s32 $0xFFFFD800  }
0xd0: {  	_ =	swait.ge [sflag:s22], $0x2800  }
0xd1: {  	[sflag:s22] =	ssyncset.done $0x0  }
0xd2: {  	[sflag:s22] =	ssyncadd.s32 $0xFFFFD800  }
0xd3: {  	_ =	swait.ge [sflag:s22], $0x2800  }
0xd4: {  	[sflag:s22] =	ssyncset.done $0x0  }
0xd5: {  	[sflag:s22] =	ssyncadd.s32 $0xFFFFD800  }
0xd6: {  	_ =	swait.ge [sflag:s22], $0x2800  }
0xd7: {  	[sflag:s22] =	ssyncset.done $0x0  }
0xd8: {  	s29 =	sadd.s32 $0x2D00, s25;
	[sflag:s22] =	ssyncadd.s32 $0xFFFFD800  }
0xd9: {  	[spmem:s2] =	stream.indirect.scatter.add.f32 [tilespmem:s3], [sflag:$0x1], $0x80, s29, s17, $0xb8;
	[tilespmem:$0x1A800] =	vst v63  }
0xda: {  	s30 =	sadd.s32 $0x2D80, s25  }
0xdb: {  	[spmem:s2] =	stream.indirect.scatter.add.f32 [tilespmem:s3], [sflag:$0x1], $0x80, s30, s17, $0xb8;
	[tilespmem:$0x1A800] =	vst v63  }
0xdc: {  	s31 =	sadd.s32 $0x2E00, s25  }
0xdd: {  	[spmem:s2] =	stream.indirect.scatter.add.f32 [tilespmem:s3], [sflag:$0x1], $0x80, s31, s17, $0xb8;
	[tilespmem:$0x1A800] =	vst v63  }
0xde: {  	s28 =	sadd.s32 $0x2E80, s25  }
0xdf: {  	[spmem:s2] =	stream.indirect.scatter.add.f32 [tilespmem:s3], [sflag:$0x1], $0x80, s28, s17, $0xb8;
	[tilespmem:$0x1A800] =	vst v63  }
0xe0: {  	s29 =	sadd.s32 $0x2F00, s25  }
0xe1: {  	[spmem:s2] =	stream.indirect.scatter.add.f32 [tilespmem:s3], [sflag:$0x1], $0x80, s29, s17, $0xb8;
	[tilespmem:$0x1A800] =	vst v63  }
0xe2: {  	_ =	swait.ge [sflag:s23], $0x2800  }
0xe3: {  	[sflag:s23] =	ssyncset.done $0x0  }
0xe4: {  	[sflag:s23] =	ssyncadd.s32 $0xFFFFD800  }
0xe5: {  	_ =	swait.ge [sflag:s23], $0x2800  }
0xe6: {  	[sflag:s23] =	ssyncset.done $0x0  }
0xe7: {  	[sflag:s23] =	ssyncadd.s32 $0xFFFFD800  }
0xe8: {  	_ =	swait.ge [sflag:s23], $0x2800  }
0xe9: {  	[sflag:s23] =	ssyncset.done $0x0  }
0xea: {  	[sflag:s23] =	ssyncadd.s32 $0xFFFFD800  }
0xeb: {  	_ =	swait.ge [sflag:s23], $0x2800  }
0xec: {  	[sflag:s23] =	ssyncset.done $0x0  }
0xed: {  	[sflag:s23] =	ssyncadd.s32 $0xFFFFD800  }
0xee: {  	_ =	swait.ge [sflag:s23], $0x2800  }
0xef: {  	[sflag:s23] =	ssyncset.done $0x0  }
0xf0: {  	[sflag:s23] =	ssyncadd.s32 $0xFFFFD800  }
0xf1: {  	_ =	swait.ge [sflag:s22], $0x2800  }
0xf2: {  	[sflag:s22] =	ssyncset.done $0x0  }
0xf3: {  	[sflag:s22] =	ssyncadd.s32 $0xFFFFD800  }
0xf4: {  	_ =	swait.ge [sflag:s22], $0x2800  }
0xf5: {  	[sflag:s22] =	ssyncset.done $0x0  }
0xf6: {  	[sflag:s22] =	ssyncadd.s32 $0xFFFFD800  }
0xf7: {  	_ =	swait.ge [sflag:s22], $0x2800  }
0xf8: {  	[sflag:s22] =	ssyncset.done $0x0  }
0xf9: {  	[sflag:s22] =	ssyncadd.s32 $0xFFFFD800  }
0xfa: {  	_ =	swait.ge [sflag:s22], $0x2800  }
0xfb: {  	[sflag:s22] =	ssyncset.done $0x0  }
0xfc: {  	[sflag:s22] =	ssyncadd.s32 $0xFFFFD800  }
0xfd: {  	_ =	swait.ge [sflag:s22], $0x2800  }
0xfe: {  	s24 =	sadd.s32 $0x1, s24;
	s30 =	sshll.u32 s1, $0x6;
	[sflag:s22] =	ssyncset.done $0x0  }
0xff: {  	p0 =	sne.s32 s24, s7;
	s25 =	sor.u32 $0x1C03, s30;
	[sflag:s22] =	ssyncadd.s32 $0xFFFFD800  }
.Ltmp3:
0x100: {  	s31 =	sshrl.u32 s6, $0x3;
	[bflag:$0x0] =	sbarrier.arrive $0xFFFF;
	(pc) =	sbr.rel @p0 .LBB2_1-.Ltmp3, $4  }
0x101: {  	[hbm:s5], [sflag:s25] =	dma.local [spmem:s31], $0x2800  }
0x102: {  	_ =	swait.ge [sflag:s15], $0x2800  }
0x103: {  	[sflag:s15] =	ssyncset.done $0x0  }
0x104: {  	[sflag:s15] =	ssyncadd.s32 $0xFFFFD800  }
0x105: {  	_ =	sfence.sel $0x180000  }
0x106: {  	[bflag:$0x0] =	sbarrier.arrive $0xFFFF  }
0x107: {  	p0 =	sne.s32 s1, $0x0;
	_ =	strace $0x90000047  }
0x108: {  	s0 =	sadd.s32 @!p0 $0x100000, s0;
	[bflag:$0x2] =	sbarrier.arrive $0xFFFF  }
0x109: {  	[sflag:s0] =	ssyncadd.tile.s32 @!p0 $0x1;
	_ =	shalt  }
.Lfunc_end2:
_tile_overlayer_lowered:
.L_overlay_start_2:
0x10a: {  	(tag) =	ssettag $0x2  }
0x10b: {  	s0 =	rddreg [dreg:$0x0];
	s2 =	stileid.u32  }
0x10c: {  	s1 =	rddreg [dreg:$0x1];
	p0 =	sne.s32 s2, $0x0  }
0x10d: {  	s3 =	rddreg [dreg:$0x2];
	[bflag:$0x3] =	sbarrier.arrive $0xFFFF;
	s2 =	simm.s32 @!p0 $0x1C03  }
0x10e: {  	[timem:s3], [sflag:s2] =	dma.local @!p0 [hbm:s0], s1  }
0x10f: {  	s0 =	simm.s32 @!p0 $0x3  }
0x110: {  	_ =	swait.ge @!p0 [sflag:s0], s1  }
0x111: {  	s1 =	ssub.s32 @!p0 $0x0, s1;
	[sflag:s0] =	ssyncset.done @!p0 $0x0  }
0x112: {  	[sflag:s0] =	ssyncadd.s32 @!p0 s1  }
0x113: {  	[bflag:$0x3] =	sbarrier.arrive $0xFFFF  }
0x114: {  	_ =	shalt  }

// kernel: kernel.14.cloned.1.call-start
scs
__scs_entry_jumppad:
0x0: {  	(pc) =	sbr.rel $0x88, $3  }
0x1: {  	(tag) =	ssettag $0x0;
	lr =	simm.s32 $0x1  }
0x2: {  	[smem:$0x3F96] =	sst lr;
	_ =	strace $0xD0000000  }
0x3: {  	_ = 	snop  }
0x4: {  	_ = 	snop  }
0x5: {  	_ = 	snop  }
0x6: {  	_ = 	snop  }
0x7: {  	_ = 	snop  }
__scs_overlays_trampoline_lowered:
0x8: {  	[smem:$0x3FA5] =	sst s0  }
0x9: {  	[smem:$0x3FA6] =	sst s1  }
0xa: {  	[smem:$0x3FA7] =	sst s2  }
0xb: {  	[smem:$0x3FA8] =	sst s3  }
0xc: {  	[smem:$0x3FA9] =	sst s4  }
0xd: {  	[smem:$0x3FAA] =	sst s5  }
0xe: {  	[smem:$0x3FAB] =	sst s6  }
0xf: {  	[smem:$0x3FAC] =	sst s7  }
0x10: {  	[smem:$0x3FAD] =	sst s8  }
0x11: {  	[smem:$0x3FAE] =	sst s9;
	s0 =	simm.s32 @!p0 $0x0  }
0x12: {  	s1 =	sld [smem:$0x3F94];
	s0 =	simm.s32 @p0 $0x1  }
0x13: {  	[smem:$0x3FAF] =	sst s0;
	s0 =	simm.s32 @!p1 $0x0  }
0x14: {  	s2 =	sld [smem:$0x3F93];
	s0 =	simm.s32 @p1 $0x1  }
0x15: {  	[smem:$0x3FB0] =	sst s0;
	s0 =	simm.s32 @!p2 $0x0  }
0x16: {  	s3 =	sld [smem:$0x3FDB];
	s0 =	simm.s32 @p2 $0x1  }
0x17: {  	s4 =	simm.s32 $0x1BF5;
	[smem:$0x3FB2] =	sst s0  }
0x18: {  	s0 =	sld [smem:$0x3F95];
	_ =	swait.ge [sflag:s4], $0x0  }
0x19: {  	s7 =	sld [smem:$0x3F96]  }
0x1a: {  	s8 =	sadd.s32 $0xFFFFE003, lr  }
0x1b: {  	s9 =	sadd.s32 $0xFFFFFEF7, lr;
	s5 =	simm.s32 $0xFFFFFFFF;
	p2 =	slt.u32 s8, $0xFFFFF086  }
0x1c: {  	p1 =	slt.u32 s9, $0xF7A;
	s5 =	simm.s32 @!p2 $0x0  }
0x1d: {  	s5 =	simm.s32 @p1 $0x1;
	p0 =	seq.s32 s7, s2  }
0x1e: {  	s7 =	smul.u32 @!p0 $0xF7A, s2;
	p2 =	seq.s32 @!p0 s5, $0x0  }
0x1f: {  	s9 =	smul.u32 $0xF7A, s1;
	s8 =	simm.s32 @!p0 $0x1BF5;
	p2 =	por !p2, p0  }
0x20: {  	[sflag:s8] =	ssyncset.s32 @!p0 $0xFFFFF086;
	s6 =	sadd.s32 @!p0 s3, s7;
	s7 =	simm.s32 @!p0 $0x108  }
0x21: {  	s3 =	sadd.s32 s3, s9;
	s6 =	sadd.s32 @!p0 $0x88, s6;
	s7 =	simm.s32 @p2 $0x1082  }
0x22: {  	[simem:s7], [sflag:s8] =	dma.local @!p0 [hbm:s6], $0xF7A  }
0x23: {  	s9 =	sor.u32 $0xD0000000, s2;
	s6 =	simm.s32 $0x108;
	_ =	swait.ge @!p0 [sflag:s8], $0x0  }
0x24: {  	s3 =	sadd.s32 $0x88, s3;
	s6 =	simm.s32 @!p1 $0x1082;
	[sflag:s4] =	ssyncset.s32 $0xFFFFF086  }
0x25: {  	[simem:s6], [sflag:s4] =	dma.local [hbm:s3], $0xF7A  }
0x26: {  	[smem:$0x3F96] =	sst s1;
	(tag) =	ssettag s2;
	_ =	strace s9  }
0x27: {  	s1 =	sld [smem:$0x3FA6]  }
0x28: {  	s2 =	sld [smem:$0x3FA7]  }
0x29: {  	s4 =	sld [smem:$0x3FA9]  }
0x2a: {  	p0 =	seq.s32 s5, $0x0;
	s5 =	sld [smem:$0x3FAA]  }
0x2b: {  	s6 =	sld [smem:$0x3FAB]  }
0x2c: {  	s7 =	sld [smem:$0x3FAC]  }
0x2d: {  	s3 =	simm.s32 $0x108;
	s8 =	sld [smem:$0x3FAD]  }
0x2e: {  	s3 =	simm.s32 @!p0 $0x1082;
	s9 =	sld [smem:$0x3FAE]  }
0x2f: {  	lr =	sadd.s32 s0, s3;
	s0 =	sld [smem:$0x3FA5]  }
0x30: {  	s3 =	sld [smem:$0x3FA8]  }
0x31: {  	[smem:$0x3FB1] =	sst s10  }
0x32: {  	s10 =	sld [smem:$0x3FAF];
	_ =	sdelay $0x3  }
0x33: {  	p0 =	seq.s32 s10, $0x1;
	s10 =	sld [smem:$0x3FB1];
	_ =	sdelay $0x3  }
0x34: {  	[smem:$0x3FB1] =	sst s10  }
0x35: {  	s10 =	sld [smem:$0x3FB0];
	_ =	sdelay $0x3  }
0x36: {  	p1 =	seq.s32 s10, $0x1;
	s10 =	sld [smem:$0x3FB1];
	_ =	sdelay $0x3  }
0x37: {  	[smem:$0x3FB1] =	sst s10  }
0x38: {  	s10 =	sld [smem:$0x3FB2]  }
0x39: {  	_ = 	snop;
	(pc) =	sbr.ind lr, $3  }
0x3a: {  	_ = 	snop  }
0x3b: {  	_ = 	snop  }
0x3c: {  	p2 =	seq.s32 s10, $0x1;
	s10 =	sld [smem:$0x3FB1]  }
0x3d: {  	_ =	shalt  }
0x3e: {  	_ =	shalt  }
0x3f: {  	_ =	shalt  }
0x40: {  	_ =	shalt  }
0x41: {  	_ =	shalt  }
0x42: {  	_ =	shalt  }
0x43: {  	_ =	shalt  }
0x44: {  	_ =	shalt  }
0x45: {  	_ =	shalt  }
0x46: {  	_ =	shalt  }
0x47: {  	_ =	shalt  }
0x48: {  	_ =	shalt  }
0x49: {  	_ =	shalt  }
0x4a: {  	_ =	shalt  }
0x4b: {  	_ =	shalt  }
0x4c: {  	_ =	shalt  }
0x4d: {  	_ =	shalt  }
0x4e: {  	_ =	shalt  }
0x4f: {  	_ =	shalt  }
0x50: {  	_ =	shalt  }
0x51: {  	_ =	shalt  }
0x52: {  	_ =	shalt  }
0x53: {  	_ =	shalt  }
0x54: {  	_ =	shalt  }
0x55: {  	_ =	shalt  }
0x56: {  	_ =	shalt  }
0x57: {  	_ =	shalt  }
0x58: {  	_ =	shalt  }
0x59: {  	_ =	shalt  }
0x5a: {  	_ =	shalt  }
0x5b: {  	_ =	shalt  }
0x5c: {  	_ =	shalt  }
0x5d: {  	_ =	shalt  }
0x5e: {  	_ =	shalt  }
0x5f: {  	_ =	shalt  }
0x60: {  	_ =	shalt  }
0x61: {  	_ =	shalt  }
0x62: {  	_ =	shalt  }
0x63: {  	_ =	shalt  }
0x64: {  	_ =	shalt  }
0x65: {  	_ =	shalt  }
0x66: {  	_ =	shalt  }
0x67: {  	_ =	shalt  }
0x68: {  	_ =	shalt  }
0x69: {  	_ =	shalt  }
0x6a: {  	_ =	shalt  }
0x6b: {  	_ =	shalt  }
0x6c: {  	_ =	shalt  }
0x6d: {  	_ =	shalt  }
0x6e: {  	_ =	shalt  }
0x6f: {  	_ =	shalt  }
0x70: {  	_ =	shalt  }
0x71: {  	_ =	shalt  }
0x72: {  	_ =	shalt  }
0x73: {  	_ =	shalt  }
0x74: {  	_ =	shalt  }
0x75: {  	_ =	shalt  }
0x76: {  	_ =	shalt  }
0x77: {  	_ =	shalt  }
0x78: {  	_ =	shalt  }
0x79: {  	_ =	shalt  }
0x7a: {  	_ =	shalt  }
0x7b: {  	_ =	shalt  }
0x7c: {  	_ =	shalt  }
0x7d: {  	_ =	shalt  }
0x7e: {  	_ =	shalt  }
0x7f: {  	_ =	shalt  }
0x80: {  	_ =	shalt  }
0x81: {  	_ =	shalt  }
0x82: {  	_ =	shalt  }
0x83: {  	_ =	shalt  }
0x84: {  	_ =	shalt  }
0x85: {  	_ =	shalt  }
0x86: {  	_ =	shalt  }
0x87: {  	_ =	shalt  }
.Lfunc_end0:
.L_simem_size_0:
called_computation.1_lowered:
.L_overlay_start_0:
0x88: {  	s2 =	sld [smem:$0x3FD9]  }
0x89: {  	s3 =	sld [smem:$0x3FFE];
	_ =	sdelay $0x1  }
0x8a: {  	s1 =	srdreg.scid  }
0x8b: {  	s0 =	sand.u32 $0x1, s1  }
0x8c: {  	s16 =	sshll.u32 s0, $0xA;
	s2 =	sadd.s32 s3, s2  }
0x8d: {  	s2 =	sadd.s32 s2, s16  }
0x8e: {  	[smem:$0x3FBD] =	sst s2  }
0x8f: {  	_ = 	snop  }
0x90: {  	(tm) =	ssettm $0x1  }
0x91: {  	s17 =	sld [smem:$0x3FFB];
	_ =	sdelay $0x3  }
0x92: {  	_ =	strace s17  }
0x93: {  	s2 =	sld [smem:$0x3FFC];
	_ =	sdelay $0x3  }
0x94: {  	_ =	strace s2  }
0x95: {  	s2 =	sld [smem:$0x3FFD];
	_ =	sdelay $0x3  }
0x96: {  	_ =	strace s2  }
0x97: {  	_ =	strace $0x8FFFFFFF  }
0x98: {  	s18 =	sld [smem:$0x3FDB];
	_ =	sdelay $0x1  }
0x99: {  	s19 =	simm.s32 $_scs_section_size  }
0x9a: {  	s4 =	simm.s32 $_size__tile_overlayer_lowered;
	s5 =	simm.s32 $_tile_overlayer_lowered  }
0x9b: {  	s22 =	simm.s32 $0x1BFF;
	s21 =	sshll.u32 s5, $0x1;
	s2 =	sadd.s32 s19, s18  }
0x9c: {  	s6 =	simm.s32 $0x0;
	s20 =	sshll.u32 s4, $0x1;
	s4 =	sadd.s32 s21, s2  }
0x9d: {  	[timem:s6], [sflag:s22] =	dma.local [hbm:s4], s20  }
0x9e: {  	_ =	swait.ge [sflag:s22], s20  }
0x9f: {  	s3 =	ssub.s32 $0x0, s20;
	[sflag:s22] =	ssyncset.done $0x0  }
0xa0: {  	[sflag:s22] =	ssyncadd.s32 s3;
	_ =	sdelay $0x1  }
0xa1: {  	s23 =	simm.s32 $0x1B8B  }
0xa2: {  	_ =	swait.ge [sflag:s23], $0x1  }
0xa3: {  	[sflag:s23] =	ssyncset.done $0x0  }
0xa4: {  	s25 =	simm.s32 $0x1B8E;
	s24 =	sld [smem:$0x3FFE];
	[sflag:s23] =	ssyncadd.s32 $0xFFFFFFFF  }
0xa5: {  	s26 =	simm.s32 $execute0_lowered;
	[smem:$0x3FD2] =	sst s25  }
0xa6: {  	s4 =	sshll.u32 s26, $0x1;
	_ =	strace $0x80000049;
	[dreg:$0x1] =	wrdreg $0xFFFFFFFF  }
0xa7: {  	s28 =	simm.s32 $_size_execute0_lowered;
	s2 =	sadd.s32 s2, s4;
	[dreg:$0x0] =	wrdreg $0x0  }
0xa8: {  	s4 =	sshll.u32 s28, $0x1;
	[dreg:$0x2] =	wrdreg s2  }
0xa9: {  	[dreg:$0x3] =	wrdreg s4  }
0xaa: {  	[dreg:$0x4] =	wrdreg $0xC0  }
0xab: {  	_ =	task [dreg:s6], $0x5FFFF  }
0xac: {  	[dreg:$0x1] =	wrdreg $0xFFFFFFFF  }
0xad: {  	[dreg:$0x0] =	wrdreg $0x60  }
0xae: {  	[dreg:$0x2] =	wrdreg s24  }
0xaf: {  	[dreg:$0x3] =	wrdreg $0xB7800  }
0xb0: {  	[dreg:$0x4] =	wrdreg $0x9  }
0xb1: {  	_ =	task.clear_ibuf [dreg:s6], $0x5FFFF;
	_ =	strace $0x90000049  }
0xb2: {  	s29 =	simm.s32 $0x9;
	_ =	strace $0x8000004B  }
0xb3: {  	_ =	swait.ge [sflag:s29], $0x1  }
0xb4: {  	[sflag:s29] =	ssyncadd.s32 $0xFFFFFFFF  }
0xb5: {  	_ =	strace $0x9000004B  }
0xb6: {  	_ =	sfence  }
0xb7: {  	s30 =	sld [smem:$0x0];
	_ =	sdelay $0x2  }
0xb8: {  	s31 =	sshll.u32 s1, $0xD;
	s1 =	sshrl.u32 s1, $0x2  }
0xb9: {  	s3 =	sand.u32 $0x4000, s31;
	s1 =	sadd.s32 s1, s30  }
0xba: {  	s0 =	sor.u32 s3, s0;
	s1 =	sshll.u32 s1, $0x11  }
0xbb: {  	s0 =	sor.u32 s1, s0  }
0xbc: {  	s0 =	sadd.s32 $0x8F2B, s0  }
0xbd: {  	[sflag:s0] =	ssyncadd.remote.s32 $0x1  }
0xbe: {  	_ =	sfence.sel $0xFFFF  }
0xbf: {  	[dreg:$0x0] =	wrdreg $0xFFFFFFFF;
	(pc) =	sbr.abs _section_cstart, $3  }
0xc0: {  	[dreg:$0x1] =	wrdreg $0xFFFFFFFF  }
0xc1: {  	_ =	task.clear_ibuf [dreg:s6], $0x2FFFF;
	_ =	strace $0x9FFFFFFF  }
0xc2: {  	(tm) =	ssettm $0x7FFFFFFF  }
0xc3: {  	_ =	shalt  }
tec
execute0_lowered:
.L_overlay_start_1:
0x0: {  	(tag) =	ssettag $0x1  }
0x1: {  	s0 =	srdreg.scid;
	s6 =	rddreg [dreg:$0x0]  }
0x2: {  	s2 =	rddreg [dreg:$0x1];
	s3 =	simm.s32 $0x0;
	s17 =	simm.s32 $0x5000  }
0x3: {  	s18 =	simm.s32 $0x3;
	s19 =	simm.s32 $0x7780;
	s20 =	simm.s32 $0x2  }
0x4: {  	s21 =	simm.s32 $0x50;
	s22 =	simm.s32 $0x2800;
	s23 =	simm.s32 $0x1  }
0x5: {  	s24 =	simm.s32 $0xB580;
	s5 =	sand.u32 $0x1, s0;
	s0 =	stileid.u32  }
0x6: {  	s25 =	simm.s32 $0x0;
	[smem:$0x7FF] =	sst s3;
	s9 =	smul.u32 $0x140000, s5  }
0x7: {  	s4 =	sadd.s32 $0x1D000, s6;
	s1 =	sshll.u32 s5, $0x4;
	s10 =	smul.u32 $0x14000, s0  }
0x8: {  	s11 =	smul.u32 $0x50000, s0;
	s29 =	ssub.s32 $0x2, s5;
	s7 =	sor.u32 s0, s1  }
0x9: {  	s1 =	rddreg [dreg:$0x2];
	_ =	strace $0x8000004A;
	s31 =	sshrl.u32 s29, $0x1  }
0xa: {  	s8 =	smul.u32 $0x4E2, s7;
	s7 =	sshll.u32 s7, $0xB;
	s28 =	sadd.s32 s10, s9  }
0xb: {  	s30 =	sshrl.u32 s11, $0x2;
	s16 =	ssub.s32 s29, s31;
	s14 =	sadd.s32 s7, s6  }
0xc: {  	s7 =	sshrl.u32 s28, $0x3;
	s5 =	sadd.s32 s30, s2;
	s16 =	smax.u32 s16, $0x1  }
0xd: {  	s13 =	sadd.s32 s8, s6;
	s15 =	sadd.s32 s7, s6;
	s6 =	sadd.s32 $0x2800, s5  }
0xe: {  	s7 =	sadd.s32 $0x5000, s5;
	s8 =	sadd.s32 $0x7800, s5;
	s9 =	sadd.s32 $0xA000, s5  }
0xf: {  	s10 =	sadd.s32 $0xC800, s5;
	s11 =	sadd.s32 $0xF000, s5;
	s12 =	sadd.s32 $0x11800, s5  }
0x10: {  	v0 =	vimm.f32 $0.0e+00;
	s14 =	sadd.s32 $0xD000, s14;
	s13 =	sadd.s32 $0x3200, s13;
	s15 =	sadd.s32 $0x44200, s15  }
.LBB2_1:
0x11: {  	s26 =	simm.s32 $0x0;
	s28 =	simm.s32 $0x200  }
.LBB2_2:
0x12: {  	p0 =	sne.s32 s28, $0x9E00;
	[tilespmem:s26+$0x70] =	vst v0  }
0x13: {  	[tilespmem:s26+$0x0] =	vst v0  }
0x14: {  	[tilespmem:s26+$0x10] =	vst v0  }
.Ltmp0:
0x15: {  	[tilespmem:s26+$0x20] =	vst v0;
	(pc) =	sbr.rel @p0 .LBB2_2-.Ltmp0, $4  }
0x16: {  	[tilespmem:s26+$0x30] =	vst v0  }
0x17: {  	[tilespmem:s26+$0x40] =	vst v0  }
0x18: {  	[tilespmem:s26+$0x50] =	vst v0  }
0x19: {  	[tilespmem:s26+$0x60] =	vst v0;
	s26 =	sshra.s32 s28, $0x2;
	s28 =	sadd.s32 $0x200, s28  }
0x1a: {  	[tilespmem:s26+$0x70] =	vst v0  }
0x1b: {  	[tilespmem:s26+$0x0] =	vst v0  }
0x1c: {  	[tilespmem:s26+$0x10] =	vst v0  }
0x1d: {  	[tilespmem:s26+$0x20] =	vst v0  }
0x1e: {  	[tilespmem:s26+$0x30] =	vst v0  }
0x1f: {  	[tilespmem:s26+$0x40] =	vst v0  }
0x20: {  	[tilespmem:s26+$0x50] =	vst v0  }
0x21: {  	[tilespmem:s26+$0x60] =	vst v0;
	s31 =	simm.s32 $0x0  }
0x22: {  	[spmem:s5] =	stream.linear.scatter [tilespmem:s31], [sflag:$0x2], $0x2800, $0x38;
	[tilespmem:$0x1F780] =	vst v63  }
0x23: {  	_ = 	snop  }
0x24: {  	[spmem:s6] =	stream.linear.scatter [tilespmem:s31], [sflag:$0x2], $0x2800, $0x38;
	[tilespmem:$0x1F780] =	vst v63  }
0x25: {  	_ = 	snop  }
0x26: {  	[spmem:s7] =	stream.linear.scatter [tilespmem:s31], [sflag:$0x2], $0x2800, $0x38;
	[tilespmem:$0x1F780] =	vst v63  }
0x27: {  	_ = 	snop  }
0x28: {  	[spmem:s8] =	stream.linear.scatter [tilespmem:s31], [sflag:$0x2], $0x2800, $0x38;
	[tilespmem:$0x1F780] =	vst v63  }
0x29: {  	_ = 	snop  }
0x2a: {  	[spmem:s9] =	stream.linear.scatter [tilespmem:s31], [sflag:$0x2], $0x2800, $0x38;
	[tilespmem:$0x1F780] =	vst v63  }
0x2b: {  	_ = 	snop  }
0x2c: {  	[spmem:s10] =	stream.linear.scatter [tilespmem:s31], [sflag:$0x2], $0x2800, $0x38;
	[tilespmem:$0x1F780] =	vst v63  }
0x2d: {  	_ = 	snop  }
0x2e: {  	[spmem:s11] =	stream.linear.scatter [tilespmem:s31], [sflag:$0x2], $0x2800, $0x38;
	[tilespmem:$0x1F780] =	vst v63  }
0x2f: {  	_ = 	snop  }
0x30: {  	[spmem:s12] =	stream.linear.scatter [tilespmem:s31], [sflag:$0x2], $0x2800, $0x38;
	[tilespmem:$0x1F780] =	vst v63  }
0x31: {  	_ = 	snop  }
0x32: {  	[tilespmem:s17], [sflag:$0x3] =	stream.linear.gather [hbm4b:s13+s31], $0x2710, $0x38;
	[tilespmem:$0x1F780] =	vst v63  }
0x33: {  	_ =	swait.ge [sflag:s18], $0x2710  }
0x34: {  	[sflag:s18] =	ssyncset.done $0x0  }
0x35: {  	[sflag:s18] =	ssyncadd.s32 $0xFFFFD8F0  }
0x36: {  	[tilespmem:s19], [sflag:$0x3] =	stream.linear.gather [hbm4b:s14+s31], $0x3E80, $0x38;
	[tilespmem:$0x1F780] =	vst v63  }
0x37: {  	_ =	swait.ge [sflag:s18], $0x3E80  }
0x38: {  	[sflag:s18] =	ssyncset.done $0x0  }
0x39: {  	[sflag:s18] =	ssyncadd.s32 $0xFFFFC180  }
0x3a: {  	_ =	swait.ge [sflag:s20], $0x2800  }
0x3b: {  	[sflag:s20] =	ssyncset.done $0x0  }
0x3c: {  	[sflag:s20] =	ssyncadd.s32 $0xFFFFD800  }
0x3d: {  	_ =	swait.ge [sflag:s20], $0x2800  }
0x3e: {  	[sflag:s20] =	ssyncset.done $0x0  }
0x3f: {  	[sflag:s20] =	ssyncadd.s32 $0xFFFFD800  }
0x40: {  	_ =	swait.ge [sflag:s20], $0x2800  }
0x41: {  	[sflag:s20] =	ssyncset.done $0x0  }
0x42: {  	[sflag:s20] =	ssyncadd.s32 $0xFFFFD800  }
0x43: {  	_ =	swait.ge [sflag:s20], $0x2800  }
0x44: {  	[sflag:s20] =	ssyncset.done $0x0  }
0x45: {  	[sflag:s20] =	ssyncadd.s32 $0xFFFFD800  }
0x46: {  	_ =	swait.ge [sflag:s20], $0x2800  }
0x47: {  	[sflag:s20] =	ssyncset.done $0x0  }
0x48: {  	[sflag:s20] =	ssyncadd.s32 $0xFFFFD800  }
0x49: {  	_ =	swait.ge [sflag:s20], $0x2800  }
0x4a: {  	[sflag:s20] =	ssyncset.done $0x0  }
0x4b: {  	[sflag:s20] =	ssyncadd.s32 $0xFFFFD800  }
0x4c: {  	_ =	swait.ge [sflag:s20], $0x2800  }
0x4d: {  	[sflag:s20] =	ssyncset.done $0x0  }
0x4e: {  	[sflag:s20] =	ssyncadd.s32 $0xFFFFD800  }
0x4f: {  	_ =	swait.ge [sflag:s20], $0x2800  }
0x50: {  	[sflag:s20] =	ssyncset.done $0x0  }
0x51: {  	[sflag:s20] =	ssyncadd.s32 $0xFFFFD800  }
0x52: {  	[bflag:$0x0] =	sbarrier.arrive $0xFFFF  }
0x53: {  	[tilespmem:s31], [sflag:$0x1] =	stream.indirect.gather [hbm4b:s4+s21], $0x80, s17, s21, $0xb8;
	[tilespmem:$0x1F780] =	vst v63  }
0x54: {  	s30 =	simm.s32 $0x5050  }
0x55: {  	[tilespmem:s22], [sflag:$0x2] =	stream.indirect.gather [hbm4b:s4+s21], $0x80, s30, s21, $0xb8;
	[tilespmem:$0x1F780] =	vst v63  }
0x56: {  	_ =	swait.ge [sflag:s23], $0x2800  }
0x57: {  	[sflag:s23] =	ssyncset.done $0x0  }
0x58: {  	s31 =	simm.s32 $0x7780;
	[sflag:s23] =	ssyncadd.s32 $0xFFFFD800  }
0x59: {  	[spmem:s2] =	stream.indirect.scatter.add.f32 [tilespmem:s3], [sflag:$0x3], $0x80, s31, s21, $0xb8;
	[tilespmem:$0x1F780] =	vst v63  }
0x5a: {  	_ =	swait.ge [sflag:s18], $0x2800  }
0x5b: {  	[sflag:s18] =	ssyncset.done $0x0  }
0x5c: {  	s30 =	simm.s32 $0x50A0;
	[sflag:s18] =	ssyncadd.s32 $0xFFFFD800  }
0x5d: {  	[tilespmem:s3], [sflag:$0x1] =	stream.indirect.gather [hbm4b:s4+s21], $0x80, s30, s21, $0xb8;
	[tilespmem:$0x1F780] =	vst v63  }
0x5e: {  	_ =	swait.ge [sflag:s20], $0x2800  }
0x5f: {  	[sflag:s20] =	ssyncset.done $0x0  }
0x60: {  	s31 =	simm.s32 $0x7800;
	[sflag:s20] =	ssyncadd.s32 $0xFFFFD800  }
0x61: {  	[spmem:s2] =	stream.indirect.scatter.add.f32 [tilespmem:s22], [sflag:$0x3], $0x80, s31, s21, $0xb8;
	[tilespmem:$0x1F780] =	vst v63  }
0x62: {  	s28 =	simm.s32 $0x400;
	_ =	swait.ge [sflag:s18], $0x2800  }
0x63: {  	s29 =	simm.s32 $0x800;
	s26 =	simm.s32 $0x5140;
	[sflag:s18] =	ssyncset.done $0x0  }
.LBB2_4:
0x64: {  	p0 =	sne.s32 s29, $0xF400;
	s30 =	sadd.s32 $0xFFFFFFB0, s26;
	[sflag:s18] =	ssyncadd.s32 $0xFFFFD800  }
0x65: {  	[tilespmem:s22], [sflag:$0x2] =	stream.indirect.gather [hbm4b:s4+s21], $0x80, s30, s21, $0xb8;
	[tilespmem:$0x1F780] =	vst v63  }
0x66: {  	s30 =	smov.u32 s29;
	s29 =	sadd.s32 $0x400, s29;
	_ =	swait.ge [sflag:s23], $0x2800  }
0x67: {  	s31 =	sshra.s32 s28, $0x2;
	s28 =	smov.u32 s30;
	[sflag:s23] =	ssyncset.done $0x0  }
0x68: {  	s30 =	sadd.s32 $0x7780, s31;
	[sflag:s23] =	ssyncadd.s32 $0xFFFFD800  }
0x69: {  	[spmem:s2] =	stream.indirect.scatter.add.f32 [tilespmem:s3], [sflag:$0x3], $0x80, s30, s21, $0xb8;
	[tilespmem:$0x1F780] =	vst v63  }
0x6a: {  	_ =	swait.ge [sflag:s18], $0x2800  }
0x6b: {  	[sflag:s18] =	ssyncset.done $0x0  }
0x6c: {  	[sflag:s18] =	ssyncadd.s32 $0xFFFFD800  }
0x6d: {  	[tilespmem:s3], [sflag:$0x1] =	stream.indirect.gather [hbm4b:s4+s21], $0x80, s26, s21, $0xb8;
	[tilespmem:$0x1F780] =	vst v63  }
0x6e: {  	_ =	swait.ge [sflag:s20], $0x2800  }
.Ltmp1:
0x6f: {  	[sflag:s20] =	ssyncset.done $0x0;
	(pc) =	sbr.rel @p0 .LBB2_4-.Ltmp1, $4  }
0x70: {  	s30 =	sadd.s32 $0x7800, s31;
	[sflag:s20] =	ssyncadd.s32 $0xFFFFD800  }
0x71: {  	[spmem:s2] =	stream.indirect.scatter.add.f32 [tilespmem:s22], [sflag:$0x3], $0x80, s30, s21, $0xb8;
	[tilespmem:$0x1F780] =	vst v63  }
0x72: {  	_ =	swait.ge [sflag:s18], $0x2800  }
0x73: {  	s26 =	sadd.s32 $0xA0, s26;
	[sflag:s18] =	ssyncset.done $0x0  }
0x74: {  	s29 =	sadd.s32 $0xFFFFFFB0, s26;
	[sflag:s18] =	ssyncadd.s32 $0xFFFFD800  }
0x75: {  	[tilespmem:s22], [sflag:$0x2] =	stream.indirect.gather [hbm4b:s4+s21], $0x80, s29, s21, $0xb8;
	[tilespmem:$0x1F780] =	vst v63  }
0x76: {  	_ =	swait.ge [sflag:s23], $0x2800  }
0x77: {  	s28 =	sshra.s32 s28, $0x2;
	[sflag:s23] =	ssyncset.done $0x0  }
0x78: {  	s31 =	sadd.s32 $0x7780, s28;
	[sflag:s23] =	ssyncadd.s32 $0xFFFFD800  }
0x79: {  	[spmem:s2] =	stream.indirect.scatter.add.f32 [tilespmem:s3], [sflag:$0x3], $0x80, s31, s21, $0xb8;
	[tilespmem:$0x1F780] =	vst v63  }
0x7a: {  	_ =	swait.ge [sflag:s18], $0x2800  }
0x7b: {  	[sflag:s18] =	ssyncset.done $0x0  }
0x7c: {  	[sflag:s18] =	ssyncadd.s32 $0xFFFFD800  }
0x7d: {  	[tilespmem:s3], [sflag:$0x1] =	stream.indirect.gather [hbm4b:s4+s21], $0x80, s26, s21, $0xb8;
	[tilespmem:$0x1F780] =	vst v63  }
0x7e: {  	_ =	swait.ge [sflag:s20], $0x2800  }
0x7f: {  	[sflag:s20] =	ssyncset.done $0x0  }
0x80: {  	s29 =	sadd.s32 $0x7800, s28;
	[sflag:s20] =	ssyncadd.s32 $0xFFFFD800  }
0x81: {  	[spmem:s2] =	stream.indirect.scatter.add.f32 [tilespmem:s22], [sflag:$0x3], $0x80, s29, s21, $0xb8;
	[tilespmem:$0x1F780] =	vst v63  }
0x82: {  	_ =	swait.ge [sflag:s18], $0x2800  }
0x83: {  	[sflag:s18] =	ssyncset.done $0x0  }
0x84: {  	[sflag:s18] =	ssyncadd.s32 $0xFFFFD800  }
0x85: {  	_ =	swait.ge [sflag:s23], $0x2800  }
0x86: {  	[sflag:s23] =	ssyncset.done $0x0  }
0x87: {  	[sflag:s23] =	ssyncadd.s32 $0xFFFFD800  }
0x88: {  	[spmem:s2] =	stream.indirect.scatter.add.f32 [tilespmem:s3], [sflag:$0x3], $0x80, s24, s21, $0xb8;
	[tilespmem:$0x1F780] =	vst v63  }
0x89: {  	_ =	swait.ge [sflag:s18], $0x2800  }
0x8a: {  	s30 =	sshll.u32 s0, $0x6;
	s25 =	sadd.s32 $0x1, s25;
	[sflag:s18] =	ssyncset.done $0x0  }
0x8b: {  	p0 =	sne.s32 s25, s16;
	s31 =	sshrl.u32 s5, $0x3;
	[sflag:s18] =	ssyncadd.s32 $0xFFFFD800  }
.Ltmp2:
0x8c: {  	s26 =	sor.u32 $0x1C03, s30;
	[bflag:$0x0] =	sbarrier.arrive $0xFFFF;
	(pc) =	sbr.rel @p0 .LBB2_1-.Ltmp2, $4  }
0x8d: {  	[hbm:s15], [sflag:s26] =	dma.local [spmem:s31], $0x2800  }
0x8e: {  	_ =	swait.ge [sflag:s18], $0x2800  }
0x8f: {  	[sflag:s18] =	ssyncset.done $0x0  }
0x90: {  	[sflag:s18] =	ssyncadd.s32 $0xFFFFD800  }
0x91: {  	_ =	sfence.sel $0x180000  }
0x92: {  	[bflag:$0x0] =	sbarrier.arrive $0xFFFF  }
0x93: {  	p0 =	sne.s32 s0, $0x0;
	_ =	strace $0x9000004A  }
0x94: {  	s0 =	sadd.s32 @!p0 $0x100000, s1;
	[bflag:$0x2] =	sbarrier.arrive $0xFFFF  }
0x95: {  	[sflag:s0] =	ssyncadd.tile.s32 @!p0 $0x1;
	_ =	shalt  }
.Lfunc_end2:
_tile_overlayer_lowered:
.L_overlay_start_2:
0x96: {  	(tag) =	ssettag $0x2  }
0x97: {  	s0 =	rddreg [dreg:$0x0];
	s2 =	stileid.u32  }
0x98: {  	s1 =	rddreg [dreg:$0x1];
	p0 =	sne.s32 s2, $0x0  }
0x99: {  	s3 =	rddreg [dreg:$0x2];
	[bflag:$0x3] =	sbarrier.arrive $0xFFFF;
	s2 =	simm.s32 @!p0 $0x1C03  }
0x9a: {  	[timem:s3], [sflag:s2] =	dma.local @!p0 [hbm:s0], s1  }
0x9b: {  	s0 =	simm.s32 @!p0 $0x3  }
0x9c: {  	_ =	swait.ge @!p0 [sflag:s0], s1  }
0x9d: {  	s1 =	ssub.s32 @!p0 $0x0, s1;
	[sflag:s0] =	ssyncset.done @!p0 $0x0  }
0x9e: {  	[sflag:s0] =	ssyncadd.s32 @!p0 s1  }
0x9f: {  	[bflag:$0x3] =	sbarrier.arrive $0xFFFF  }
0xa0: {  	_ =	shalt  }

// kernel: kernel.17.cloned.1.call-start
scs
__scs_entry_jumppad:
0x0: {  	(pc) =	sbr.rel $0x88, $3  }
0x1: {  	(tag) =	ssettag $0x0;
	lr =	simm.s32 $0x1  }
0x2: {  	[smem:$0x3F96] =	sst lr;
	_ =	strace $0xD0000000  }
0x3: {  	_ = 	snop  }
0x4: {  	_ = 	snop  }
0x5: {  	_ = 	snop  }
0x6: {  	_ = 	snop  }
0x7: {  	_ = 	snop  }
__scs_overlays_trampoline_lowered:
0x8: {  	[smem:$0x3FA5] =	sst s0  }
0x9: {  	[smem:$0x3FA6] =	sst s1  }
0xa: {  	[smem:$0x3FA7] =	sst s2  }
0xb: {  	[smem:$0x3FA8] =	sst s3  }
0xc: {  	[smem:$0x3FA9] =	sst s4  }
0xd: {  	[smem:$0x3FAA] =	sst s5  }
0xe: {  	[smem:$0x3FAB] =	sst s6  }
0xf: {  	[smem:$0x3FAC] =	sst s7  }
0x10: {  	[smem:$0x3FAD] =	sst s8  }
0x11: {  	[smem:$0x3FAE] =	sst s9;
	s0 =	simm.s32 @!p0 $0x0  }
0x12: {  	s1 =	sld [smem:$0x3F94];
	s0 =	simm.s32 @p0 $0x1  }
0x13: {  	[smem:$0x3FAF] =	sst s0;
	s0 =	simm.s32 @!p1 $0x0  }
0x14: {  	s2 =	sld [smem:$0x3F93];
	s0 =	simm.s32 @p1 $0x1  }
0x15: {  	[smem:$0x3FB0] =	sst s0;
	s0 =	simm.s32 @!p2 $0x0  }
0x16: {  	s3 =	sld [smem:$0x3FDB];
	s0 =	simm.s32 @p2 $0x1  }
0x17: {  	s4 =	simm.s32 $0x1BF5;
	[smem:$0x3FB2] =	sst s0  }
0x18: {  	s0 =	sld [smem:$0x3F95];
	_ =	swait.ge [sflag:s4], $0x0  }
0x19: {  	s7 =	sld [smem:$0x3F96]  }
0x1a: {  	s8 =	sadd.s32 $0xFFFFE003, lr  }
0x1b: {  	s9 =	sadd.s32 $0xFFFFFEF7, lr;
	s5 =	simm.s32 $0xFFFFFFFF;
	p2 =	slt.u32 s8, $0xFFFFF086  }
0x1c: {  	p1 =	slt.u32 s9, $0xF7A;
	s5 =	simm.s32 @!p2 $0x0  }
0x1d: {  	s5 =	simm.s32 @p1 $0x1;
	p0 =	seq.s32 s7, s2  }
0x1e: {  	s7 =	smul.u32 @!p0 $0xF7A, s2;
	p2 =	seq.s32 @!p0 s5, $0x0  }
0x1f: {  	s9 =	smul.u32 $0xF7A, s1;
	s8 =	simm.s32 @!p0 $0x1BF5;
	p2 =	por !p2, p0  }
0x20: {  	[sflag:s8] =	ssyncset.s32 @!p0 $0xFFFFF086;
	s6 =	sadd.s32 @!p0 s3, s7;
	s7 =	simm.s32 @!p0 $0x108  }
0x21: {  	s3 =	sadd.s32 s3, s9;
	s6 =	sadd.s32 @!p0 $0x88, s6;
	s7 =	simm.s32 @p2 $0x1082  }
0x22: {  	[simem:s7], [sflag:s8] =	dma.local @!p0 [hbm:s6], $0xF7A  }
0x23: {  	s9 =	sor.u32 $0xD0000000, s2;
	s6 =	simm.s32 $0x108;
	_ =	swait.ge @!p0 [sflag:s8], $0x0  }
0x24: {  	s3 =	sadd.s32 $0x88, s3;
	s6 =	simm.s32 @!p1 $0x1082;
	[sflag:s4] =	ssyncset.s32 $0xFFFFF086  }
0x25: {  	[simem:s6], [sflag:s4] =	dma.local [hbm:s3], $0xF7A  }
0x26: {  	[smem:$0x3F96] =	sst s1;
	(tag) =	ssettag s2;
	_ =	strace s9  }
0x27: {  	s1 =	sld [smem:$0x3FA6]  }
0x28: {  	s2 =	sld [smem:$0x3FA7]  }
0x29: {  	s4 =	sld [smem:$0x3FA9]  }
0x2a: {  	p0 =	seq.s32 s5, $0x0;
	s5 =	sld [smem:$0x3FAA]  }
0x2b: {  	s6 =	sld [smem:$0x3FAB]  }
0x2c: {  	s7 =	sld [smem:$0x3FAC]  }
0x2d: {  	s3 =	simm.s32 $0x108;
	s8 =	sld [smem:$0x3FAD]  }
0x2e: {  	s3 =	simm.s32 @!p0 $0x1082;
	s9 =	sld [smem:$0x3FAE]  }
0x2f: {  	lr =	sadd.s32 s0, s3;
	s0 =	sld [smem:$0x3FA5]  }
0x30: {  	s3 =	sld [smem:$0x3FA8]  }
0x31: {  	[smem:$0x3FB1] =	sst s10  }
0x32: {  	s10 =	sld [smem:$0x3FAF];
	_ =	sdelay $0x3  }
0x33: {  	p0 =	seq.s32 s10, $0x1;
	s10 =	sld [smem:$0x3FB1];
	_ =	sdelay $0x3  }
0x34: {  	[smem:$0x3FB1] =	sst s10  }
0x35: {  	s10 =	sld [smem:$0x3FB0];
	_ =	sdelay $0x3  }
0x36: {  	p1 =	seq.s32 s10, $0x1;
	s10 =	sld [smem:$0x3FB1];
	_ =	sdelay $0x3  }
0x37: {  	[smem:$0x3FB1] =	sst s10  }
0x38: {  	s10 =	sld [smem:$0x3FB2]  }
0x39: {  	_ = 	snop;
	(pc) =	sbr.ind lr, $3  }
0x3a: {  	_ = 	snop  }
0x3b: {  	_ = 	snop  }
0x3c: {  	p2 =	seq.s32 s10, $0x1;
	s10 =	sld [smem:$0x3FB1]  }
0x3d: {  	_ =	shalt  }
0x3e: {  	_ =	shalt  }
0x3f: {  	_ =	shalt  }
0x40: {  	_ =	shalt  }
0x41: {  	_ =	shalt  }
0x42: {  	_ =	shalt  }
0x43: {  	_ =	shalt  }
0x44: {  	_ =	shalt  }
0x45: {  	_ =	shalt  }
0x46: {  	_ =	shalt  }
0x47: {  	_ =	shalt  }
0x48: {  	_ =	shalt  }
0x49: {  	_ =	shalt  }
0x4a: {  	_ =	shalt  }
0x4b: {  	_ =	shalt  }
0x4c: {  	_ =	shalt  }
0x4d: {  	_ =	shalt  }
0x4e: {  	_ =	shalt  }
0x4f: {  	_ =	shalt  }
0x50: {  	_ =	shalt  }
0x51: {  	_ =	shalt  }
0x52: {  	_ =	shalt  }
0x53: {  	_ =	shalt  }
0x54: {  	_ =	shalt  }
0x55: {  	_ =	shalt  }
0x56: {  	_ =	shalt  }
0x57: {  	_ =	shalt  }
0x58: {  	_ =	shalt  }
0x59: {  	_ =	shalt  }
0x5a: {  	_ =	shalt  }
0x5b: {  	_ =	shalt  }
0x5c: {  	_ =	shalt  }
0x5d: {  	_ =	shalt  }
0x5e: {  	_ =	shalt  }
0x5f: {  	_ =	shalt  }
0x60: {  	_ =	shalt  }
0x61: {  	_ =	shalt  }
0x62: {  	_ =	shalt  }
0x63: {  	_ =	shalt  }
0x64: {  	_ =	shalt  }
0x65: {  	_ =	shalt  }
0x66: {  	_ =	shalt  }
0x67: {  	_ =	shalt  }
0x68: {  	_ =	shalt  }
0x69: {  	_ =	shalt  }
0x6a: {  	_ =	shalt  }
0x6b: {  	_ =	shalt  }
0x6c: {  	_ =	shalt  }
0x6d: {  	_ =	shalt  }
0x6e: {  	_ =	shalt  }
0x6f: {  	_ =	shalt  }
0x70: {  	_ =	shalt  }
0x71: {  	_ =	shalt  }
0x72: {  	_ =	shalt  }
0x73: {  	_ =	shalt  }
0x74: {  	_ =	shalt  }
0x75: {  	_ =	shalt  }
0x76: {  	_ =	shalt  }
0x77: {  	_ =	shalt  }
0x78: {  	_ =	shalt  }
0x79: {  	_ =	shalt  }
0x7a: {  	_ =	shalt  }
0x7b: {  	_ =	shalt  }
0x7c: {  	_ =	shalt  }
0x7d: {  	_ =	shalt  }
0x7e: {  	_ =	shalt  }
0x7f: {  	_ =	shalt  }
0x80: {  	_ =	shalt  }
0x81: {  	_ =	shalt  }
0x82: {  	_ =	shalt  }
0x83: {  	_ =	shalt  }
0x84: {  	_ =	shalt  }
0x85: {  	_ =	shalt  }
0x86: {  	_ =	shalt  }
0x87: {  	_ =	shalt  }
.Lfunc_end0:
.L_simem_size_0:
called_computation.2_lowered:
.L_overlay_start_0:
0x88: {  	s2 =	sld [smem:$0x3FD9]  }
0x89: {  	s3 =	sld [smem:$0x3FFE];
	_ =	sdelay $0x1  }
0x8a: {  	s1 =	srdreg.scid  }
0x8b: {  	s0 =	sand.u32 $0x1, s1  }
0x8c: {  	s16 =	sshll.u32 s0, $0xA;
	s2 =	sadd.s32 s3, s2  }
0x8d: {  	s2 =	sadd.s32 s2, s16  }
0x8e: {  	[smem:$0x3FBD] =	sst s2  }
0x8f: {  	_ = 	snop  }
0x90: {  	(tm) =	ssettm $0x1  }
0x91: {  	s17 =	sld [smem:$0x3FFB];
	_ =	sdelay $0x3  }
0x92: {  	_ =	strace s17  }
0x93: {  	s2 =	sld [smem:$0x3FFC];
	_ =	sdelay $0x3  }
0x94: {  	_ =	strace s2  }
0x95: {  	s2 =	sld [smem:$0x3FFD];
	_ =	sdelay $0x3  }
0x96: {  	_ =	strace s2  }
0x97: {  	_ =	strace $0x8FFFFFFF  }
0x98: {  	s18 =	sld [smem:$0x3FDB];
	_ =	sdelay $0x1  }
0x99: {  	s19 =	simm.s32 $_scs_section_size  }
0x9a: {  	s4 =	simm.s32 $_size__tile_overlayer_lowered;
	s5 =	simm.s32 $_tile_overlayer_lowered  }
0x9b: {  	s22 =	simm.s32 $0x1BFF;
	s21 =	sshll.u32 s5, $0x1;
	s2 =	sadd.s32 s19, s18  }
0x9c: {  	s6 =	simm.s32 $0x0;
	s20 =	sshll.u32 s4, $0x1;
	s4 =	sadd.s32 s21, s2  }
0x9d: {  	[timem:s6], [sflag:s22] =	dma.local [hbm:s4], s20  }
0x9e: {  	_ =	swait.ge [sflag:s22], s20  }
0x9f: {  	s3 =	ssub.s32 $0x0, s20;
	[sflag:s22] =	ssyncset.done $0x0  }
0xa0: {  	[sflag:s22] =	ssyncadd.s32 s3;
	_ =	sdelay $0x1  }
0xa1: {  	s23 =	simm.s32 $0x1B8B  }
0xa2: {  	_ =	swait.ge [sflag:s23], $0x1  }
0xa3: {  	[sflag:s23] =	ssyncset.done $0x0  }
0xa4: {  	s25 =	simm.s32 $0x1B8E;
	s24 =	sld [smem:$0x3FFE];
	[sflag:s23] =	ssyncadd.s32 $0xFFFFFFFF  }
0xa5: {  	s26 =	simm.s32 $execute0_lowered;
	[smem:$0x3FD2] =	sst s25  }
0xa6: {  	s4 =	sshll.u32 s26, $0x1;
	_ =	strace $0x8000004C;
	[dreg:$0x1] =	wrdreg $0xFFFFFFFF  }
0xa7: {  	s28 =	simm.s32 $_size_execute0_lowered;
	s2 =	sadd.s32 s2, s4;
	[dreg:$0x0] =	wrdreg $0x0  }
0xa8: {  	s4 =	sshll.u32 s28, $0x1;
	[dreg:$0x2] =	wrdreg s2  }
0xa9: {  	[dreg:$0x3] =	wrdreg s4  }
0xaa: {  	[dreg:$0x4] =	wrdreg $0xC0  }
0xab: {  	_ =	task [dreg:s6], $0x5FFFF  }
0xac: {  	[dreg:$0x1] =	wrdreg $0xFFFFFFFF  }
0xad: {  	[dreg:$0x0] =	wrdreg $0x60  }
0xae: {  	[dreg:$0x2] =	wrdreg s24  }
0xaf: {  	[dreg:$0x3] =	wrdreg $0xB7800  }
0xb0: {  	[dreg:$0x4] =	wrdreg $0x9  }
0xb1: {  	_ =	task.clear_ibuf [dreg:s6], $0x5FFFF;
	_ =	strace $0x9000004C  }
0xb2: {  	s29 =	simm.s32 $0x9;
	_ =	strace $0x8000004E  }
0xb3: {  	_ =	swait.ge [sflag:s29], $0x1  }
0xb4: {  	[sflag:s29] =	ssyncadd.s32 $0xFFFFFFFF  }
0xb5: {  	_ =	strace $0x9000004E  }
0xb6: {  	_ =	sfence  }
0xb7: {  	s30 =	sld [smem:$0x0];
	_ =	sdelay $0x2  }
0xb8: {  	s31 =	sshll.u32 s1, $0xD;
	s1 =	sshrl.u32 s1, $0x2  }
0xb9: {  	s3 =	sand.u32 $0x4000, s31;
	s1 =	sadd.s32 s1, s30  }
0xba: {  	s0 =	sor.u32 s3, s0;
	s1 =	sshll.u32 s1, $0x11  }
0xbb: {  	s0 =	sor.u32 s1, s0  }
0xbc: {  	s0 =	sadd.s32 $0x8F2B, s0  }
0xbd: {  	[sflag:s0] =	ssyncadd.remote.s32 $0x1  }
0xbe: {  	_ =	sfence.sel $0xFFFF  }
0xbf: {  	[dreg:$0x0] =	wrdreg $0xFFFFFFFF;
	(pc) =	sbr.abs _section_cstart, $3  }
0xc0: {  	[dreg:$0x1] =	wrdreg $0xFFFFFFFF  }
0xc1: {  	_ =	task.clear_ibuf [dreg:s6], $0x2FFFF;
	_ =	strace $0x9FFFFFFF  }
0xc2: {  	(tm) =	ssettm $0x7FFFFFFF  }
0xc3: {  	_ =	shalt  }
tec
execute0_lowered:
.L_overlay_start_1:
0x0: {  	(tag) =	ssettag $0x1  }
0x1: {  	s0 =	srdreg.scid;
	s6 =	rddreg [dreg:$0x0]  }
0x2: {  	s2 =	rddreg [dreg:$0x1];
	s3 =	simm.s32 $0x0;
	s17 =	simm.s32 $0x5000  }
0x3: {  	s18 =	simm.s32 $0x3;
	s19 =	simm.s32 $0x7780;
	s20 =	simm.s32 $0x2  }
0x4: {  	s21 =	simm.s32 $0x50;
	s22 =	simm.s32 $0x2800;
	s23 =	simm.s32 $0x1  }
0x5: {  	s24 =	simm.s32 $0xB580;
	s5 =	sand.u32 $0x1, s0;
	s0 =	stileid.u32  }
0x6: {  	s25 =	simm.s32 $0x0;
	[smem:$0x7FF] =	sst s3;
	s9 =	smul.u32 $0x140000, s5  }
0x7: {  	s4 =	sadd.s32 $0x1D000, s6;
	s1 =	sshll.u32 s5, $0x4;
	s10 =	smul.u32 $0x14000, s0  }
0x8: {  	s11 =	smul.u32 $0x50000, s0;
	s29 =	ssub.s32 $0x2, s5;
	s7 =	sor.u32 s0, s1  }
0x9: {  	s1 =	rddreg [dreg:$0x2];
	_ =	strace $0x8000004D;
	s31 =	sshrl.u32 s29, $0x1  }
0xa: {  	s8 =	smul.u32 $0x4E2, s7;
	s7 =	sshll.u32 s7, $0xB;
	s28 =	sadd.s32 s10, s9  }
0xb: {  	s30 =	sshrl.u32 s11, $0x2;
	s16 =	ssub.s32 s29, s31;
	s14 =	sadd.s32 s7, s6  }
0xc: {  	s7 =	sshrl.u32 s28, $0x3;
	s5 =	sadd.s32 s30, s2;
	s16 =	smax.u32 s16, $0x1  }
0xd: {  	s13 =	sadd.s32 s8, s6;
	s15 =	sadd.s32 s7, s6;
	s6 =	sadd.s32 $0x2800, s5  }
0xe: {  	s7 =	sadd.s32 $0x5000, s5;
	s8 =	sadd.s32 $0x7800, s5;
	s9 =	sadd.s32 $0xA000, s5  }
0xf: {  	s10 =	sadd.s32 $0xC800, s5;
	s11 =	sadd.s32 $0xF000, s5;
	s12 =	sadd.s32 $0x11800, s5  }
0x10: {  	v0 =	vimm.f32 $0.0e+00;
	s14 =	sadd.s32 $0xD000, s14;
	s13 =	sadd.s32 $0x3200, s13;
	s15 =	sadd.s32 $0x44200, s15  }
.LBB2_1:
0x11: {  	s26 =	simm.s32 $0x0;
	s28 =	simm.s32 $0x200  }
.LBB2_2:
0x12: {  	p0 =	sne.s32 s28, $0x9E00;
	[tilespmem:s26+$0x70] =	vst v0  }
0x13: {  	[tilespmem:s26+$0x0] =	vst v0  }
0x14: {  	[tilespmem:s26+$0x10] =	vst v0  }
.Ltmp0:
0x15: {  	[tilespmem:s26+$0x20] =	vst v0;
	(pc) =	sbr.rel @p0 .LBB2_2-.Ltmp0, $4  }
0x16: {  	[tilespmem:s26+$0x30] =	vst v0  }
0x17: {  	[tilespmem:s26+$0x40] =	vst v0  }
0x18: {  	[tilespmem:s26+$0x50] =	vst v0  }
0x19: {  	[tilespmem:s26+$0x60] =	vst v0;
	s26 =	sshra.s32 s28, $0x2;
	s28 =	sadd.s32 $0x200, s28  }
0x1a: {  	[tilespmem:s26+$0x70] =	vst v0  }
0x1b: {  	[tilespmem:s26+$0x0] =	vst v0  }
0x1c: {  	[tilespmem:s26+$0x10] =	vst v0  }
0x1d: {  	[tilespmem:s26+$0x20] =	vst v0  }
0x1e: {  	[tilespmem:s26+$0x30] =	vst v0  }
0x1f: {  	[tilespmem:s26+$0x40] =	vst v0  }
0x20: {  	[tilespmem:s26+$0x50] =	vst v0  }
0x21: {  	[tilespmem:s26+$0x60] =	vst v0;
	s31 =	simm.s32 $0x0  }
0x22: {  	[spmem:s5] =	stream.linear.scatter [tilespmem:s31], [sflag:$0x2], $0x2800, $0x38;
	[tilespmem:$0x1F780] =	vst v63  }
0x23: {  	_ = 	snop  }
0x24: {  	[spmem:s6] =	stream.linear.scatter [tilespmem:s31], [sflag:$0x2], $0x2800, $0x38;
	[tilespmem:$0x1F780] =	vst v63  }
0x25: {  	_ = 	snop  }
0x26: {  	[spmem:s7] =	stream.linear.scatter [tilespmem:s31], [sflag:$0x2], $0x2800, $0x38;
	[tilespmem:$0x1F780] =	vst v63  }
0x27: {  	_ = 	snop  }
0x28: {  	[spmem:s8] =	stream.linear.scatter [tilespmem:s31], [sflag:$0x2], $0x2800, $0x38;
	[tilespmem:$0x1F780] =	vst v63  }
0x29: {  	_ = 	snop  }
0x2a: {  	[spmem:s9] =	stream.linear.scatter [tilespmem:s31], [sflag:$0x2], $0x2800, $0x38;
	[tilespmem:$0x1F780] =	vst v63  }
0x2b: {  	_ = 	snop  }
0x2c: {  	[spmem:s10] =	stream.linear.scatter [tilespmem:s31], [sflag:$0x2], $0x2800, $0x38;
	[tilespmem:$0x1F780] =	vst v63  }
0x2d: {  	_ = 	snop  }
0x2e: {  	[spmem:s11] =	stream.linear.scatter [tilespmem:s31], [sflag:$0x2], $0x2800, $0x38;
	[tilespmem:$0x1F780] =	vst v63  }
0x2f: {  	_ = 	snop  }
0x30: {  	[spmem:s12] =	stream.linear.scatter [tilespmem:s31], [sflag:$0x2], $0x2800, $0x38;
	[tilespmem:$0x1F780] =	vst v63  }
0x31: {  	_ = 	snop  }
0x32: {  	[tilespmem:s17], [sflag:$0x3] =	stream.linear.gather [hbm4b:s13+s31], $0x2710, $0x38;
	[tilespmem:$0x1F780] =	vst v63  }
0x33: {  	_ =	swait.ge [sflag:s18], $0x2710  }
0x34: {  	[sflag:s18] =	ssyncset.done $0x0  }
0x35: {  	[sflag:s18] =	ssyncadd.s32 $0xFFFFD8F0  }
0x36: {  	[tilespmem:s19], [sflag:$0x3] =	stream.linear.gather [hbm4b:s14+s31], $0x3E80, $0x38;
	[tilespmem:$0x1F780] =	vst v63  }
0x37: {  	_ =	swait.ge [sflag:s18], $0x3E80  }
0x38: {  	[sflag:s18] =	ssyncset.done $0x0  }
0x39: {  	[sflag:s18] =	ssyncadd.s32 $0xFFFFC180  }
0x3a: {  	_ =	swait.ge [sflag:s20], $0x2800  }
0x3b: {  	[sflag:s20] =	ssyncset.done $0x0  }
0x3c: {  	[sflag:s20] =	ssyncadd.s32 $0xFFFFD800  }
0x3d: {  	_ =	swait.ge [sflag:s20], $0x2800  }
0x3e: {  	[sflag:s20] =	ssyncset.done $0x0  }
0x3f: {  	[sflag:s20] =	ssyncadd.s32 $0xFFFFD800  }
0x40: {  	_ =	swait.ge [sflag:s20], $0x2800  }
0x41: {  	[sflag:s20] =	ssyncset.done $0x0  }
0x42: {  	[sflag:s20] =	ssyncadd.s32 $0xFFFFD800  }
0x43: {  	_ =	swait.ge [sflag:s20], $0x2800  }
0x44: {  	[sflag:s20] =	ssyncset.done $0x0  }
0x45: {  	[sflag:s20] =	ssyncadd.s32 $0xFFFFD800  }
0x46: {  	_ =	swait.ge [sflag:s20], $0x2800  }
0x47: {  	[sflag:s20] =	ssyncset.done $0x0  }
0x48: {  	[sflag:s20] =	ssyncadd.s32 $0xFFFFD800  }
0x49: {  	_ =	swait.ge [sflag:s20], $0x2800  }
0x4a: {  	[sflag:s20] =	ssyncset.done $0x0  }
0x4b: {  	[sflag:s20] =	ssyncadd.s32 $0xFFFFD800  }
0x4c: {  	_ =	swait.ge [sflag:s20], $0x2800  }
0x4d: {  	[sflag:s20] =	ssyncset.done $0x0  }
0x4e: {  	[sflag:s20] =	ssyncadd.s32 $0xFFFFD800  }
0x4f: {  	_ =	swait.ge [sflag:s20], $0x2800  }
0x50: {  	[sflag:s20] =	ssyncset.done $0x0  }
0x51: {  	[sflag:s20] =	ssyncadd.s32 $0xFFFFD800  }
0x52: {  	[bflag:$0x0] =	sbarrier.arrive $0xFFFF  }
0x53: {  	[tilespmem:s31], [sflag:$0x1] =	stream.indirect.gather [hbm4b:s4+s21], $0x80, s17, s21, $0xb8;
	[tilespmem:$0x1F780] =	vst v63  }
0x54: {  	s30 =	simm.s32 $0x5050  }
0x55: {  	[tilespmem:s22], [sflag:$0x2] =	stream.indirect.gather [hbm4b:s4+s21], $0x80, s30, s21, $0xb8;
	[tilespmem:$0x1F780] =	vst v63  }
0x56: {  	_ =	swait.ge [sflag:s23], $0x2800  }
0x57: {  	[sflag:s23] =	ssyncset.done $0x0  }
0x58: {  	s31 =	simm.s32 $0x7780;
	[sflag:s23] =	ssyncadd.s32 $0xFFFFD800  }
0x59: {  	[spmem:s2] =	stream.indirect.scatter.add.f32 [tilespmem:s3], [sflag:$0x3], $0x80, s31, s21, $0xb8;
	[tilespmem:$0x1F780] =	vst v63  }
0x5a: {  	_ =	swait.ge [sflag:s18], $0x2800  }
0x5b: {  	[sflag:s18] =	ssyncset.done $0x0  }
0x5c: {  	s30 =	simm.s32 $0x50A0;
	[sflag:s18] =	ssyncadd.s32 $0xFFFFD800  }
0x5d: {  	[tilespmem:s3], [sflag:$0x1] =	stream.indirect.gather [hbm4b:s4+s21], $0x80, s30, s21, $0xb8;
	[tilespmem:$0x1F780] =	vst v63  }
0x5e: {  	_ =	swait.ge [sflag:s20], $0x2800  }
0x5f: {  	[sflag:s20] =	ssyncset.done $0x0  }
0x60: {  	s31 =	simm.s32 $0x7800;
	[sflag:s20] =	ssyncadd.s32 $0xFFFFD800  }
0x61: {  	[spmem:s2] =	stream.indirect.scatter.add.f32 [tilespmem:s22], [sflag:$0x3], $0x80, s31, s21, $0xb8;
	[tilespmem:$0x1F780] =	vst v63  }
0x62: {  	s28 =	simm.s32 $0x400;
	_ =	swait.ge [sflag:s18], $0x2800  }
0x63: {  	s29 =	simm.s32 $0x800;
	s26 =	simm.s32 $0x5140;
	[sflag:s18] =	ssyncset.done $0x0  }
.LBB2_4:
0x64: {  	p0 =	sne.s32 s29, $0xF400;
	s30 =	sadd.s32 $0xFFFFFFB0, s26;
	[sflag:s18] =	ssyncadd.s32 $0xFFFFD800  }
0x65: {  	[tilespmem:s22], [sflag:$0x2] =	stream.indirect.gather [hbm4b:s4+s21], $0x80, s30, s21, $0xb8;
	[tilespmem:$0x1F780] =	vst v63  }
0x66: {  	s30 =	smov.u32 s29;
	s29 =	sadd.s32 $0x400, s29;
	_ =	swait.ge [sflag:s23], $0x2800  }
0x67: {  	s31 =	sshra.s32 s28, $0x2;
	s28 =	smov.u32 s30;
	[sflag:s23] =	ssyncset.done $0x0  }
0x68: {  	s30 =	sadd.s32 $0x7780, s31;
	[sflag:s23] =	ssyncadd.s32 $0xFFFFD800  }
0x69: {  	[spmem:s2] =	stream.indirect.scatter.add.f32 [tilespmem:s3], [sflag:$0x3], $0x80, s30, s21, $0xb8;
	[tilespmem:$0x1F780] =	vst v63  }
0x6a: {  	_ =	swait.ge [sflag:s18], $0x2800  }
0x6b: {  	[sflag:s18] =	ssyncset.done $0x0  }
0x6c: {  	[sflag:s18] =	ssyncadd.s32 $0xFFFFD800  }
0x6d: {  	[tilespmem:s3], [sflag:$0x1] =	stream.indirect.gather [hbm4b:s4+s21], $0x80, s26, s21, $0xb8;
	[tilespmem:$0x1F780] =	vst v63  }
0x6e: {  	_ =	swait.ge [sflag:s20], $0x2800  }
.Ltmp1:
0x6f: {  	[sflag:s20] =	ssyncset.done $0x0;
	(pc) =	sbr.rel @p0 .LBB2_4-.Ltmp1, $4  }
0x70: {  	s30 =	sadd.s32 $0x7800, s31;
	[sflag:s20] =	ssyncadd.s32 $0xFFFFD800  }
0x71: {  	[spmem:s2] =	stream.indirect.scatter.add.f32 [tilespmem:s22], [sflag:$0x3], $0x80, s30, s21, $0xb8;
	[tilespmem:$0x1F780] =	vst v63  }
0x72: {  	_ =	swait.ge [sflag:s18], $0x2800  }
0x73: {  	s26 =	sadd.s32 $0xA0, s26;
	[sflag:s18] =	ssyncset.done $0x0  }
0x74: {  	s29 =	sadd.s32 $0xFFFFFFB0, s26;
	[sflag:s18] =	ssyncadd.s32 $0xFFFFD800  }
0x75: {  	[tilespmem:s22], [sflag:$0x2] =	stream.indirect.gather [hbm4b:s4+s21], $0x80, s29, s21, $0xb8;
	[tilespmem:$0x1F780] =	vst v63  }
0x76: {  	_ =	swait.ge [sflag:s23], $0x2800  }
0x77: {  	s28 =	sshra.s32 s28, $0x2;
	[sflag:s23] =	ssyncset.done $0x0  }
0x78: {  	s31 =	sadd.s32 $0x7780, s28;
	[sflag:s23] =	ssyncadd.s32 $0xFFFFD800  }
0x79: {  	[spmem:s2] =	stream.indirect.scatter.add.f32 [tilespmem:s3], [sflag:$0x3], $0x80, s31, s21, $0xb8;
	[tilespmem:$0x1F780] =	vst v63  }
0x7a: {  	_ =	swait.ge [sflag:s18], $0x2800  }
0x7b: {  	[sflag:s18] =	ssyncset.done $0x0  }
0x7c: {  	[sflag:s18] =	ssyncadd.s32 $0xFFFFD800  }
0x7d: {  	[tilespmem:s3], [sflag:$0x1] =	stream.indirect.gather [hbm4b:s4+s21], $0x80, s26, s21, $0xb8;
	[tilespmem:$0x1F780] =	vst v63  }
0x7e: {  	_ =	swait.ge [sflag:s20], $0x2800  }
0x7f: {  	[sflag:s20] =	ssyncset.done $0x0  }
0x80: {  	s29 =	sadd.s32 $0x7800, s28;
	[sflag:s20] =	ssyncadd.s32 $0xFFFFD800  }
0x81: {  	[spmem:s2] =	stream.indirect.scatter.add.f32 [tilespmem:s22], [sflag:$0x3], $0x80, s29, s21, $0xb8;
	[tilespmem:$0x1F780] =	vst v63  }
0x82: {  	_ =	swait.ge [sflag:s18], $0x2800  }
0x83: {  	[sflag:s18] =	ssyncset.done $0x0  }
0x84: {  	[sflag:s18] =	ssyncadd.s32 $0xFFFFD800  }
0x85: {  	_ =	swait.ge [sflag:s23], $0x2800  }
0x86: {  	[sflag:s23] =	ssyncset.done $0x0  }
0x87: {  	[sflag:s23] =	ssyncadd.s32 $0xFFFFD800  }
0x88: {  	[spmem:s2] =	stream.indirect.scatter.add.f32 [tilespmem:s3], [sflag:$0x3], $0x80, s24, s21, $0xb8;
	[tilespmem:$0x1F780] =	vst v63  }
0x89: {  	_ =	swait.ge [sflag:s18], $0x2800  }
0x8a: {  	s30 =	sshll.u32 s0, $0x6;
	s25 =	sadd.s32 $0x1, s25;
	[sflag:s18] =	ssyncset.done $0x0  }
0x8b: {  	p0 =	sne.s32 s25, s16;
	s31 =	sshrl.u32 s5, $0x3;
	[sflag:s18] =	ssyncadd.s32 $0xFFFFD800  }
.Ltmp2:
0x8c: {  	s26 =	sor.u32 $0x1C03, s30;
	[bflag:$0x0] =	sbarrier.arrive $0xFFFF;
	(pc) =	sbr.rel @p0 .LBB2_1-.Ltmp2, $4  }
0x8d: {  	[hbm:s15], [sflag:s26] =	dma.local [spmem:s31], $0x2800  }
0x8e: {  	_ =	swait.ge [sflag:s18], $0x2800  }
0x8f: {  	[sflag:s18] =	ssyncset.done $0x0  }
0x90: {  	[sflag:s18] =	ssyncadd.s32 $0xFFFFD800  }
0x91: {  	_ =	sfence.sel $0x180000  }
0x92: {  	[bflag:$0x0] =	sbarrier.arrive $0xFFFF  }
0x93: {  	p0 =	sne.s32 s0, $0x0;
	_ =	strace $0x9000004D  }
0x94: {  	s0 =	sadd.s32 @!p0 $0x100000, s1;
	[bflag:$0x2] =	sbarrier.arrive $0xFFFF  }
0x95: {  	[sflag:s0] =	ssyncadd.tile.s32 @!p0 $0x1;
	_ =	shalt  }
.Lfunc_end2:
_tile_overlayer_lowered:
.L_overlay_start_2:
0x96: {  	(tag) =	ssettag $0x2  }
0x97: {  	s0 =	rddreg [dreg:$0x0];
	s2 =	stileid.u32  }
0x98: {  	s1 =	rddreg [dreg:$0x1];
	p0 =	sne.s32 s2, $0x0  }
0x99: {  	s3 =	rddreg [dreg:$0x2];
	[bflag:$0x3] =	sbarrier.arrive $0xFFFF;
	s2 =	simm.s32 @!p0 $0x1C03  }
0x9a: {  	[timem:s3], [sflag:s2] =	dma.local @!p0 [hbm:s0], s1  }
0x9b: {  	s0 =	simm.s32 @!p0 $0x3  }
0x9c: {  	_ =	swait.ge @!p0 [sflag:s0], s1  }
0x9d: {  	s1 =	ssub.s32 @!p0 $0x0, s1;
	[sflag:s0] =	ssyncset.done @!p0 $0x0  }
0x9e: {  	[sflag:s0] =	ssyncadd.s32 @!p0 s1  }
0x9f: {  	[bflag:$0x3] =	sbarrier.arrive $0xFFFF  }
0xa0: {  	_ =	shalt  }

// kernel: kernel.20.cloned.1.call-start
scs
__scs_entry_jumppad:
0x0: {  	(pc) =	sbr.rel $0x88, $3  }
0x1: {  	(tag) =	ssettag $0x0;
	lr =	simm.s32 $0x1  }
0x2: {  	[smem:$0x3F96] =	sst lr;
	_ =	strace $0xD0000000  }
0x3: {  	_ = 	snop  }
0x4: {  	_ = 	snop  }
0x5: {  	_ = 	snop  }
0x6: {  	_ = 	snop  }
0x7: {  	_ = 	snop  }
__scs_overlays_trampoline_lowered:
0x8: {  	[smem:$0x3FA5] =	sst s0  }
0x9: {  	[smem:$0x3FA6] =	sst s1  }
0xa: {  	[smem:$0x3FA7] =	sst s2  }
0xb: {  	[smem:$0x3FA8] =	sst s3  }
0xc: {  	[smem:$0x3FA9] =	sst s4  }
0xd: {  	[smem:$0x3FAA] =	sst s5  }
0xe: {  	[smem:$0x3FAB] =	sst s6  }
0xf: {  	[smem:$0x3FAC] =	sst s7  }
0x10: {  	[smem:$0x3FAD] =	sst s8  }
0x11: {  	[smem:$0x3FAE] =	sst s9;
	s0 =	simm.s32 @!p0 $0x0  }
0x12: {  	s1 =	sld [smem:$0x3F94];
	s0 =	simm.s32 @p0 $0x1  }
0x13: {  	[smem:$0x3FAF] =	sst s0;
	s0 =	simm.s32 @!p1 $0x0  }
0x14: {  	s2 =	sld [smem:$0x3F93];
	s0 =	simm.s32 @p1 $0x1  }
0x15: {  	[smem:$0x3FB0] =	sst s0;
	s0 =	simm.s32 @!p2 $0x0  }
0x16: {  	s3 =	sld [smem:$0x3FDB];
	s0 =	simm.s32 @p2 $0x1  }
0x17: {  	s4 =	simm.s32 $0x1BF5;
	[smem:$0x3FB2] =	sst s0  }
0x18: {  	s0 =	sld [smem:$0x3F95];
	_ =	swait.ge [sflag:s4], $0x0  }
0x19: {  	s7 =	sld [smem:$0x3F96]  }
0x1a: {  	s8 =	sadd.s32 $0xFFFFE003, lr  }
0x1b: {  	s9 =	sadd.s32 $0xFFFFFEF7, lr;
	s5 =	simm.s32 $0xFFFFFFFF;
	p2 =	slt.u32 s8, $0xFFFFF086  }
0x1c: {  	p1 =	slt.u32 s9, $0xF7A;
	s5 =	simm.s32 @!p2 $0x0  }
0x1d: {  	s5 =	simm.s32 @p1 $0x1;
	p0 =	seq.s32 s7, s2  }
0x1e: {  	s7 =	smul.u32 @!p0 $0xF7A, s2;
	p2 =	seq.s32 @!p0 s5, $0x0  }
0x1f: {  	s9 =	smul.u32 $0xF7A, s1;
	s8 =	simm.s32 @!p0 $0x1BF5;
	p2 =	por !p2, p0  }
0x20: {  	[sflag:s8] =	ssyncset.s32 @!p0 $0xFFFFF086;
	s6 =	sadd.s32 @!p0 s3, s7;
	s7 =	simm.s32 @!p0 $0x108  }
0x21: {  	s3 =	sadd.s32 s3, s9;
	s6 =	sadd.s32 @!p0 $0x88, s6;
	s7 =	simm.s32 @p2 $0x1082  }
0x22: {  	[simem:s7], [sflag:s8] =	dma.local @!p0 [hbm:s6], $0xF7A  }
0x23: {  	s9 =	sor.u32 $0xD0000000, s2;
	s6 =	simm.s32 $0x108;
	_ =	swait.ge @!p0 [sflag:s8], $0x0  }
0x24: {  	s3 =	sadd.s32 $0x88, s3;
	s6 =	simm.s32 @!p1 $0x1082;
	[sflag:s4] =	ssyncset.s32 $0xFFFFF086  }
0x25: {  	[simem:s6], [sflag:s4] =	dma.local [hbm:s3], $0xF7A  }
0x26: {  	[smem:$0x3F96] =	sst s1;
	(tag) =	ssettag s2;
	_ =	strace s9  }
0x27: {  	s1 =	sld [smem:$0x3FA6]  }
0x28: {  	s2 =	sld [smem:$0x3FA7]  }
0x29: {  	s4 =	sld [smem:$0x3FA9]  }
0x2a: {  	p0 =	seq.s32 s5, $0x0;
	s5 =	sld [smem:$0x3FAA]  }
0x2b: {  	s6 =	sld [smem:$0x3FAB]  }
0x2c: {  	s7 =	sld [smem:$0x3FAC]  }
0x2d: {  	s3 =	simm.s32 $0x108;
	s8 =	sld [smem:$0x3FAD]  }
0x2e: {  	s3 =	simm.s32 @!p0 $0x1082;
	s9 =	sld [smem:$0x3FAE]  }
0x2f: {  	lr =	sadd.s32 s0, s3;
	s0 =	sld [smem:$0x3FA5]  }
0x30: {  	s3 =	sld [smem:$0x3FA8]  }
0x31: {  	[smem:$0x3FB1] =	sst s10  }
0x32: {  	s10 =	sld [smem:$0x3FAF];
	_ =	sdelay $0x3  }
0x33: {  	p0 =	seq.s32 s10, $0x1;
	s10 =	sld [smem:$0x3FB1];
	_ =	sdelay $0x3  }
0x34: {  	[smem:$0x3FB1] =	sst s10  }
0x35: {  	s10 =	sld [smem:$0x3FB0];
	_ =	sdelay $0x3  }
0x36: {  	p1 =	seq.s32 s10, $0x1;
	s10 =	sld [smem:$0x3FB1];
	_ =	sdelay $0x3  }
0x37: {  	[smem:$0x3FB1] =	sst s10  }
0x38: {  	s10 =	sld [smem:$0x3FB2]  }
0x39: {  	_ = 	snop;
	(pc) =	sbr.ind lr, $3  }
0x3a: {  	_ = 	snop  }
0x3b: {  	_ = 	snop  }
0x3c: {  	p2 =	seq.s32 s10, $0x1;
	s10 =	sld [smem:$0x3FB1]  }
0x3d: {  	_ =	shalt  }
0x3e: {  	_ =	shalt  }
0x3f: {  	_ =	shalt  }
0x40: {  	_ =	shalt  }
0x41: {  	_ =	shalt  }
0x42: {  	_ =	shalt  }
0x43: {  	_ =	shalt  }
0x44: {  	_ =	shalt  }
0x45: {  	_ =	shalt  }
0x46: {  	_ =	shalt  }
0x47: {  	_ =	shalt  }
0x48: {  	_ =	shalt  }
0x49: {  	_ =	shalt  }
0x4a: {  	_ =	shalt  }
0x4b: {  	_ =	shalt  }
0x4c: {  	_ =	shalt  }
0x4d: {  	_ =	shalt  }
0x4e: {  	_ =	shalt  }
0x4f: {  	_ =	shalt  }
0x50: {  	_ =	shalt  }
0x51: {  	_ =	shalt  }
0x52: {  	_ =	shalt  }
0x53: {  	_ =	shalt  }
0x54: {  	_ =	shalt  }
0x55: {  	_ =	shalt  }
0x56: {  	_ =	shalt  }
0x57: {  	_ =	shalt  }
0x58: {  	_ =	shalt  }
0x59: {  	_ =	shalt  }
0x5a: {  	_ =	shalt  }
0x5b: {  	_ =	shalt  }
0x5c: {  	_ =	shalt  }
0x5d: {  	_ =	shalt  }
0x5e: {  	_ =	shalt  }
0x5f: {  	_ =	shalt  }
0x60: {  	_ =	shalt  }
0x61: {  	_ =	shalt  }
0x62: {  	_ =	shalt  }
0x63: {  	_ =	shalt  }
0x64: {  	_ =	shalt  }
0x65: {  	_ =	shalt  }
0x66: {  	_ =	shalt  }
0x67: {  	_ =	shalt  }
0x68: {  	_ =	shalt  }
0x69: {  	_ =	shalt  }
0x6a: {  	_ =	shalt  }
0x6b: {  	_ =	shalt  }
0x6c: {  	_ =	shalt  }
0x6d: {  	_ =	shalt  }
0x6e: {  	_ =	shalt  }
0x6f: {  	_ =	shalt  }
0x70: {  	_ =	shalt  }
0x71: {  	_ =	shalt  }
0x72: {  	_ =	shalt  }
0x73: {  	_ =	shalt  }
0x74: {  	_ =	shalt  }
0x75: {  	_ =	shalt  }
0x76: {  	_ =	shalt  }
0x77: {  	_ =	shalt  }
0x78: {  	_ =	shalt  }
0x79: {  	_ =	shalt  }
0x7a: {  	_ =	shalt  }
0x7b: {  	_ =	shalt  }
0x7c: {  	_ =	shalt  }
0x7d: {  	_ =	shalt  }
0x7e: {  	_ =	shalt  }
0x7f: {  	_ =	shalt  }
0x80: {  	_ =	shalt  }
0x81: {  	_ =	shalt  }
0x82: {  	_ =	shalt  }
0x83: {  	_ =	shalt  }
0x84: {  	_ =	shalt  }
0x85: {  	_ =	shalt  }
0x86: {  	_ =	shalt  }
0x87: {  	_ =	shalt  }
.Lfunc_end0:
.L_simem_size_0:
called_computation.3_lowered:
.L_overlay_start_0:
0x88: {  	s2 =	sld [smem:$0x3FD9]  }
0x89: {  	s3 =	sld [smem:$0x3FFE];
	_ =	sdelay $0x1  }
0x8a: {  	s1 =	srdreg.scid  }
0x8b: {  	s0 =	sand.u32 $0x1, s1  }
0x8c: {  	s16 =	sshll.u32 s0, $0xA;
	s2 =	sadd.s32 s3, s2  }
0x8d: {  	s2 =	sadd.s32 s2, s16  }
0x8e: {  	[smem:$0x3FBD] =	sst s2  }
0x8f: {  	_ = 	snop  }
0x90: {  	(tm) =	ssettm $0x1  }
0x91: {  	s17 =	sld [smem:$0x3FFB];
	_ =	sdelay $0x3  }
0x92: {  	_ =	strace s17  }
0x93: {  	s2 =	sld [smem:$0x3FFC];
	_ =	sdelay $0x3  }
0x94: {  	_ =	strace s2  }
0x95: {  	s2 =	sld [smem:$0x3FFD];
	_ =	sdelay $0x3  }
0x96: {  	_ =	strace s2  }
0x97: {  	_ =	strace $0x8FFFFFFF  }
0x98: {  	s18 =	sld [smem:$0x3FDB];
	_ =	sdelay $0x1  }
0x99: {  	s19 =	simm.s32 $_scs_section_size  }
0x9a: {  	s4 =	simm.s32 $_size__tile_overlayer_lowered;
	s5 =	simm.s32 $_tile_overlayer_lowered  }
0x9b: {  	s22 =	simm.s32 $0x1BFF;
	s21 =	sshll.u32 s5, $0x1;
	s2 =	sadd.s32 s19, s18  }
0x9c: {  	s6 =	simm.s32 $0x0;
	s20 =	sshll.u32 s4, $0x1;
	s4 =	sadd.s32 s21, s2  }
0x9d: {  	[timem:s6], [sflag:s22] =	dma.local [hbm:s4], s20  }
0x9e: {  	_ =	swait.ge [sflag:s22], s20  }
0x9f: {  	s3 =	ssub.s32 $0x0, s20;
	[sflag:s22] =	ssyncset.done $0x0  }
0xa0: {  	[sflag:s22] =	ssyncadd.s32 s3;
	_ =	sdelay $0x1  }
0xa1: {  	s23 =	simm.s32 $0x1B8B  }
0xa2: {  	_ =	swait.ge [sflag:s23], $0x1  }
0xa3: {  	[sflag:s23] =	ssyncset.done $0x0  }
0xa4: {  	s25 =	simm.s32 $0x1B8E;
	s24 =	sld [smem:$0x3FFE];
	[sflag:s23] =	ssyncadd.s32 $0xFFFFFFFF  }
0xa5: {  	s26 =	simm.s32 $execute0_lowered;
	[smem:$0x3FD2] =	sst s25  }
0xa6: {  	s4 =	sshll.u32 s26, $0x1;
	_ =	strace $0x8000004F;
	[dreg:$0x1] =	wrdreg $0xFFFFFFFF  }
0xa7: {  	s28 =	simm.s32 $_size_execute0_lowered;
	s2 =	sadd.s32 s2, s4;
	[dreg:$0x0] =	wrdreg $0x0  }
0xa8: {  	s4 =	sshll.u32 s28, $0x1;
	[dreg:$0x2] =	wrdreg s2  }
0xa9: {  	[dreg:$0x3] =	wrdreg s4  }
0xaa: {  	[dreg:$0x4] =	wrdreg $0xC0  }
0xab: {  	_ =	task [dreg:s6], $0x5FFFF  }
0xac: {  	[dreg:$0x1] =	wrdreg $0xFFFFFFFF  }
0xad: {  	[dreg:$0x0] =	wrdreg $0x60  }
0xae: {  	[dreg:$0x2] =	wrdreg s24  }
0xaf: {  	[dreg:$0x3] =	wrdreg $0xB7800  }
0xb0: {  	[dreg:$0x4] =	wrdreg $0x9  }
0xb1: {  	_ =	task.clear_ibuf [dreg:s6], $0x5FFFF;
	_ =	strace $0x9000004F  }
0xb2: {  	s29 =	simm.s32 $0x9;
	_ =	strace $0x80000051  }
0xb3: {  	_ =	swait.ge [sflag:s29], $0x1  }
0xb4: {  	[sflag:s29] =	ssyncadd.s32 $0xFFFFFFFF  }
0xb5: {  	_ =	strace $0x90000051  }
0xb6: {  	_ =	sfence  }
0xb7: {  	s30 =	sld [smem:$0x0];
	_ =	sdelay $0x2  }
0xb8: {  	s31 =	sshll.u32 s1, $0xD;
	s1 =	sshrl.u32 s1, $0x2  }
0xb9: {  	s3 =	sand.u32 $0x4000, s31;
	s1 =	sadd.s32 s1, s30  }
0xba: {  	s0 =	sor.u32 s3, s0;
	s1 =	sshll.u32 s1, $0x11  }
0xbb: {  	s0 =	sor.u32 s1, s0  }
0xbc: {  	s0 =	sadd.s32 $0x8F2B, s0  }
0xbd: {  	[sflag:s0] =	ssyncadd.remote.s32 $0x1  }
0xbe: {  	_ =	sfence.sel $0xFFFF  }
0xbf: {  	[dreg:$0x0] =	wrdreg $0xFFFFFFFF;
	(pc) =	sbr.abs _section_cstart, $3  }
0xc0: {  	[dreg:$0x1] =	wrdreg $0xFFFFFFFF  }
0xc1: {  	_ =	task.clear_ibuf [dreg:s6], $0x2FFFF;
	_ =	strace $0x9FFFFFFF  }
0xc2: {  	(tm) =	ssettm $0x7FFFFFFF  }
0xc3: {  	_ =	shalt  }
tec
execute0_lowered:
.L_overlay_start_1:
0x0: {  	(tag) =	ssettag $0x1  }
0x1: {  	s0 =	srdreg.scid;
	s6 =	rddreg [dreg:$0x0]  }
0x2: {  	s2 =	rddreg [dreg:$0x1];
	s3 =	simm.s32 $0x0;
	s17 =	simm.s32 $0x5000  }
0x3: {  	s18 =	simm.s32 $0x3;
	s19 =	simm.s32 $0x7780;
	s20 =	simm.s32 $0x2  }
0x4: {  	s21 =	simm.s32 $0x50;
	s22 =	simm.s32 $0x2800;
	s23 =	simm.s32 $0x1  }
0x5: {  	s24 =	simm.s32 $0xB580;
	s5 =	sand.u32 $0x1, s0;
	s0 =	stileid.u32  }
0x6: {  	s25 =	simm.s32 $0x0;
	[smem:$0x7FF] =	sst s3;
	s9 =	smul.u32 $0x140000, s5  }
0x7: {  	s4 =	sadd.s32 $0x1D000, s6;
	s1 =	sshll.u32 s5, $0x4;
	s10 =	smul.u32 $0x14000, s0  }
0x8: {  	s11 =	smul.u32 $0x50000, s0;
	s29 =	ssub.s32 $0x2, s5;
	s7 =	sor.u32 s0, s1  }
0x9: {  	s1 =	rddreg [dreg:$0x2];
	_ =	strace $0x80000050;
	s31 =	sshrl.u32 s29, $0x1  }
0xa: {  	s8 =	smul.u32 $0x4E2, s7;
	s7 =	sshll.u32 s7, $0xB;
	s28 =	sadd.s32 s10, s9  }
0xb: {  	s30 =	sshrl.u32 s11, $0x2;
	s16 =	ssub.s32 s29, s31;
	s14 =	sadd.s32 s7, s6  }
0xc: {  	s7 =	sshrl.u32 s28, $0x3;
	s5 =	sadd.s32 s30, s2;
	s16 =	smax.u32 s16, $0x1  }
0xd: {  	s13 =	sadd.s32 s8, s6;
	s15 =	sadd.s32 s7, s6;
	s6 =	sadd.s32 $0x2800, s5  }
0xe: {  	s7 =	sadd.s32 $0x5000, s5;
	s8 =	sadd.s32 $0x7800, s5;
	s9 =	sadd.s32 $0xA000, s5  }
0xf: {  	s10 =	sadd.s32 $0xC800, s5;
	s11 =	sadd.s32 $0xF000, s5;
	s12 =	sadd.s32 $0x11800, s5  }
0x10: {  	v0 =	vimm.f32 $0.0e+00;
	s14 =	sadd.s32 $0xD000, s14;
	s13 =	sadd.s32 $0x3200, s13;
	s15 =	sadd.s32 $0x44200, s15  }
.LBB2_1:
0x11: {  	s26 =	simm.s32 $0x0;
	s28 =	simm.s32 $0x200  }
.LBB2_2:
0x12: {  	p0 =	sne.s32 s28, $0x9E00;
	[tilespmem:s26+$0x70] =	vst v0  }
0x13: {  	[tilespmem:s26+$0x0] =	vst v0  }
0x14: {  	[tilespmem:s26+$0x10] =	vst v0  }
.Ltmp0:
0x15: {  	[tilespmem:s26+$0x20] =	vst v0;
	(pc) =	sbr.rel @p0 .LBB2_2-.Ltmp0, $4  }
0x16: {  	[tilespmem:s26+$0x30] =	vst v0  }
0x17: {  	[tilespmem:s26+$0x40] =	vst v0  }
0x18: {  	[tilespmem:s26+$0x50] =	vst v0  }
0x19: {  	[tilespmem:s26+$0x60] =	vst v0;
	s26 =	sshra.s32 s28, $0x2;
	s28 =	sadd.s32 $0x200, s28  }
0x1a: {  	[tilespmem:s26+$0x70] =	vst v0  }
0x1b: {  	[tilespmem:s26+$0x0] =	vst v0  }
0x1c: {  	[tilespmem:s26+$0x10] =	vst v0  }
0x1d: {  	[tilespmem:s26+$0x20] =	vst v0  }
0x1e: {  	[tilespmem:s26+$0x30] =	vst v0  }
0x1f: {  	[tilespmem:s26+$0x40] =	vst v0  }
0x20: {  	[tilespmem:s26+$0x50] =	vst v0  }
0x21: {  	[tilespmem:s26+$0x60] =	vst v0;
	s31 =	simm.s32 $0x0  }
0x22: {  	[spmem:s5] =	stream.linear.scatter [tilespmem:s31], [sflag:$0x2], $0x2800, $0x38;
	[tilespmem:$0x1F780] =	vst v63  }
0x23: {  	_ = 	snop  }
0x24: {  	[spmem:s6] =	stream.linear.scatter [tilespmem:s31], [sflag:$0x2], $0x2800, $0x38;
	[tilespmem:$0x1F780] =	vst v63  }
0x25: {  	_ = 	snop  }
0x26: {  	[spmem:s7] =	stream.linear.scatter [tilespmem:s31], [sflag:$0x2], $0x2800, $0x38;
	[tilespmem:$0x1F780] =	vst v63  }
0x27: {  	_ = 	snop  }
0x28: {  	[spmem:s8] =	stream.linear.scatter [tilespmem:s31], [sflag:$0x2], $0x2800, $0x38;
	[tilespmem:$0x1F780] =	vst v63  }
0x29: {  	_ = 	snop  }
0x2a: {  	[spmem:s9] =	stream.linear.scatter [tilespmem:s31], [sflag:$0x2], $0x2800, $0x38;
	[tilespmem:$0x1F780] =	vst v63  }
0x2b: {  	_ = 	snop  }
0x2c: {  	[spmem:s10] =	stream.linear.scatter [tilespmem:s31], [sflag:$0x2], $0x2800, $0x38;
	[tilespmem:$0x1F780] =	vst v63  }
0x2d: {  	_ = 	snop  }
0x2e: {  	[spmem:s11] =	stream.linear.scatter [tilespmem:s31], [sflag:$0x2], $0x2800, $0x38;
	[tilespmem:$0x1F780] =	vst v63  }
0x2f: {  	_ = 	snop  }
0x30: {  	[spmem:s12] =	stream.linear.scatter [tilespmem:s31], [sflag:$0x2], $0x2800, $0x38;
	[tilespmem:$0x1F780] =	vst v63  }
0x31: {  	_ = 	snop  }
0x32: {  	[tilespmem:s17], [sflag:$0x3] =	stream.linear.gather [hbm4b:s13+s31], $0x2710, $0x38;
	[tilespmem:$0x1F780] =	vst v63  }
0x33: {  	_ =	swait.ge [sflag:s18], $0x2710  }
0x34: {  	[sflag:s18] =	ssyncset.done $0x0  }
0x35: {  	[sflag:s18] =	ssyncadd.s32 $0xFFFFD8F0  }
0x36: {  	[tilespmem:s19], [sflag:$0x3] =	stream.linear.gather [hbm4b:s14+s31], $0x3E80, $0x38;
	[tilespmem:$0x1F780] =	vst v63  }
0x37: {  	_ =	swait.ge [sflag:s18], $0x3E80  }
0x38: {  	[sflag:s18] =	ssyncset.done $0x0  }
0x39: {  	[sflag:s18] =	ssyncadd.s32 $0xFFFFC180  }
0x3a: {  	_ =	swait.ge [sflag:s20], $0x2800  }
0x3b: {  	[sflag:s20] =	ssyncset.done $0x0  }
0x3c: {  	[sflag:s20] =	ssyncadd.s32 $0xFFFFD800  }
0x3d: {  	_ =	swait.ge [sflag:s20], $0x2800  }
0x3e: {  	[sflag:s20] =	ssyncset.done $0x0  }
0x3f: {  	[sflag:s20] =	ssyncadd.s32 $0xFFFFD800  }
0x40: {  	_ =	swait.ge [sflag:s20], $0x2800  }
0x41: {  	[sflag:s20] =	ssyncset.done $0x0  }
0x42: {  	[sflag:s20] =	ssyncadd.s32 $0xFFFFD800  }
0x43: {  	_ =	swait.ge [sflag:s20], $0x2800  }
0x44: {  	[sflag:s20] =	ssyncset.done $0x0  }
0x45: {  	[sflag:s20] =	ssyncadd.s32 $0xFFFFD800  }
0x46: {  	_ =	swait.ge [sflag:s20], $0x2800  }
0x47: {  	[sflag:s20] =	ssyncset.done $0x0  }
0x48: {  	[sflag:s20] =	ssyncadd.s32 $0xFFFFD800  }
0x49: {  	_ =	swait.ge [sflag:s20], $0x2800  }
0x4a: {  	[sflag:s20] =	ssyncset.done $0x0  }
0x4b: {  	[sflag:s20] =	ssyncadd.s32 $0xFFFFD800  }
0x4c: {  	_ =	swait.ge [sflag:s20], $0x2800  }
0x4d: {  	[sflag:s20] =	ssyncset.done $0x0  }
0x4e: {  	[sflag:s20] =	ssyncadd.s32 $0xFFFFD800  }
0x4f: {  	_ =	swait.ge [sflag:s20], $0x2800  }
0x50: {  	[sflag:s20] =	ssyncset.done $0x0  }
0x51: {  	[sflag:s20] =	ssyncadd.s32 $0xFFFFD800  }
0x52: {  	[bflag:$0x0] =	sbarrier.arrive $0xFFFF  }
0x53: {  	[tilespmem:s31], [sflag:$0x1] =	stream.indirect.gather [hbm4b:s4+s21], $0x80, s17, s21, $0xb8;
	[tilespmem:$0x1F780] =	vst v63  }
0x54: {  	s30 =	simm.s32 $0x5050  }
0x55: {  	[tilespmem:s22], [sflag:$0x2] =	stream.indirect.gather [hbm4b:s4+s21], $0x80, s30, s21, $0xb8;
	[tilespmem:$0x1F780] =	vst v63  }
0x56: {  	_ =	swait.ge [sflag:s23], $0x2800  }
0x57: {  	[sflag:s23] =	ssyncset.done $0x0  }
0x58: {  	s31 =	simm.s32 $0x7780;
	[sflag:s23] =	ssyncadd.s32 $0xFFFFD800  }
0x59: {  	[spmem:s2] =	stream.indirect.scatter.add.f32 [tilespmem:s3], [sflag:$0x3], $0x80, s31, s21, $0xb8;
	[tilespmem:$0x1F780] =	vst v63  }
0x5a: {  	_ =	swait.ge [sflag:s18], $0x2800  }
0x5b: {  	[sflag:s18] =	ssyncset.done $0x0  }
0x5c: {  	s30 =	simm.s32 $0x50A0;
	[sflag:s18] =	ssyncadd.s32 $0xFFFFD800  }
0x5d: {  	[tilespmem:s3], [sflag:$0x1] =	stream.indirect.gather [hbm4b:s4+s21], $0x80, s30, s21, $0xb8;
	[tilespmem:$0x1F780] =	vst v63  }
0x5e: {  	_ =	swait.ge [sflag:s20], $0x2800  }
0x5f: {  	[sflag:s20] =	ssyncset.done $0x0  }
0x60: {  	s31 =	simm.s32 $0x7800;
	[sflag:s20] =	ssyncadd.s32 $0xFFFFD800  }
0x61: {  	[spmem:s2] =	stream.indirect.scatter.add.f32 [tilespmem:s22], [sflag:$0x3], $0x80, s31, s21, $0xb8;
	[tilespmem:$0x1F780] =	vst v63  }
0x62: {  	s28 =	simm.s32 $0x400;
	_ =	swait.ge [sflag:s18], $0x2800  }
0x63: {  	s29 =	simm.s32 $0x800;
	s26 =	simm.s32 $0x5140;
	[sflag:s18] =	ssyncset.done $0x0  }
.LBB2_4:
0x64: {  	p0 =	sne.s32 s29, $0xF400;
	s30 =	sadd.s32 $0xFFFFFFB0, s26;
	[sflag:s18] =	ssyncadd.s32 $0xFFFFD800  }
0x65: {  	[tilespmem:s22], [sflag:$0x2] =	stream.indirect.gather [hbm4b:s4+s21], $0x80, s30, s21, $0xb8;
	[tilespmem:$0x1F780] =	vst v63  }
0x66: {  	s30 =	smov.u32 s29;
	s29 =	sadd.s32 $0x400, s29;
	_ =	swait.ge [sflag:s23], $0x2800  }
0x67: {  	s31 =	sshra.s32 s28, $0x2;
	s28 =	smov.u32 s30;
	[sflag:s23] =	ssyncset.done $0x0  }
0x68: {  	s30 =	sadd.s32 $0x7780, s31;
	[sflag:s23] =	ssyncadd.s32 $0xFFFFD800  }
0x69: {  	[spmem:s2] =	stream.indirect.scatter.add.f32 [tilespmem:s3], [sflag:$0x3], $0x80, s30, s21, $0xb8;
	[tilespmem:$0x1F780] =	vst v63  }
0x6a: {  	_ =	swait.ge [sflag:s18], $0x2800  }
0x6b: {  	[sflag:s18] =	ssyncset.done $0x0  }
0x6c: {  	[sflag:s18] =	ssyncadd.s32 $0xFFFFD800  }
0x6d: {  	[tilespmem:s3], [sflag:$0x1] =	stream.indirect.gather [hbm4b:s4+s21], $0x80, s26, s21, $0xb8;
	[tilespmem:$0x1F780] =	vst v63  }
0x6e: {  	_ =	swait.ge [sflag:s20], $0x2800  }
.Ltmp1:
0x6f: {  	[sflag:s20] =	ssyncset.done $0x0;
	(pc) =	sbr.rel @p0 .LBB2_4-.Ltmp1, $4  }
0x70: {  	s30 =	sadd.s32 $0x7800, s31;
	[sflag:s20] =	ssyncadd.s32 $0xFFFFD800  }
0x71: {  	[spmem:s2] =	stream.indirect.scatter.add.f32 [tilespmem:s22], [sflag:$0x3], $0x80, s30, s21, $0xb8;
	[tilespmem:$0x1F780] =	vst v63  }
0x72: {  	_ =	swait.ge [sflag:s18], $0x2800  }
0x73: {  	s26 =	sadd.s32 $0xA0, s26;
	[sflag:s18] =	ssyncset.done $0x0  }
0x74: {  	s29 =	sadd.s32 $0xFFFFFFB0, s26;
	[sflag:s18] =	ssyncadd.s32 $0xFFFFD800  }
0x75: {  	[tilespmem:s22], [sflag:$0x2] =	stream.indirect.gather [hbm4b:s4+s21], $0x80, s29, s21, $0xb8;
	[tilespmem:$0x1F780] =	vst v63  }
0x76: {  	_ =	swait.ge [sflag:s23], $0x2800  }
0x77: {  	s28 =	sshra.s32 s28, $0x2;
	[sflag:s23] =	ssyncset.done $0x0  }
0x78: {  	s31 =	sadd.s32 $0x7780, s28;
	[sflag:s23] =	ssyncadd.s32 $0xFFFFD800  }
0x79: {  	[spmem:s2] =	stream.indirect.scatter.add.f32 [tilespmem:s3], [sflag:$0x3], $0x80, s31, s21, $0xb8;
	[tilespmem:$0x1F780] =	vst v63  }
0x7a: {  	_ =	swait.ge [sflag:s18], $0x2800  }
0x7b: {  	[sflag:s18] =	ssyncset.done $0x0  }
0x7c: {  	[sflag:s18] =	ssyncadd.s32 $0xFFFFD800  }
0x7d: {  	[tilespmem:s3], [sflag:$0x1] =	stream.indirect.gather [hbm4b:s4+s21], $0x80, s26, s21, $0xb8;
	[tilespmem:$0x1F780] =	vst v63  }
0x7e: {  	_ =	swait.ge [sflag:s20], $0x2800  }
0x7f: {  	[sflag:s20] =	ssyncset.done $0x0  }
0x80: {  	s29 =	sadd.s32 $0x7800, s28;
	[sflag:s20] =	ssyncadd.s32 $0xFFFFD800  }
0x81: {  	[spmem:s2] =	stream.indirect.scatter.add.f32 [tilespmem:s22], [sflag:$0x3], $0x80, s29, s21, $0xb8;
	[tilespmem:$0x1F780] =	vst v63  }
0x82: {  	_ =	swait.ge [sflag:s18], $0x2800  }
0x83: {  	[sflag:s18] =	ssyncset.done $0x0  }
0x84: {  	[sflag:s18] =	ssyncadd.s32 $0xFFFFD800  }
0x85: {  	_ =	swait.ge [sflag:s23], $0x2800  }
0x86: {  	[sflag:s23] =	ssyncset.done $0x0  }
0x87: {  	[sflag:s23] =	ssyncadd.s32 $0xFFFFD800  }
0x88: {  	[spmem:s2] =	stream.indirect.scatter.add.f32 [tilespmem:s3], [sflag:$0x3], $0x80, s24, s21, $0xb8;
	[tilespmem:$0x1F780] =	vst v63  }
0x89: {  	_ =	swait.ge [sflag:s18], $0x2800  }
0x8a: {  	s30 =	sshll.u32 s0, $0x6;
	s25 =	sadd.s32 $0x1, s25;
	[sflag:s18] =	ssyncset.done $0x0  }
0x8b: {  	p0 =	sne.s32 s25, s16;
	s31 =	sshrl.u32 s5, $0x3;
	[sflag:s18] =	ssyncadd.s32 $0xFFFFD800  }
.Ltmp2:
0x8c: {  	s26 =	sor.u32 $0x1C03, s30;
	[bflag:$0x0] =	sbarrier.arrive $0xFFFF;
	(pc) =	sbr.rel @p0 .LBB2_1-.Ltmp2, $4  }
0x8d: {  	[hbm:s15], [sflag:s26] =	dma.local [spmem:s31], $0x2800  }
0x8e: {  	_ =	swait.ge [sflag:s18], $0x2800  }
0x8f: {  	[sflag:s18] =	ssyncset.done $0x0  }
0x90: {  	[sflag:s18] =	ssyncadd.s32 $0xFFFFD800  }
0x91: {  	_ =	sfence.sel $0x180000  }
0x92: {  	[bflag:$0x0] =	sbarrier.arrive $0xFFFF  }
0x93: {  	p0 =	sne.s32 s0, $0x0;
	_ =	strace $0x90000050  }
0x94: {  	s0 =	sadd.s32 @!p0 $0x100000, s1;
	[bflag:$0x2] =	sbarrier.arrive $0xFFFF  }
0x95: {  	[sflag:s0] =	ssyncadd.tile.s32 @!p0 $0x1;
	_ =	shalt  }
.Lfunc_end2:
_tile_overlayer_lowered:
.L_overlay_start_2:
0x96: {  	(tag) =	ssettag $0x2  }
0x97: {  	s0 =	rddreg [dreg:$0x0];
	s2 =	stileid.u32  }
0x98: {  	s1 =	rddreg [dreg:$0x1];
	p0 =	sne.s32 s2, $0x0  }
0x99: {  	s3 =	rddreg [dreg:$0x2];
	[bflag:$0x3] =	sbarrier.arrive $0xFFFF;
	s2 =	simm.s32 @!p0 $0x1C03  }
0x9a: {  	[timem:s3], [sflag:s2] =	dma.local @!p0 [hbm:s0], s1  }
0x9b: {  	s0 =	simm.s32 @!p0 $0x3  }
0x9c: {  	_ =	swait.ge @!p0 [sflag:s0], s1  }
0x9d: {  	s1 =	ssub.s32 @!p0 $0x0, s1;
	[sflag:s0] =	ssyncset.done @!p0 $0x0  }
0x9e: {  	[sflag:s0] =	ssyncadd.s32 @!p0 s1  }
0x9f: {  	[bflag:$0x3] =	sbarrier.arrive $0xFFFF  }
0xa0: {  	_ =	shalt  }

</sc_bundles>
